<compile_context>
chip_gen: v7x
topology: tpu7x:2x2x1
jax: 0.10.2.dev20260603
libtpu: 0.0.44.dev20260713+nightly
codegen_flags: <defaults>
</compile_context>

<pallas_src>
import functools

import jax
import jax.numpy as jnp
from jax import lax
from jax.experimental import pallas as pl
from jax.experimental.pallas import tpu as pltpu
from jax.experimental.pallas import tpu_sc as plsc

BS = 32
P = 196
D = 32
K = 512
PS = 16
NROW = 14
IMG = 224
RPI = IMG * NROW
NCHUNK = 28
CH = RPI // NCHUNK
RB = 784


def _assign_body(x_ref, c_ref, o_ref):
    c = c_ref[...]
    cn = jnp.sum(c * c, axis=0)
    xt = x_ref[0]
    s = cn[None, :] - 2.0 * lax.dot_general(
        xt, c, (((0,), (0,)), ((), ())),
        preferred_element_type=jnp.float32,
        precision=lax.Precision.HIGHEST)
    amax = jnp.argmax(s, axis=1).astype(jnp.int32)
    io = lax.broadcasted_iota(jnp.int32, (P, PS), 1)
    o_ref[0] = amax[:, None] * 8 + (io % 8) + (io // 8) * 4096


def _transpose_body(l_ref, o_ref):
    o_ref[...] = l_ref[...].T


def _sc_gather_body(a_hbm, t_hbm, out_hbm, a_v, idx_v, rows_v, sem, sem1):
    wid = lax.axis_index("s") * 2 + lax.axis_index("c")
    pltpu.sync_copy(a_hbm.at[wid], a_v)
    for c in range(NROW):
        for r in range(NROW):
            idx_v[pl.ds(c * IMG + r * PS, PS)] = \
                a_v[pl.ds((r * NROW + c) * PS, PS)]
    cps = [pltpu.async_copy(t_hbm.at[idx_v.at[pl.ds(j * CH, CH)]],
                            rows_v.at[pl.ds(j * CH, CH)], sem)
           for j in range(NCHUNK)]
    for cp in cps:
        cp.wait()
    ocps = [pltpu.async_copy(rows_v.at[pl.ds(c * IMG, IMG)],
                             out_hbm.at[wid, :, pl.ds(c * PS, PS)], sem1)
            for c in range(NROW)]
    for cp in ocps:
        cp.wait()


@functools.cache
def _sc_gather():
    return pl.kernel(
        _sc_gather_body,
        out_type=jax.ShapeDtypeStruct((BS, IMG, IMG), jnp.int32),
        mesh=plsc.VectorSubcoreMesh(core_axis_name="c", subcore_axis_name="s"),
        compiler_params=pltpu.CompilerParams(use_tc_tiling_on_sc=False),
        scratch_types=[
            pltpu.VMEM((P * PS,), jnp.int32),
            pltpu.VMEM((RPI,), jnp.int32),
            pltpu.VMEM((RPI, PS), jnp.int32),
            pltpu.SemaphoreType.DMA,
            pltpu.SemaphoreType.DMA,
        ],
    )


def kernel(image, centroids, cluster_labels):
    assign = pl.pallas_call(
        _assign_body,
        grid=(BS,),
        in_specs=[
            pl.BlockSpec((1, D, P), lambda b: (b, 0, 0)),
            pl.BlockSpec((D, K), lambda b: (0, 0)),
        ],
        out_specs=pl.BlockSpec((1, P, PS), lambda b: (b, 0, 0)),
        out_shape=jax.ShapeDtypeStruct((BS, P, PS), jnp.int32),
    )(image.transpose(0, 2, 1), centroids)
    labels_t = pl.pallas_call(
        _transpose_body,
        grid=(2,),
        in_specs=[pl.BlockSpec((K // 4, K), lambda h: (h, 0))],
        out_specs=pl.BlockSpec((K, K // 4), lambda h: (h, 0)),
        out_shape=jax.ShapeDtypeStruct((2 * K, K // 4), jnp.int32),
    )(cluster_labels)
    return _sc_gather()(assign.reshape(BS, P * PS),
                        labels_t.reshape(K * PS, PS))

# --- scband reference (transcript-rebuilt; emitter-appended) ---
"""Pipeline reference for scband-kmeans-segmentator-32950989095152 (READ-ONLY COPY).

The authoritative reference and input builder live on the scoring server;
editing this copy changes nothing except your own understanding.
"""

import jax, jax.numpy as jnp
import numpy as np

BS = 32      # batch size
P = 196      # num_patches = (224/16)^2
D = 32       # embed_dim (code_dim)
K = 512      # number of clusters
PS = 16      # patch_size
NROW = 14    # img_size // patch_size
NC = 21      # num_classes


def setup_inputs(seed: int = 0) -> dict:
    key = jax.random.key(seed)
    k1, k2, k3 = jax.random.split(key, 3)
    image = jax.random.normal(k1, (BS, P, D), dtype=jnp.float32)
    centroids = jax.random.normal(k2, (D, K), dtype=jnp.float32)
    cluster_labels = jax.random.randint(k3, (PS * PS, K), 0, NC, dtype=jnp.int32)
    return {"image": image, "centroids": centroids, "cluster_labels": cluster_labels}


def reference(image, centroids, cluster_labels):
    # feat: [BS, P, D, 1]; backbone feature extraction is modeled as identity
    # (image input IS the extracted per-patch feature tensor).
    feat = image[..., None]
    # centroids broadcast to [BS, P, D, K]
    c = centroids[None, None, :, :]
    # l2_distance with dim=2 (sum over embed_dim) -> [BS, P, K]
    l2_dists = jnp.sum((c - feat) ** 2, axis=2)
    # NOTE: original forward uses argmax (kept faithful) -> [BS, P]
    assignment = jnp.argmax(l2_dists, axis=2)
    # gather cluster_labels[pixel, assignment] -> [BS, P, PS*PS]
    pix = jnp.arange(PS * PS)
    patch_preds = cluster_labels[pix[None, None, :], assignment[:, :, None]]
    # reshape to patches and tile into image grid (make_grid, nrow=14, padding=0)
    patch_preds = patch_preds.reshape(BS, NROW, NROW, PS, PS)
    pred = patch_preds.transpose(0, 1, 3, 2, 4).reshape(BS, NROW * PS, NROW * PS)
    return pred

if __name__ == "__main__":
    import jax
    _d = setup_inputs()
    print(jax.jit(kernel)(*tuple(_d.values())))

</pallas_src>

<mosaic_0001>
#map = affine_map<(d0, d1) -> (0, 0)>
#map1 = affine_map<(d0, d1) -> (0, 0, 0)>
module attributes {stable_mosaic.version = 14 : i64} {
  func.func @_sc_gather_body(%arg0: i32, %arg1: i32, %arg2: memref<32x3136xi32, #tpu.memory_space<hbm>>, %arg3: memref<8192x16xi32, #tpu.memory_space<hbm>>, %arg4: memref<32x224x224xi32, #tpu.memory_space<hbm>>, %arg5: memref<3136xi32, #tpu.memory_space<vmem>>, %arg6: memref<3136xi32, #tpu.memory_space<vmem>>, %arg7: memref<3136x16xi32, #tpu.memory_space<vmem>>, %arg8: memref<!tpu.dma_semaphore, #tpu.memory_space<semaphore_mem>>, %arg9: memref<!tpu.dma_semaphore, #tpu.memory_space<semaphore_mem>>) attributes {dimension_semantics = [#tpu.dimension_semantics<core_parallel>, #tpu.dimension_semantics<subcore_parallel>], iteration_bounds = array<i64: 2, 16>, scalar_prefetch = 0 : i64, scratch_operands = 5 : i64, tpu.core_type = #tpu.core_type<sc_vector_subcore>, window_params = [{transform_indices = #map}, {transform_indices = #map}, {transform_indices = #map1}]} {
    %mul3A = arith.constant 2 : i32
    %mul3A_0 = arith.muli %arg1, %mul3A : i32
    %add3A = arith.addi %mul3A_0, %arg0 : i32
    "tpu.region"() ({
      %run_scoped3A = tpu.sem_alloc : memref<!tpu.dma_semaphore, #tpu.memory_space<semaphore_mem>>
      %dma_start3A_2209 = arith.constant 0 : i32
      %dma_start3A_2210 = tpu.memref_slice %arg2[%add3A, %dma_start3A_2209] : memref<32x3136xi32, #tpu.memory_space<hbm>> -> memref<1x3136xi32, #tpu.memory_space<hbm>>
      %dma_start3A_2211 = tpu.memref_squeeze %dma_start3A_2210 : memref<1x3136xi32, #tpu.memory_space<hbm>> -> memref<3136xi32, #tpu.memory_space<hbm>>
      %dma_start3A_2212 = arith.constant 0 : i32
      %dma_start3A_2213 = tpu.memref_slice %arg2[%add3A, %dma_start3A_2212] : memref<32x3136xi32, #tpu.memory_space<hbm>> -> memref<1x3136xi32, #tpu.memory_space<hbm>>
      %dma_start3A_2214 = tpu.memref_squeeze %dma_start3A_2213 : memref<1x3136xi32, #tpu.memory_space<hbm>> -> memref<3136xi32, #tpu.memory_space<hbm>>
      tpu.enqueue_dma source(%dma_start3A_2214 : memref<3136xi32, #tpu.memory_space<hbm>>) target(%arg5 : memref<3136xi32, #tpu.memory_space<vmem>>) target_semaphore(%run_scoped3A : memref<!tpu.dma_semaphore, #tpu.memory_space<semaphore_mem>>)
      %dma_wait3A_2215 = arith.constant 0 : i32
      %dma_wait3A_2216 = tpu.memref_slice %arg2[%add3A, %dma_wait3A_2215] : memref<32x3136xi32, #tpu.memory_space<hbm>> -> memref<1x3136xi32, #tpu.memory_space<hbm>>
      %dma_wait3A_2217 = tpu.memref_squeeze %dma_wait3A_2216 : memref<1x3136xi32, #tpu.memory_space<hbm>> -> memref<3136xi32, #tpu.memory_space<hbm>>
      %dma_wait3A_2218 = arith.constant 0 : i32
      %dma_wait3A_2219 = tpu.memref_slice %arg2[%add3A, %dma_wait3A_2218] : memref<32x3136xi32, #tpu.memory_space<hbm>> -> memref<1x3136xi32, #tpu.memory_space<hbm>>
      %dma_wait3A_2220 = tpu.memref_squeeze %dma_wait3A_2219 : memref<1x3136xi32, #tpu.memory_space<hbm>> -> memref<3136xi32, #tpu.memory_space<hbm>>
      tpu.wait_dma2 semaphore(%run_scoped3A : memref<!tpu.dma_semaphore, #tpu.memory_space<semaphore_mem>>) src(%dma_wait3A_2220 : memref<3136xi32, #tpu.memory_space<hbm>>) dst(%arg5 : memref<3136xi32, #tpu.memory_space<vmem>>)
      tpu.yield
    }) : () -> ()
    %get3A = arith.constant 0 : index
    %get3A_1 = tpu.vector_load %arg5[%get3A] {strides = array<i32>} : memref<3136xi32, #tpu.memory_space<vmem>>, vector<16xi32>,
    %get3A_2 = vector.shape_cast %get3A_1 : vector<16xi32> to vector<16xi32>
    %swap3A = arith.constant 0 : index
    %swap3A_3 = tpu.vector_load %arg6[%swap3A] {strides = array<i32>} : memref<3136xi32, #tpu.memory_space<vmem>>, vector<16xi32>,
    %swap3A_4 = vector.shape_cast %swap3A_3 : vector<16xi32> to vector<16xi32>
    %swap3A_5 = vector.shape_cast %get3A_2 : vector<16xi32> to vector<16xi32>
    tpu.vector_store %arg6[%swap3A], %swap3A_5 {strides = array<i32>} : memref<3136xi32, #tpu.memory_space<vmem>>, vector<16xi32>,
    %get3A_6 = arith.constant 224 : index
    %get3A_7 = tpu.vector_load %arg5[%get3A_6] {strides = array<i32>} : memref<3136xi32, #tpu.memory_space<vmem>>, vector<16xi32>,
    %get3A_8 = vector.shape_cast %get3A_7 : vector<16xi32> to vector<16xi32>
    %swap3A_9 = arith.constant 16 : index
    %swap3A_10 = tpu.vector_load %arg6[%swap3A_9] {strides = array<i32>} : memref<3136xi32, #tpu.memory_space<vmem>>, vector<16xi32>,
    %swap3A_11 = vector.shape_cast %swap3A_10 : vector<16xi32> to vector<16xi32>
    %swap3A_12 = vector.shape_cast %get3A_8 : vector<16xi32> to vector<16xi32>
    tpu.vector_store %arg6[%swap3A_9], %swap3A_12 {strides = array<i32>} : memref<3136xi32, #tpu.memory_space<vmem>>, vector<16xi32>,
    %get3A_13 = arith.constant 448 : index
    %get3A_14 = tpu.vector_load %arg5[%get3A_13] {strides = array<i32>} : memref<3136xi32, #tpu.memory_space<vmem>>, vector<16xi32>,
    %get3A_15 = vector.shape_cast %get3A_14 : vector<16xi32> to vector<16xi32>
    %swap3A_16 = arith.constant 32 : index
    %swap3A_17 = tpu.vector_load %arg6[%swap3A_16] {strides = array<i32>} : memref<3136xi32, #tpu.memory_space<vmem>>, vector<16xi32>,
    %swap3A_18 = vector.shape_cast %swap3A_17 : vector<16xi32> to vector<16xi32>
    %swap3A_19 = vector.shape_cast %get3A_15 : vector<16xi32> to vector<16xi32>
    tpu.vector_store %arg6[%swap3A_16], %swap3A_19 {strides = array<i32>} : memref<3136xi32, #tpu.memory_space<vmem>>, vector<16xi32>,
    %get3A_20 = arith.constant 672 : index
    %get3A_21 = tpu.vector_load %arg5[%get3A_20] {strides = array<i32>} : memref<3136xi32, #tpu.memory_space<vmem>>, vector<16xi32>,
    %get3A_22 = vector.shape_cast %get3A_21 : vector<16xi32> to vector<16xi32>
    %swap3A_23 = arith.constant 48 : index
    %swap3A_24 = tpu.vector_load %arg6[%swap3A_23] {strides = array<i32>} : memref<3136xi32, #tpu.memory_space<vmem>>, vector<16xi32>,
    %swap3A_25 = vector.shape_cast %swap3A_24 : vector<16xi32> to vector<16xi32>
    %swap3A_26 = vector.shape_cast %get3A_22 : vector<16xi32> to vector<16xi32>
    tpu.vector_store %arg6[%swap3A_23], %swap3A_26 {strides = array<i32>} : memref<3136xi32, #tpu.memory_space<vmem>>, vector<16xi32>,
    %get3A_27 = arith.constant 896 : index
    %get3A_28 = tpu.vector_load %arg5[%get3A_27] {strides = array<i32>} : memref<3136xi32, #tpu.memory_space<vmem>>, vector<16xi32>,
    %get3A_29 = vector.shape_cast %get3A_28 : vector<16xi32> to vector<16xi32>
    %swap3A_30 = arith.constant 64 : index
    %swap3A_31 = tpu.vector_load %arg6[%swap3A_30] {strides = array<i32>} : memref<3136xi32, #tpu.memory_space<vmem>>, vector<16xi32>,
    %swap3A_32 = vector.shape_cast %swap3A_31 : vector<16xi32> to vector<16xi32>
    %swap3A_33 = vector.shape_cast %get3A_29 : vector<16xi32> to vector<16xi32>
    tpu.vector_store %arg6[%swap3A_30], %swap3A_33 {strides = array<i32>} : memref<3136xi32, #tpu.memory_space<vmem>>, vector<16xi32>,
    %get3A_34 = arith.constant 1120 : index
    %get3A_35 = tpu.vector_load %arg5[%get3A_34] {strides = array<i32>} : memref<3136xi32, #tpu.memory_space<vmem>>, vector<16xi32>,
    %get3A_36 = vector.shape_cast %get3A_35 : vector<16xi32> to vector<16xi32>
    %swap3A_37 = arith.constant 80 : index
    %swap3A_38 = tpu.vector_load %arg6[%swap3A_37] {strides = array<i32>} : memref<3136xi32, #tpu.memory_space<vmem>>, vector<16xi32>,
    %swap3A_39 = vector.shape_cast %swap3A_38 : vector<16xi32> to vector<16xi32>
    %swap3A_40 = vector.shape_cast %get3A_36 : vector<16xi32> to vector<16xi32>
    tpu.vector_store %arg6[%swap3A_37], %swap3A_40 {strides = array<i32>} : memref<3136xi32, #tpu.memory_space<vmem>>, vector<16xi32>,
    %get3A_41 = arith.constant 1344 : index
    %get3A_42 = tpu.vector_load %arg5[%get3A_41] {strides = array<i32>} : memref<3136xi32, #tpu.memory_space<vmem>>, vector<16xi32>,
    %get3A_43 = vector.shape_cast %get3A_42 : vector<16xi32> to vector<16xi32>
    %swap3A_44 = arith.constant 96 : index
    %swap3A_45 = tpu.vector_load %arg6[%swap3A_44] {strides = array<i32>} : memref<3136xi32, #tpu.memory_space<vmem>>, vector<16xi32>,
    %swap3A_46 = vector.shape_cast %swap3A_45 : vector<16xi32> to vector<16xi32>
    %swap3A_47 = vector.shape_cast %get3A_43 : vector<16xi32> to vector<16xi32>
    tpu.vector_store %arg6[%swap3A_44], %swap3A_47 {strides = array<i32>} : memref<3136xi32, #tpu.memory_space<vmem>>, vector<16xi32>,
    %get3A_48 = arith.constant 1568 : index
    %get3A_49 = tpu.vector_load %arg5[%get3A_48] {strides = array<i32>} : memref<3136xi32, #tpu.memory_space<vmem>>, vector<16xi32>,
    %get3A_50 = vector.shape_cast %get3A_49 : vector<16xi32> to vector<16xi32>
    %swap3A_51 = arith.constant 112 : index
    %swap3A_52 = tpu.vector_load %arg6[%swap3A_51] {strides = array<i32>} : memref<3136xi32, #tpu.memory_space<vmem>>, vector<16xi32>,
    %swap3A_53 = vector.shape_cast %swap3A_52 : vector<16xi32> to vector<16xi32>
    %swap3A_54 = vector.shape_cast %get3A_50 : vector<16xi32> to vector<16xi32>
    tpu.vector_store %arg6[%swap3A_51], %swap3A_54 {strides = array<i32>} : memref<3136xi32, #tpu.memory_space<vmem>>, vector<16xi32>,
    %get3A_55 = arith.constant 1792 : index
    %get3A_56 = tpu.vector_load %arg5[%get3A_55] {strides = array<i32>} : memref<3136xi32, #tpu.memory_space<vmem>>, vector<16xi32>,
    %get3A_57 = vector.shape_cast %get3A_56 : vector<16xi32> to vector<16xi32>
    %swap3A_58 = arith.constant 128 : index
    %swap3A_59 = tpu.vector_load %arg6[%swap3A_58] {strides = array<i32>} : memref<3136xi32, #tpu.memory_space<vmem>>, vector<16xi32>,
    %swap3A_60 = vector.shape_cast %swap3A_59 : vector<16xi32> to vector<16xi32>
    %swap3A_61 = vector.shape_cast %get3A_57 : vector<16xi32> to vector<16xi32>
    tpu.vector_store %arg6[%swap3A_58], %swap3A_61 {strides = array<i32>} : memref<3136xi32, #tpu.memory_space<vmem>>, vector<16xi32>,
    %get3A_62 = arith.constant 2016 : index
    %get3A_63 = tpu.vector_load %arg5[%get3A_62] {strides = array<i32>} : memref<3136xi32, #tpu.memory_space<vmem>>, vector<16xi32>,
    %get3A_64 = vector.shape_cast %get3A_63 : vector<16xi32> to vector<16xi32>
    %swap3A_65 = arith.constant 144 : index
    %swap3A_66 = tpu.vector_load %arg6[%swap3A_65] {strides = array<i32>} : memref<3136xi32, #tpu.memory_space<vmem>>, vector<16xi32>,
    %swap3A_67 = vector.shape_cast %swap3A_66 : vector<16xi32> to vector<16xi32>
    %swap3A_68 = vector.shape_cast %get3A_64 : vector<16xi32> to vector<16xi32>
    tpu.vector_store %arg6[%swap3A_65], %swap3A_68 {strides = array<i32>} : memref<3136xi32, #tpu.memory_space<vmem>>, vector<16xi32>,
    %get3A_69 = arith.constant 2240 : index
    %get3A_70 = tpu.vector_load %arg5[%get3A_69] {strides = array<i32>} : memref<3136xi32, #tpu.memory_space<vmem>>, vector<16xi32>,
    %get3A_71 = vector.shape_cast %get3A_70 : vector<16xi32> to vector<16xi32>
    %swap3A_72 = arith.constant 160 : index
    %swap3A_73 = tpu.vector_load %arg6[%swap3A_72] {strides = array<i32>} : memref<3136xi32, #tpu.memory_space<vmem>>, vector<16xi32>,
    %swap3A_74 = vector.shape_cast %swap3A_73 : vector<16xi32> to vector<16xi32>
    %swap3A_75 = vector.shape_cast %get3A_71 : vector<16xi32> to vector<16xi32>
    tpu.vector_store %arg6[%swap3A_72], %swap3A_75 {strides = array<i32>} : memref<3136xi32, #tpu.memory_space<vmem>>, vector<16xi32>,
    %get3A_76 = arith.constant 2464 : index
    %get3A_77 = tpu.vector_load %arg5[%get3A_76] {strides = array<i32>} : memref<3136xi32, #tpu.memory_space<vmem>>, vector<16xi32>,
    %get3A_78 = vector.shape_cast %get3A_77 : vector<16xi32> to vector<16xi32>
    %swap3A_79 = arith.constant 176 : index
    %swap3A_80 = tpu.vector_load %arg6[%swap3A_79] {strides = array<i32>} : memref<3136xi32, #tpu.memory_space<vmem>>, vector<16xi32>,
    %swap3A_81 = vector.shape_cast %swap3A_80 : vector<16xi32> to vector<16xi32>
    %swap3A_82 = vector.shape_cast %get3A_78 : vector<16xi32> to vector<16xi32>
    tpu.vector_store %arg6[%swap3A_79], %swap3A_82 {strides = array<i32>} : memref<3136xi32, #tpu.memory_space<vmem>>, vector<16xi32>,
    %get3A_83 = arith.constant 2688 : index
    %get3A_84 = tpu.vector_load %arg5[%get3A_83] {strides = array<i32>} : memref<3136xi32, #tpu.memory_space<vmem>>, vector<16xi32>,
    %get3A_85 = vector.shape_cast %get3A_84 : vector<16xi32> to vector<16xi32>
    %swap3A_86 = arith.constant 192 : index
    %swap3A_87 = tpu.vector_load %arg6[%swap3A_86] {strides = array<i32>} : memref<3136xi32, #tpu.memory_space<vmem>>, vector<16xi32>,
    %swap3A_88 = vector.shape_cast %swap3A_87 : vector<16xi32> to vector<16xi32>
    %swap3A_89 = vector.shape_cast %get3A_85 : vector<16xi32> to vector<16xi32>
    tpu.vector_store %arg6[%swap3A_86], %swap3A_89 {strides = array<i32>} : memref<3136xi32, #tpu.memory_space<vmem>>, vector<16xi32>,
    %get3A_90 = arith.constant 2912 : index
    %get3A_91 = tpu.vector_load %arg5[%get3A_90] {strides = array<i32>} : memref<3136xi32, #tpu.memory_space<vmem>>, vector<16xi32>,
    %get3A_92 = vector.shape_cast %get3A_91 : vector<16xi32> to vector<16xi32>
    %swap3A_93 = arith.constant 208 : index
    %swap3A_94 = tpu.vector_load %arg6[%swap3A_93] {strides = array<i32>} : memref<3136xi32, #tpu.memory_space<vmem>>, vector<16xi32>,
    %swap3A_95 = vector.shape_cast %swap3A_94 : vector<16xi32> to vector<16xi32>
    %swap3A_96 = vector.shape_cast %get3A_92 : vector<16xi32> to vector<16xi32>
    tpu.vector_store %arg6[%swap3A_93], %swap3A_96 {strides = array<i32>} : memref<3136xi32, #tpu.memory_space<vmem>>, vector<16xi32>,
    %get3A_97 = arith.constant 16 : index
    %get3A_98 = tpu.vector_load %arg5[%get3A_97] {strides = array<i32>} : memref<3136xi32, #tpu.memory_space<vmem>>, vector<16xi32>,
    %get3A_99 = vector.shape_cast %get3A_98 : vector<16xi32> to vector<16xi32>
    %swap3A_100 = arith.constant 224 : index
    %swap3A_101 = tpu.vector_load %arg6[%swap3A_100] {strides = array<i32>} : memref<3136xi32, #tpu.memory_space<vmem>>, vector<16xi32>,
    %swap3A_102 = vector.shape_cast %swap3A_101 : vector<16xi32> to vector<16xi32>
    %swap3A_103 = vector.shape_cast %get3A_99 : vector<16xi32> to vector<16xi32>
    tpu.vector_store %arg6[%swap3A_100], %swap3A_103 {strides = array<i32>} : memref<3136xi32, #tpu.memory_space<vmem>>, vector<16xi32>,
    %get3A_104 = arith.constant 240 : index
    %get3A_105 = tpu.vector_load %arg5[%get3A_104] {strides = array<i32>} : memref<3136xi32, #tpu.memory_space<vmem>>, vector<16xi32>,
    %get3A_106 = vector.shape_cast %get3A_105 : vector<16xi32> to vector<16xi32>
    %swap3A_107 = arith.constant 240 : index
    %swap3A_108 = tpu.vector_load %arg6[%swap3A_107] {strides = array<i32>} : memref<3136xi32, #tpu.memory_space<vmem>>, vector<16xi32>,
    %swap3A_109 = vector.shape_cast %swap3A_108 : vector<16xi32> to vector<16xi32>
    %swap3A_110 = vector.shape_cast %get3A_106 : vector<16xi32> to vector<16xi32>
    tpu.vector_store %arg6[%swap3A_107], %swap3A_110 {strides = array<i32>} : memref<3136xi32, #tpu.memory_space<vmem>>, vector<16xi32>,
    %get3A_111 = arith.constant 464 : index
    %get3A_112 = tpu.vector_load %arg5[%get3A_111] {strides = array<i32>} : memref<3136xi32, #tpu.memory_space<vmem>>, vector<16xi32>,
    %get3A_113 = vector.shape_cast %get3A_112 : vector<16xi32> to vector<16xi32>
    %swap3A_114 = arith.constant 256 : index
    %swap3A_115 = tpu.vector_load %arg6[%swap3A_114] {strides = array<i32>} : memref<3136xi32, #tpu.memory_space<vmem>>, vector<16xi32>,
    %swap3A_116 = vector.shape_cast %swap3A_115 : vector<16xi32> to vector<16xi32>
    %swap3A_117 = vector.shape_cast %get3A_113 : vector<16xi32> to vector<16xi32>
    tpu.vector_store %arg6[%swap3A_114], %swap3A_117 {strides = array<i32>} : memref<3136xi32, #tpu.memory_space<vmem>>, vector<16xi32>,
    %get3A_118 = arith.constant 688 : index
    %get3A_119 = tpu.vector_load %arg5[%get3A_118] {strides = array<i32>} : memref<3136xi32, #tpu.memory_space<vmem>>, vector<16xi32>,
    %get3A_120 = vector.shape_cast %get3A_119 : vector<16xi32> to vector<16xi32>
    %swap3A_121 = arith.constant 272 : index
    %swap3A_122 = tpu.vector_load %arg6[%swap3A_121] {strides = array<i32>} : memref<3136xi32, #tpu.memory_space<vmem>>, vector<16xi32>,
    %swap3A_123 = vector.shape_cast %swap3A_122 : vector<16xi32> to vector<16xi32>
    %swap3A_124 = vector.shape_cast %get3A_120 : vector<16xi32> to vector<16xi32>
    tpu.vector_store %arg6[%swap3A_121], %swap3A_124 {strides = array<i32>} : memref<3136xi32, #tpu.memory_space<vmem>>, vector<16xi32>,
    %get3A_125 = arith.constant 912 : index
    %get3A_126 = tpu.vector_load %arg5[%get3A_125] {strides = array<i32>} : memref<3136xi32, #tpu.memory_space<vmem>>, vector<16xi32>,
    %get3A_127 = vector.shape_cast %get3A_126 : vector<16xi32> to vector<16xi32>
    %swap3A_128 = arith.constant 288 : index
    %swap3A_129 = tpu.vector_load %arg6[%swap3A_128] {strides = array<i32>} : memref<3136xi32, #tpu.memory_space<vmem>>, vector<16xi32>,
    %swap3A_130 = vector.shape_cast %swap3A_129 : vector<16xi32> to vector<16xi32>
    %swap3A_131 = vector.shape_cast %get3A_127 : vector<16xi32> to vector<16xi32>
    tpu.vector_store %arg6[%swap3A_128], %swap3A_131 {strides = array<i32>} : memref<3136xi32, #tpu.memory_space<vmem>>, vector<16xi32>,
    %get3A_132 = arith.constant 1136 : index
    %get3A_133 = tpu.vector_load %arg5[%get3A_132] {strides = array<i32>} : memref<3136xi32, #tpu.memory_space<vmem>>, vector<16xi32>,
    %get3A_134 = vector.shape_cast %get3A_133 : vector<16xi32> to vector<16xi32>
    %swap3A_135 = arith.constant 304 : index
    %swap3A_136 = tpu.vector_load %arg6[%swap3A_135] {strides = array<i32>} : memref<3136xi32, #tpu.memory_space<vmem>>, vector<16xi32>,
    %swap3A_137 = vector.shape_cast %swap3A_136 : vector<16xi32> to vector<16xi32>
    %swap3A_138 = vector.shape_cast %get3A_134 : vector<16xi32> to vector<16xi32>
    tpu.vector_store %arg6[%swap3A_135], %swap3A_138 {strides = array<i32>} : memref<3136xi32, #tpu.memory_space<vmem>>, vector<16xi32>,
    %get3A_139 = arith.constant 1360 : index
    %get3A_140 = tpu.vector_load %arg5[%get3A_139] {strides = array<i32>} : memref<3136xi32, #tpu.memory_space<vmem>>, vector<16xi32>,
    %get3A_141 = vector.shape_cast %get3A_140 : vector<16xi32> to vector<16xi32>
    %swap3A_142 = arith.constant 320 : index
    %swap3A_143 = tpu.vector_load %arg6[%swap3A_142] {strides = array<i32>} : memref<3136xi32, #tpu.memory_space<vmem>>, vector<16xi32>,
    %swap3A_144 = vector.shape_cast %swap3A_143 : vector<16xi32> to vector<16xi32>
    %swap3A_145 = vector.shape_cast %get3A_141 : vector<16xi32> to vector<16xi32>
    tpu.vector_store %arg6[%swap3A_142], %swap3A_145 {strides = array<i32>} : memref<3136xi32, #tpu.memory_space<vmem>>, vector<16xi32>,
    %get3A_146 = arith.constant 1584 : index
    %get3A_147 = tpu.vector_load %arg5[%get3A_146] {strides = array<i32>} : memref<3136xi32, #tpu.memory_space<vmem>>, vector<16xi32>,
    %get3A_148 = vector.shape_cast %get3A_147 : vector<16xi32> to vector<16xi32>
    %swap3A_149 = arith.constant 336 : index
    %swap3A_150 = tpu.vector_load %arg6[%swap3A_149] {strides = array<i32>} : memref<3136xi32, #tpu.memory_space<vmem>>, vector<16xi32>,
    %swap3A_151 = vector.shape_cast %swap3A_150 : vector<16xi32> to vector<16xi32>
    %swap3A_152 = vector.shape_cast %get3A_148 : vector<16xi32> to vector<16xi32>
    tpu.vector_store %arg6[%swap3A_149], %swap3A_152 {strides = array<i32>} : memref<3136xi32, #tpu.memory_space<vmem>>, vector<16xi32>,
    %get3A_153 = arith.constant 1808 : index
    %get3A_154 = tpu.vector_load %arg5[%get3A_153] {strides = array<i32>} : memref<3136xi32, #tpu.memory_space<vmem>>, vector<16xi32>,
    %get3A_155 = vector.shape_cast %get3A_154 : vector<16xi32> to vector<16xi32>
    %swap3A_156 = arith.constant 352 : index
    %swap3A_157 = tpu.vector_load %arg6[%swap3A_156] {strides = array<i32>} : memref<3136xi32, #tpu.memory_space<vmem>>, vector<16xi32>,
    %swap3A_158 = vector.shape_cast %swap3A_157 : vector<16xi32> to vector<16xi32>
    %swap3A_159 = vector.shape_cast %get3A_155 : vector<16xi32> to vector<16xi32>
    tpu.vector_store %arg6[%swap3A_156], %swap3A_159 {strides = array<i32>} : memref<3136xi32, #tpu.memory_space<vmem>>, vector<16xi32>,
    %get3A_160 = arith.constant 2032 : index
    %get3A_161 = tpu.vector_load %arg5[%get3A_160] {strides = array<i32>} : memref<3136xi32, #tpu.memory_space<vmem>>, vector<16xi32>,
    %get3A_162 = vector.shape_cast %get3A_161 : vector<16xi32> to vector<16xi32>
    %swap3A_163 = arith.constant 368 : index
    %swap3A_164 = tpu.vector_load %arg6[%swap3A_163] {strides = array<i32>} : memref<3136xi32, #tpu.memory_space<vmem>>, vector<16xi32>,
    %swap3A_165 = vector.shape_cast %swap3A_164 : vector<16xi32> to vector<16xi32>
    %swap3A_166 = vector.shape_cast %get3A_162 : vector<16xi32> to vector<16xi32>
    tpu.vector_store %arg6[%swap3A_163], %swap3A_166 {strides = array<i32>} : memref<3136xi32, #tpu.memory_space<vmem>>, vector<16xi32>,
    %get3A_167 = arith.constant 2256 : index
    %get3A_168 = tpu.vector_load %arg5[%get3A_167] {strides = array<i32>} : memref<3136xi32, #tpu.memory_space<vmem>>, vector<16xi32>,
    %get3A_169 = vector.shape_cast %get3A_168 : vector<16xi32> to vector<16xi32>
    %swap3A_170 = arith.constant 384 : index
    %swap3A_171 = tpu.vector_load %arg6[%swap3A_170] {strides = array<i32>} : memref<3136xi32, #tpu.memory_space<vmem>>, vector<16xi32>,
    %swap3A_172 = vector.shape_cast %swap3A_171 : vector<16xi32> to vector<16xi32>
    %swap3A_173 = vector.shape_cast %get3A_169 : vector<16xi32> to vector<16xi32>
    tpu.vector_store %arg6[%swap3A_170], %swap3A_173 {strides = array<i32>} : memref<3136xi32, #tpu.memory_space<vmem>>, vector<16xi32>,
    %get3A_174 = arith.constant 2480 : index
    %get3A_175 = tpu.vector_load %arg5[%get3A_174] {strides = array<i32>} : memref<3136xi32, #tpu.memory_space<vmem>>, vector<16xi32>,
    %get3A_176 = vector.shape_cast %get3A_175 : vector<16xi32> to vector<16xi32>
    %swap3A_177 = arith.constant 400 : index
    %swap3A_178 = tpu.vector_load %arg6[%swap3A_177] {strides = array<i32>} : memref<3136xi32, #tpu.memory_space<vmem>>, vector<16xi32>,
    %swap3A_179 = vector.shape_cast %swap3A_178 : vector<16xi32> to vector<16xi32>
    %swap3A_180 = vector.shape_cast %get3A_176 : vector<16xi32> to vector<16xi32>
    tpu.vector_store %arg6[%swap3A_177], %swap3A_180 {strides = array<i32>} : memref<3136xi32, #tpu.memory_space<vmem>>, vector<16xi32>,
    %get3A_181 = arith.constant 2704 : index
    %get3A_182 = tpu.vector_load %arg5[%get3A_181] {strides = array<i32>} : memref<3136xi32, #tpu.memory_space<vmem>>, vector<16xi32>,
    %get3A_183 = vector.shape_cast %get3A_182 : vector<16xi32> to vector<16xi32>
    %swap3A_184 = arith.constant 416 : index
    %swap3A_185 = tpu.vector_load %arg6[%swap3A_184] {strides = array<i32>} : memref<3136xi32, #tpu.memory_space<vmem>>, vector<16xi32>,
    %swap3A_186 = vector.shape_cast %swap3A_185 : vector<16xi32> to vector<16xi32>
    %swap3A_187 = vector.shape_cast %get3A_183 : vector<16xi32> to vector<16xi32>
    tpu.vector_store %arg6[%swap3A_184], %swap3A_187 {strides = array<i32>} : memref<3136xi32, #tpu.memory_space<vmem>>, vector<16xi32>,
    %get3A_188 = arith.constant 2928 : index
    %get3A_189 = tpu.vector_load %arg5[%get3A_188] {strides = array<i32>} : memref<3136xi32, #tpu.memory_space<vmem>>, vector<16xi32>,
    %get3A_190 = vector.shape_cast %get3A_189 : vector<16xi32> to vector<16xi32>
    %swap3A_191 = arith.constant 432 : index
    %swap3A_192 = tpu.vector_load %arg6[%swap3A_191] {strides = array<i32>} : memref<3136xi32, #tpu.memory_space<vmem>>, vector<16xi32>,
    %swap3A_193 = vector.shape_cast %swap3A_192 : vector<16xi32> to vector<16xi32>
    %swap3A_194 = vector.shape_cast %get3A_190 : vector<16xi32> to vector<16xi32>
    tpu.vector_store %arg6[%swap3A_191], %swap3A_194 {strides = array<i32>} : memref<3136xi32, #tpu.memory_space<vmem>>, vector<16xi32>,
    %get3A_195 = arith.constant 32 : index
    %get3A_196 = tpu.vector_load %arg5[%get3A_195] {strides = array<i32>} : memref<3136xi32, #tpu.memory_space<vmem>>, vector<16xi32>,
    %get3A_197 = vector.shape_cast %get3A_196 : vector<16xi32> to vector<16xi32>
    %swap3A_198 = arith.constant 448 : index
    %swap3A_199 = tpu.vector_load %arg6[%swap3A_198] {strides = array<i32>} : memref<3136xi32, #tpu.memory_space<vmem>>, vector<16xi32>,
    %swap3A_200 = vector.shape_cast %swap3A_199 : vector<16xi32> to vector<16xi32>
    %swap3A_201 = vector.shape_cast %get3A_197 : vector<16xi32> to vector<16xi32>
    tpu.vector_store %arg6[%swap3A_198], %swap3A_201 {strides = array<i32>} : memref<3136xi32, #tpu.memory_space<vmem>>, vector<16xi32>,
    %get3A_202 = arith.constant 256 : index
    %get3A_203 = tpu.vector_load %arg5[%get3A_202] {strides = array<i32>} : memref<3136xi32, #tpu.memory_space<vmem>>, vector<16xi32>,
    %get3A_204 = vector.shape_cast %get3A_203 : vector<16xi32> to vector<16xi32>
    %swap3A_205 = arith.constant 464 : index
    %swap3A_206 = tpu.vector_load %arg6[%swap3A_205] {strides = array<i32>} : memref<3136xi32, #tpu.memory_space<vmem>>, vector<16xi32>,
    %swap3A_207 = vector.shape_cast %swap3A_206 : vector<16xi32> to vector<16xi32>
    %swap3A_208 = vector.shape_cast %get3A_204 : vector<16xi32> to vector<16xi32>
    tpu.vector_store %arg6[%swap3A_205], %swap3A_208 {strides = array<i32>} : memref<3136xi32, #tpu.memory_space<vmem>>, vector<16xi32>,
    %get3A_209 = arith.constant 480 : index
    %get3A_210 = tpu.vector_load %arg5[%get3A_209] {strides = array<i32>} : memref<3136xi32, #tpu.memory_space<vmem>>, vector<16xi32>,
    %get3A_211 = vector.shape_cast %get3A_210 : vector<16xi32> to vector<16xi32>
    %swap3A_212 = arith.constant 480 : index
    %swap3A_213 = tpu.vector_load %arg6[%swap3A_212] {strides = array<i32>} : memref<3136xi32, #tpu.memory_space<vmem>>, vector<16xi32>,
    %swap3A_214 = vector.shape_cast %swap3A_213 : vector<16xi32> to vector<16xi32>
    %swap3A_215 = vector.shape_cast %get3A_211 : vector<16xi32> to vector<16xi32>
    tpu.vector_store %arg6[%swap3A_212], %swap3A_215 {strides = array<i32>} : memref<3136xi32, #tpu.memory_space<vmem>>, vector<16xi32>,
    %get3A_216 = arith.constant 704 : index
    %get3A_217 = tpu.vector_load %arg5[%get3A_216] {strides = array<i32>} : memref<3136xi32, #tpu.memory_space<vmem>>, vector<16xi32>,
    %get3A_218 = vector.shape_cast %get3A_217 : vector<16xi32> to vector<16xi32>
    %swap3A_219 = arith.constant 496 : index
    %swap3A_220 = tpu.vector_load %arg6[%swap3A_219] {strides = array<i32>} : memref<3136xi32, #tpu.memory_space<vmem>>, vector<16xi32>,
    %swap3A_221 = vector.shape_cast %swap3A_220 : vector<16xi32> to vector<16xi32>
    %swap3A_222 = vector.shape_cast %get3A_218 : vector<16xi32> to vector<16xi32>
    tpu.vector_store %arg6[%swap3A_219], %swap3A_222 {strides = array<i32>} : memref<3136xi32, #tpu.memory_space<vmem>>, vector<16xi32>,
    %get3A_223 = arith.constant 928 : index
    %get3A_224 = tpu.vector_load %arg5[%get3A_223] {strides = array<i32>} : memref<3136xi32, #tpu.memory_space<vmem>>, vector<16xi32>,
    %get3A_225 = vector.shape_cast %get3A_224 : vector<16xi32> to vector<16xi32>
    %swap3A_226 = arith.constant 512 : index
    %swap3A_227 = tpu.vector_load %arg6[%swap3A_226] {strides = array<i32>} : memref<3136xi32, #tpu.memory_space<vmem>>, vector<16xi32>,
    %swap3A_228 = vector.shape_cast %swap3A_227 : vector<16xi32> to vector<16xi32>
    %swap3A_229 = vector.shape_cast %get3A_225 : vector<16xi32> to vector<16xi32>
    tpu.vector_store %arg6[%swap3A_226], %swap3A_229 {strides = array<i32>} : memref<3136xi32, #tpu.memory_space<vmem>>, vector<16xi32>,
    %get3A_230 = arith.constant 1152 : index
    %get3A_231 = tpu.vector_load %arg5[%get3A_230] {strides = array<i32>} : memref<3136xi32, #tpu.memory_space<vmem>>, vector<16xi32>,
    %get3A_232 = vector.shape_cast %get3A_231 : vector<16xi32> to vector<16xi32>
    %swap3A_233 = arith.constant 528 : index
    %swap3A_234 = tpu.vector_load %arg6[%swap3A_233] {strides = array<i32>} : memref<3136xi32, #tpu.memory_space<vmem>>, vector<16xi32>,
    %swap3A_235 = vector.shape_cast %swap3A_234 : vector<16xi32> to vector<16xi32>
    %swap3A_236 = vector.shape_cast %get3A_232 : vector<16xi32> to vector<16xi32>
    tpu.vector_store %arg6[%swap3A_233], %swap3A_236 {strides = array<i32>} : memref<3136xi32, #tpu.memory_space<vmem>>, vector<16xi32>,
    %get3A_237 = arith.constant 1376 : index
    %get3A_238 = tpu.vector_load %arg5[%get3A_237] {strides = array<i32>} : memref<3136xi32, #tpu.memory_space<vmem>>, vector<16xi32>,
    %get3A_239 = vector.shape_cast %get3A_238 : vector<16xi32> to vector<16xi32>
    %swap3A_240 = arith.constant 544 : index
    %swap3A_241 = tpu.vector_load %arg6[%swap3A_240] {strides = array<i32>} : memref<3136xi32, #tpu.memory_space<vmem>>, vector<16xi32>,
    %swap3A_242 = vector.shape_cast %swap3A_241 : vector<16xi32> to vector<16xi32>
    %swap3A_243 = vector.shape_cast %get3A_239 : vector<16xi32> to vector<16xi32>
    tpu.vector_store %arg6[%swap3A_240], %swap3A_243 {strides = array<i32>} : memref<3136xi32, #tpu.memory_space<vmem>>, vector<16xi32>,
    %get3A_244 = arith.constant 1600 : index
    %get3A_245 = tpu.vector_load %arg5[%get3A_244] {strides = array<i32>} : memref<3136xi32, #tpu.memory_space<vmem>>, vector<16xi32>,
    %get3A_246 = vector.shape_cast %get3A_245 : vector<16xi32> to vector<16xi32>
    %swap3A_247 = arith.constant 560 : index
    %swap3A_248 = tpu.vector_load %arg6[%swap3A_247] {strides = array<i32>} : memref<3136xi32, #tpu.memory_space<vmem>>, vector<16xi32>,
    %swap3A_249 = vector.shape_cast %swap3A_248 : vector<16xi32> to vector<16xi32>
    %swap3A_250 = vector.shape_cast %get3A_246 : vector<16xi32> to vector<16xi32>
    tpu.vector_store %arg6[%swap3A_247], %swap3A_250 {strides = array<i32>} : memref<3136xi32, #tpu.memory_space<vmem>>, vector<16xi32>,
    %get3A_251 = arith.constant 1824 : index
    %get3A_252 = tpu.vector_load %arg5[%get3A_251] {strides = array<i32>} : memref<3136xi32, #tpu.memory_space<vmem>>, vector<16xi32>,
    %get3A_253 = vector.shape_cast %get3A_252 : vector<16xi32> to vector<16xi32>
    %swap3A_254 = arith.constant 576 : index
    %swap3A_255 = tpu.vector_load %arg6[%swap3A_254] {strides = array<i32>} : memref<3136xi32, #tpu.memory_space<vmem>>, vector<16xi32>,
    %swap3A_256 = vector.shape_cast %swap3A_255 : vector<16xi32> to vector<16xi32>
    %swap3A_257 = vector.shape_cast %get3A_253 : vector<16xi32> to vector<16xi32>
    tpu.vector_store %arg6[%swap3A_254], %swap3A_257 {strides = array<i32>} : memref<3136xi32, #tpu.memory_space<vmem>>, vector<16xi32>,
    %get3A_258 = arith.constant 2048 : index
    %get3A_259 = tpu.vector_load %arg5[%get3A_258] {strides = array<i32>} : memref<3136xi32, #tpu.memory_space<vmem>>, vector<16xi32>,
    %get3A_260 = vector.shape_cast %get3A_259 : vector<16xi32> to vector<16xi32>
    %swap3A_261 = arith.constant 592 : index
    %swap3A_262 = tpu.vector_load %arg6[%swap3A_261] {strides = array<i32>} : memref<3136xi32, #tpu.memory_space<vmem>>, vector<16xi32>,
    %swap3A_263 = vector.shape_cast %swap3A_262 : vector<16xi32> to vector<16xi32>
    %swap3A_264 = vector.shape_cast %get3A_260 : vector<16xi32> to vector<16xi32>
    tpu.vector_store %arg6[%swap3A_261], %swap3A_264 {strides = array<i32>} : memref<3136xi32, #tpu.memory_space<vmem>>, vector<16xi32>,
    %get3A_265 = arith.constant 2272 : index
    %get3A_266 = tpu.vector_load %arg5[%get3A_265] {strides = array<i32>} : memref<3136xi32, #tpu.memory_space<vmem>>, vector<16xi32>,
    %get3A_267 = vector.shape_cast %get3A_266 : vector<16xi32> to vector<16xi32>
    %swap3A_268 = arith.constant 608 : index
    %swap3A_269 = tpu.vector_load %arg6[%swap3A_268] {strides = array<i32>} : memref<3136xi32, #tpu.memory_space<vmem>>, vector<16xi32>,
    %swap3A_270 = vector.shape_cast %swap3A_269 : vector<16xi32> to vector<16xi32>
    %swap3A_271 = vector.shape_cast %get3A_267 : vector<16xi32> to vector<16xi32>
    tpu.vector_store %arg6[%swap3A_268], %swap3A_271 {strides = array<i32>} : memref<3136xi32, #tpu.memory_space<vmem>>, vector<16xi32>,
    %get3A_272 = arith.constant 2496 : index
    %get3A_273 = tpu.vector_load %arg5[%get3A_272] {strides = array<i32>} : memref<3136xi32, #tpu.memory_space<vmem>>, vector<16xi32>,
    %get3A_274 = vector.shape_cast %get3A_273 : vector<16xi32> to vector<16xi32>
    %swap3A_275 = arith.constant 624 : index
    %swap3A_276 = tpu.vector_load %arg6[%swap3A_275] {strides = array<i32>} : memref<3136xi32, #tpu.memory_space<vmem>>, vector<16xi32>,
    %swap3A_277 = vector.shape_cast %swap3A_276 : vector<16xi32> to vector<16xi32>
    %swap3A_278 = vector.shape_cast %get3A_274 : vector<16xi32> to vector<16xi32>
    tpu.vector_store %arg6[%swap3A_275], %swap3A_278 {strides = array<i32>} : memref<3136xi32, #tpu.memory_space<vmem>>, vector<16xi32>,
    %get3A_279 = arith.constant 2720 : index
    %get3A_280 = tpu.vector_load %arg5[%get3A_279] {strides = array<i32>} : memref<3136xi32, #tpu.memory_space<vmem>>, vector<16xi32>,
    %get3A_281 = vector.shape_cast %get3A_280 : vector<16xi32> to vector<16xi32>
    %swap3A_282 = arith.constant 640 : index
    %swap3A_283 = tpu.vector_load %arg6[%swap3A_282] {strides = array<i32>} : memref<3136xi32, #tpu.memory_space<vmem>>, vector<16xi32>,
    %swap3A_284 = vector.shape_cast %swap3A_283 : vector<16xi32> to vector<16xi32>
    %swap3A_285 = vector.shape_cast %get3A_281 : vector<16xi32> to vector<16xi32>
    tpu.vector_store %arg6[%swap3A_282], %swap3A_285 {strides = array<i32>} : memref<3136xi32, #tpu.memory_space<vmem>>, vector<16xi32>,
    %get3A_286 = arith.constant 2944 : index
    %get3A_287 = tpu.vector_load %arg5[%get3A_286] {strides = array<i32>} : memref<3136xi32, #tpu.memory_space<vmem>>, vector<16xi32>,
    %get3A_288 = vector.shape_cast %get3A_287 : vector<16xi32> to vector<16xi32>
    %swap3A_289 = arith.constant 656 : index
    %swap3A_290 = tpu.vector_load %arg6[%swap3A_289] {strides = array<i32>} : memref<3136xi32, #tpu.memory_space<vmem>>, vector<16xi32>,
    %swap3A_291 = vector.shape_cast %swap3A_290 : vector<16xi32> to vector<16xi32>
    %swap3A_292 = vector.shape_cast %get3A_288 : vector<16xi32> to vector<16xi32>
    tpu.vector_store %arg6[%swap3A_289], %swap3A_292 {strides = array<i32>} : memref<3136xi32, #tpu.memory_space<vmem>>, vector<16xi32>,
    %get3A_293 = arith.constant 48 : index
    %get3A_294 = tpu.vector_load %arg5[%get3A_293] {strides = array<i32>} : memref<3136xi32, #tpu.memory_space<vmem>>, vector<16xi32>,
    %get3A_295 = vector.shape_cast %get3A_294 : vector<16xi32> to vector<16xi32>
    %swap3A_296 = arith.constant 672 : index
    %swap3A_297 = tpu.vector_load %arg6[%swap3A_296] {strides = array<i32>} : memref<3136xi32, #tpu.memory_space<vmem>>, vector<16xi32>,
    %swap3A_298 = vector.shape_cast %swap3A_297 : vector<16xi32> to vector<16xi32>
    %swap3A_299 = vector.shape_cast %get3A_295 : vector<16xi32> to vector<16xi32>
    tpu.vector_store %arg6[%swap3A_296], %swap3A_299 {strides = array<i32>} : memref<3136xi32, #tpu.memory_space<vmem>>, vector<16xi32>,
    %get3A_300 = arith.constant 272 : index
    %get3A_301 = tpu.vector_load %arg5[%get3A_300] {strides = array<i32>} : memref<3136xi32, #tpu.memory_space<vmem>>, vector<16xi32>,
    %get3A_302 = vector.shape_cast %get3A_301 : vector<16xi32> to vector<16xi32>
    %swap3A_303 = arith.constant 688 : index
    %swap3A_304 = tpu.vector_load %arg6[%swap3A_303] {strides = array<i32>} : memref<3136xi32, #tpu.memory_space<vmem>>, vector<16xi32>,
    %swap3A_305 = vector.shape_cast %swap3A_304 : vector<16xi32> to vector<16xi32>
    %swap3A_306 = vector.shape_cast %get3A_302 : vector<16xi32> to vector<16xi32>
    tpu.vector_store %arg6[%swap3A_303], %swap3A_306 {strides = array<i32>} : memref<3136xi32, #tpu.memory_space<vmem>>, vector<16xi32>,
    %get3A_307 = arith.constant 496 : index
    %get3A_308 = tpu.vector_load %arg5[%get3A_307] {strides = array<i32>} : memref<3136xi32, #tpu.memory_space<vmem>>, vector<16xi32>,
    %get3A_309 = vector.shape_cast %get3A_308 : vector<16xi32> to vector<16xi32>
    %swap3A_310 = arith.constant 704 : index
    %swap3A_311 = tpu.vector_load %arg6[%swap3A_310] {strides = array<i32>} : memref<3136xi32, #tpu.memory_space<vmem>>, vector<16xi32>,
    %swap3A_312 = vector.shape_cast %swap3A_311 : vector<16xi32> to vector<16xi32>
    %swap3A_313 = vector.shape_cast %get3A_309 : vector<16xi32> to vector<16xi32>
    tpu.vector_store %arg6[%swap3A_310], %swap3A_313 {strides = array<i32>} : memref<3136xi32, #tpu.memory_space<vmem>>, vector<16xi32>,
    %get3A_314 = arith.constant 720 : index
    %get3A_315 = tpu.vector_load %arg5[%get3A_314] {strides = array<i32>} : memref<3136xi32, #tpu.memory_space<vmem>>, vector<16xi32>,
    %get3A_316 = vector.shape_cast %get3A_315 : vector<16xi32> to vector<16xi32>
    %swap3A_317 = arith.constant 720 : index
    %swap3A_318 = tpu.vector_load %arg6[%swap3A_317] {strides = array<i32>} : memref<3136xi32, #tpu.memory_space<vmem>>, vector<16xi32>,
    %swap3A_319 = vector.shape_cast %swap3A_318 : vector<16xi32> to vector<16xi32>
    %swap3A_320 = vector.shape_cast %get3A_316 : vector<16xi32> to vector<16xi32>
    tpu.vector_store %arg6[%swap3A_317], %swap3A_320 {strides = array<i32>} : memref<3136xi32, #tpu.memory_space<vmem>>, vector<16xi32>,
    %get3A_321 = arith.constant 944 : index
    %get3A_322 = tpu.vector_load %arg5[%get3A_321] {strides = array<i32>} : memref<3136xi32, #tpu.memory_space<vmem>>, vector<16xi32>,
    %get3A_323 = vector.shape_cast %get3A_322 : vector<16xi32> to vector<16xi32>
    %swap3A_324 = arith.constant 736 : index
    %swap3A_325 = tpu.vector_load %arg6[%swap3A_324] {strides = array<i32>} : memref<3136xi32, #tpu.memory_space<vmem>>, vector<16xi32>,
    %swap3A_326 = vector.shape_cast %swap3A_325 : vector<16xi32> to vector<16xi32>
    %swap3A_327 = vector.shape_cast %get3A_323 : vector<16xi32> to vector<16xi32>
    tpu.vector_store %arg6[%swap3A_324], %swap3A_327 {strides = array<i32>} : memref<3136xi32, #tpu.memory_space<vmem>>, vector<16xi32>,
    %get3A_328 = arith.constant 1168 : index
    %get3A_329 = tpu.vector_load %arg5[%get3A_328] {strides = array<i32>} : memref<3136xi32, #tpu.memory_space<vmem>>, vector<16xi32>,
    %get3A_330 = vector.shape_cast %get3A_329 : vector<16xi32> to vector<16xi32>
    %swap3A_331 = arith.constant 752 : index
    %swap3A_332 = tpu.vector_load %arg6[%swap3A_331] {strides = array<i32>} : memref<3136xi32, #tpu.memory_space<vmem>>, vector<16xi32>,
    %swap3A_333 = vector.shape_cast %swap3A_332 : vector<16xi32> to vector<16xi32>
    %swap3A_334 = vector.shape_cast %get3A_330 : vector<16xi32> to vector<16xi32>
    tpu.vector_store %arg6[%swap3A_331], %swap3A_334 {strides = array<i32>} : memref<3136xi32, #tpu.memory_space<vmem>>, vector<16xi32>,
    %get3A_335 = arith.constant 1392 : index
    %get3A_336 = tpu.vector_load %arg5[%get3A_335] {strides = array<i32>} : memref<3136xi32, #tpu.memory_space<vmem>>, vector<16xi32>,
    %get3A_337 = vector.shape_cast %get3A_336 : vector<16xi32> to vector<16xi32>
    %swap3A_338 = arith.constant 768 : index
    %swap3A_339 = tpu.vector_load %arg6[%swap3A_338] {strides = array<i32>} : memref<3136xi32, #tpu.memory_space<vmem>>, vector<16xi32>,
    %swap3A_340 = vector.shape_cast %swap3A_339 : vector<16xi32> to vector<16xi32>
    %swap3A_341 = vector.shape_cast %get3A_337 : vector<16xi32> to vector<16xi32>
    tpu.vector_store %arg6[%swap3A_338], %swap3A_341 {strides = array<i32>} : memref<3136xi32, #tpu.memory_space<vmem>>, vector<16xi32>,
    %get3A_342 = arith.constant 1616 : index
    %get3A_343 = tpu.vector_load %arg5[%get3A_342] {strides = array<i32>} : memref<3136xi32, #tpu.memory_space<vmem>>, vector<16xi32>,
    %get3A_344 = vector.shape_cast %get3A_343 : vector<16xi32> to vector<16xi32>
    %swap3A_345 = arith.constant 784 : index
    %swap3A_346 = tpu.vector_load %arg6[%swap3A_345] {strides = array<i32>} : memref<3136xi32, #tpu.memory_space<vmem>>, vector<16xi32>,
    %swap3A_347 = vector.shape_cast %swap3A_346 : vector<16xi32> to vector<16xi32>
    %swap3A_348 = vector.shape_cast %get3A_344 : vector<16xi32> to vector<16xi32>
    tpu.vector_store %arg6[%swap3A_345], %swap3A_348 {strides = array<i32>} : memref<3136xi32, #tpu.memory_space<vmem>>, vector<16xi32>,
    %get3A_349 = arith.constant 1840 : index
    %get3A_350 = tpu.vector_load %arg5[%get3A_349] {strides = array<i32>} : memref<3136xi32, #tpu.memory_space<vmem>>, vector<16xi32>,
    %get3A_351 = vector.shape_cast %get3A_350 : vector<16xi32> to vector<16xi32>
    %swap3A_352 = arith.constant 800 : index
    %swap3A_353 = tpu.vector_load %arg6[%swap3A_352] {strides = array<i32>} : memref<3136xi32, #tpu.memory_space<vmem>>, vector<16xi32>,
    %swap3A_354 = vector.shape_cast %swap3A_353 : vector<16xi32> to vector<16xi32>
    %swap3A_355 = vector.shape_cast %get3A_351 : vector<16xi32> to vector<16xi32>
    tpu.vector_store %arg6[%swap3A_352], %swap3A_355 {strides = array<i32>} : memref<3136xi32, #tpu.memory_space<vmem>>, vector<16xi32>,
    %get3A_356 = arith.constant 2064 : index
    %get3A_357 = tpu.vector_load %arg5[%get3A_356] {strides = array<i32>} : memref<3136xi32, #tpu.memory_space<vmem>>, vector<16xi32>,
    %get3A_358 = vector.shape_cast %get3A_357 : vector<16xi32> to vector<16xi32>
    %swap3A_359 = arith.constant 816 : index
    %swap3A_360 = tpu.vector_load %arg6[%swap3A_359] {strides = array<i32>} : memref<3136xi32, #tpu.memory_space<vmem>>, vector<16xi32>,
    %swap3A_361 = vector.shape_cast %swap3A_360 : vector<16xi32> to vector<16xi32>
    %swap3A_362 = vector.shape_cast %get3A_358 : vector<16xi32> to vector<16xi32>
    tpu.vector_store %arg6[%swap3A_359], %swap3A_362 {strides = array<i32>} : memref<3136xi32, #tpu.memory_space<vmem>>, vector<16xi32>,
    %get3A_363 = arith.constant 2288 : index
    %get3A_364 = tpu.vector_load %arg5[%get3A_363] {strides = array<i32>} : memref<3136xi32, #tpu.memory_space<vmem>>, vector<16xi32>,
    %get3A_365 = vector.shape_cast %get3A_364 : vector<16xi32> to vector<16xi32>
    %swap3A_366 = arith.constant 832 : index
    %swap3A_367 = tpu.vector_load %arg6[%swap3A_366] {strides = array<i32>} : memref<3136xi32, #tpu.memory_space<vmem>>, vector<16xi32>,
    %swap3A_368 = vector.shape_cast %swap3A_367 : vector<16xi32> to vector<16xi32>
    %swap3A_369 = vector.shape_cast %get3A_365 : vector<16xi32> to vector<16xi32>
    tpu.vector_store %arg6[%swap3A_366], %swap3A_369 {strides = array<i32>} : memref<3136xi32, #tpu.memory_space<vmem>>, vector<16xi32>,
    %get3A_370 = arith.constant 2512 : index
    %get3A_371 = tpu.vector_load %arg5[%get3A_370] {strides = array<i32>} : memref<3136xi32, #tpu.memory_space<vmem>>, vector<16xi32>,
    %get3A_372 = vector.shape_cast %get3A_371 : vector<16xi32> to vector<16xi32>
    %swap3A_373 = arith.constant 848 : index
    %swap3A_374 = tpu.vector_load %arg6[%swap3A_373] {strides = array<i32>} : memref<3136xi32, #tpu.memory_space<vmem>>, vector<16xi32>,
    %swap3A_375 = vector.shape_cast %swap3A_374 : vector<16xi32> to vector<16xi32>
    %swap3A_376 = vector.shape_cast %get3A_372 : vector<16xi32> to vector<16xi32>
    tpu.vector_store %arg6[%swap3A_373], %swap3A_376 {strides = array<i32>} : memref<3136xi32, #tpu.memory_space<vmem>>, vector<16xi32>,
    %get3A_377 = arith.constant 2736 : index
    %get3A_378 = tpu.vector_load %arg5[%get3A_377] {strides = array<i32>} : memref<3136xi32, #tpu.memory_space<vmem>>, vector<16xi32>,
    %get3A_379 = vector.shape_cast %get3A_378 : vector<16xi32> to vector<16xi32>
    %swap3A_380 = arith.constant 864 : index
    %swap3A_381 = tpu.vector_load %arg6[%swap3A_380] {strides = array<i32>} : memref<3136xi32, #tpu.memory_space<vmem>>, vector<16xi32>,
    %swap3A_382 = vector.shape_cast %swap3A_381 : vector<16xi32> to vector<16xi32>
    %swap3A_383 = vector.shape_cast %get3A_379 : vector<16xi32> to vector<16xi32>
    tpu.vector_store %arg6[%swap3A_380], %swap3A_383 {strides = array<i32>} : memref<3136xi32, #tpu.memory_space<vmem>>, vector<16xi32>,
    %get3A_384 = arith.constant 2960 : index
    %get3A_385 = tpu.vector_load %arg5[%get3A_384] {strides = array<i32>} : memref<3136xi32, #tpu.memory_space<vmem>>, vector<16xi32>,
    %get3A_386 = vector.shape_cast %get3A_385 : vector<16xi32> to vector<16xi32>
    %swap3A_387 = arith.constant 880 : index
    %swap3A_388 = tpu.vector_load %arg6[%swap3A_387] {strides = array<i32>} : memref<3136xi32, #tpu.memory_space<vmem>>, vector<16xi32>,
    %swap3A_389 = vector.shape_cast %swap3A_388 : vector<16xi32> to vector<16xi32>
    %swap3A_390 = vector.shape_cast %get3A_386 : vector<16xi32> to vector<16xi32>
    tpu.vector_store %arg6[%swap3A_387], %swap3A_390 {strides = array<i32>} : memref<3136xi32, #tpu.memory_space<vmem>>, vector<16xi32>,
    %get3A_391 = arith.constant 64 : index
    %get3A_392 = tpu.vector_load %arg5[%get3A_391] {strides = array<i32>} : memref<3136xi32, #tpu.memory_space<vmem>>, vector<16xi32>,
    %get3A_393 = vector.shape_cast %get3A_392 : vector<16xi32> to vector<16xi32>
    %swap3A_394 = arith.constant 896 : index
    %swap3A_395 = tpu.vector_load %arg6[%swap3A_394] {strides = array<i32>} : memref<3136xi32, #tpu.memory_space<vmem>>, vector<16xi32>,
    %swap3A_396 = vector.shape_cast %swap3A_395 : vector<16xi32> to vector<16xi32>
    %swap3A_397 = vector.shape_cast %get3A_393 : vector<16xi32> to vector<16xi32>
    tpu.vector_store %arg6[%swap3A_394], %swap3A_397 {strides = array<i32>} : memref<3136xi32, #tpu.memory_space<vmem>>, vector<16xi32>,
    %get3A_398 = arith.constant 288 : index
    %get3A_399 = tpu.vector_load %arg5[%get3A_398] {strides = array<i32>} : memref<3136xi32, #tpu.memory_space<vmem>>, vector<16xi32>,
    %get3A_400 = vector.shape_cast %get3A_399 : vector<16xi32> to vector<16xi32>
    %swap3A_401 = arith.constant 912 : index
    %swap3A_402 = tpu.vector_load %arg6[%swap3A_401] {strides = array<i32>} : memref<3136xi32, #tpu.memory_space<vmem>>, vector<16xi32>,
    %swap3A_403 = vector.shape_cast %swap3A_402 : vector<16xi32> to vector<16xi32>
    %swap3A_404 = vector.shape_cast %get3A_400 : vector<16xi32> to vector<16xi32>
    tpu.vector_store %arg6[%swap3A_401], %swap3A_404 {strides = array<i32>} : memref<3136xi32, #tpu.memory_space<vmem>>, vector<16xi32>,
    %get3A_405 = arith.constant 512 : index
    %get3A_406 = tpu.vector_load %arg5[%get3A_405] {strides = array<i32>} : memref<3136xi32, #tpu.memory_space<vmem>>, vector<16xi32>,
    %get3A_407 = vector.shape_cast %get3A_406 : vector<16xi32> to vector<16xi32>
    %swap3A_408 = arith.constant 928 : index
    %swap3A_409 = tpu.vector_load %arg6[%swap3A_408] {strides = array<i32>} : memref<3136xi32, #tpu.memory_space<vmem>>, vector<16xi32>,
    %swap3A_410 = vector.shape_cast %swap3A_409 : vector<16xi32> to vector<16xi32>
    %swap3A_411 = vector.shape_cast %get3A_407 : vector<16xi32> to vector<16xi32>
    tpu.vector_store %arg6[%swap3A_408], %swap3A_411 {strides = array<i32>} : memref<3136xi32, #tpu.memory_space<vmem>>, vector<16xi32>,
    %get3A_412 = arith.constant 736 : index
    %get3A_413 = tpu.vector_load %arg5[%get3A_412] {strides = array<i32>} : memref<3136xi32, #tpu.memory_space<vmem>>, vector<16xi32>,
    %get3A_414 = vector.shape_cast %get3A_413 : vector<16xi32> to vector<16xi32>
    %swap3A_415 = arith.constant 944 : index
    %swap3A_416 = tpu.vector_load %arg6[%swap3A_415] {strides = array<i32>} : memref<3136xi32, #tpu.memory_space<vmem>>, vector<16xi32>,
    %swap3A_417 = vector.shape_cast %swap3A_416 : vector<16xi32> to vector<16xi32>
    %swap3A_418 = vector.shape_cast %get3A_414 : vector<16xi32> to vector<16xi32>
    tpu.vector_store %arg6[%swap3A_415], %swap3A_418 {strides = array<i32>} : memref<3136xi32, #tpu.memory_space<vmem>>, vector<16xi32>,
    %get3A_419 = arith.constant 960 : index
    %get3A_420 = tpu.vector_load %arg5[%get3A_419] {strides = array<i32>} : memref<3136xi32, #tpu.memory_space<vmem>>, vector<16xi32>,
    %get3A_421 = vector.shape_cast %get3A_420 : vector<16xi32> to vector<16xi32>
    %swap3A_422 = arith.constant 960 : index
    %swap3A_423 = tpu.vector_load %arg6[%swap3A_422] {strides = array<i32>} : memref<3136xi32, #tpu.memory_space<vmem>>, vector<16xi32>,
    %swap3A_424 = vector.shape_cast %swap3A_423 : vector<16xi32> to vector<16xi32>
    %swap3A_425 = vector.shape_cast %get3A_421 : vector<16xi32> to vector<16xi32>
    tpu.vector_store %arg6[%swap3A_422], %swap3A_425 {strides = array<i32>} : memref<3136xi32, #tpu.memory_space<vmem>>, vector<16xi32>,
    %get3A_426 = arith.constant 1184 : index
    %get3A_427 = tpu.vector_load %arg5[%get3A_426] {strides = array<i32>} : memref<3136xi32, #tpu.memory_space<vmem>>, vector<16xi32>,
    %get3A_428 = vector.shape_cast %get3A_427 : vector<16xi32> to vector<16xi32>
    %swap3A_429 = arith.constant 976 : index
    %swap3A_430 = tpu.vector_load %arg6[%swap3A_429] {strides = array<i32>} : memref<3136xi32, #tpu.memory_space<vmem>>, vector<16xi32>,
    %swap3A_431 = vector.shape_cast %swap3A_430 : vector<16xi32> to vector<16xi32>
    %swap3A_432 = vector.shape_cast %get3A_428 : vector<16xi32> to vector<16xi32>
    tpu.vector_store %arg6[%swap3A_429], %swap3A_432 {strides = array<i32>} : memref<3136xi32, #tpu.memory_space<vmem>>, vector<16xi32>,
    %get3A_433 = arith.constant 1408 : index
    %get3A_434 = tpu.vector_load %arg5[%get3A_433] {strides = array<i32>} : memref<3136xi32, #tpu.memory_space<vmem>>, vector<16xi32>,
    %get3A_435 = vector.shape_cast %get3A_434 : vector<16xi32> to vector<16xi32>
    %swap3A_436 = arith.constant 992 : index
    %swap3A_437 = tpu.vector_load %arg6[%swap3A_436] {strides = array<i32>} : memref<3136xi32, #tpu.memory_space<vmem>>, vector<16xi32>,
    %swap3A_438 = vector.shape_cast %swap3A_437 : vector<16xi32> to vector<16xi32>
    %swap3A_439 = vector.shape_cast %get3A_435 : vector<16xi32> to vector<16xi32>
    tpu.vector_store %arg6[%swap3A_436], %swap3A_439 {strides = array<i32>} : memref<3136xi32, #tpu.memory_space<vmem>>, vector<16xi32>,
    %get3A_440 = arith.constant 1632 : index
    %get3A_441 = tpu.vector_load %arg5[%get3A_440] {strides = array<i32>} : memref<3136xi32, #tpu.memory_space<vmem>>, vector<16xi32>,
    %get3A_442 = vector.shape_cast %get3A_441 : vector<16xi32> to vector<16xi32>
    %swap3A_443 = arith.constant 1008 : index
    %swap3A_444 = tpu.vector_load %arg6[%swap3A_443] {strides = array<i32>} : memref<3136xi32, #tpu.memory_space<vmem>>, vector<16xi32>,
    %swap3A_445 = vector.shape_cast %swap3A_444 : vector<16xi32> to vector<16xi32>
    %swap3A_446 = vector.shape_cast %get3A_442 : vector<16xi32> to vector<16xi32>
    tpu.vector_store %arg6[%swap3A_443], %swap3A_446 {strides = array<i32>} : memref<3136xi32, #tpu.memory_space<vmem>>, vector<16xi32>,
    %get3A_447 = arith.constant 1856 : index
    %get3A_448 = tpu.vector_load %arg5[%get3A_447] {strides = array<i32>} : memref<3136xi32, #tpu.memory_space<vmem>>, vector<16xi32>,
    %get3A_449 = vector.shape_cast %get3A_448 : vector<16xi32> to vector<16xi32>
    %swap3A_450 = arith.constant 1024 : index
    %swap3A_451 = tpu.vector_load %arg6[%swap3A_450] {strides = array<i32>} : memref<3136xi32, #tpu.memory_space<vmem>>, vector<16xi32>,
    %swap3A_452 = vector.shape_cast %swap3A_451 : vector<16xi32> to vector<16xi32>
    %swap3A_453 = vector.shape_cast %get3A_449 : vector<16xi32> to vector<16xi32>
    tpu.vector_store %arg6[%swap3A_450], %swap3A_453 {strides = array<i32>} : memref<3136xi32, #tpu.memory_space<vmem>>, vector<16xi32>,
    %get3A_454 = arith.constant 2080 : index
    %get3A_455 = tpu.vector_load %arg5[%get3A_454] {strides = array<i32>} : memref<3136xi32, #tpu.memory_space<vmem>>, vector<16xi32>,
    %get3A_456 = vector.shape_cast %get3A_455 : vector<16xi32> to vector<16xi32>
    %swap3A_457 = arith.constant 1040 : index
    %swap3A_458 = tpu.vector_load %arg6[%swap3A_457] {strides = array<i32>} : memref<3136xi32, #tpu.memory_space<vmem>>, vector<16xi32>,
    %swap3A_459 = vector.shape_cast %swap3A_458 : vector<16xi32> to vector<16xi32>
    %swap3A_460 = vector.shape_cast %get3A_456 : vector<16xi32> to vector<16xi32>
    tpu.vector_store %arg6[%swap3A_457], %swap3A_460 {strides = array<i32>} : memref<3136xi32, #tpu.memory_space<vmem>>, vector<16xi32>,
    %get3A_461 = arith.constant 2304 : index
    %get3A_462 = tpu.vector_load %arg5[%get3A_461] {strides = array<i32>} : memref<3136xi32, #tpu.memory_space<vmem>>, vector<16xi32>,
    %get3A_463 = vector.shape_cast %get3A_462 : vector<16xi32> to vector<16xi32>
    %swap3A_464 = arith.constant 1056 : index
    %swap3A_465 = tpu.vector_load %arg6[%swap3A_464] {strides = array<i32>} : memref<3136xi32, #tpu.memory_space<vmem>>, vector<16xi32>,
    %swap3A_466 = vector.shape_cast %swap3A_465 : vector<16xi32> to vector<16xi32>
    %swap3A_467 = vector.shape_cast %get3A_463 : vector<16xi32> to vector<16xi32>
    tpu.vector_store %arg6[%swap3A_464], %swap3A_467 {strides = array<i32>} : memref<3136xi32, #tpu.memory_space<vmem>>, vector<16xi32>,
    %get3A_468 = arith.constant 2528 : index
    %get3A_469 = tpu.vector_load %arg5[%get3A_468] {strides = array<i32>} : memref<3136xi32, #tpu.memory_space<vmem>>, vector<16xi32>,
    %get3A_470 = vector.shape_cast %get3A_469 : vector<16xi32> to vector<16xi32>
    %swap3A_471 = arith.constant 1072 : index
    %swap3A_472 = tpu.vector_load %arg6[%swap3A_471] {strides = array<i32>} : memref<3136xi32, #tpu.memory_space<vmem>>, vector<16xi32>,
    %swap3A_473 = vector.shape_cast %swap3A_472 : vector<16xi32> to vector<16xi32>
    %swap3A_474 = vector.shape_cast %get3A_470 : vector<16xi32> to vector<16xi32>
    tpu.vector_store %arg6[%swap3A_471], %swap3A_474 {strides = array<i32>} : memref<3136xi32, #tpu.memory_space<vmem>>, vector<16xi32>,
    %get3A_475 = arith.constant 2752 : index
    %get3A_476 = tpu.vector_load %arg5[%get3A_475] {strides = array<i32>} : memref<3136xi32, #tpu.memory_space<vmem>>, vector<16xi32>,
    %get3A_477 = vector.shape_cast %get3A_476 : vector<16xi32> to vector<16xi32>
    %swap3A_478 = arith.constant 1088 : index
    %swap3A_479 = tpu.vector_load %arg6[%swap3A_478] {strides = array<i32>} : memref<3136xi32, #tpu.memory_space<vmem>>, vector<16xi32>,
    %swap3A_480 = vector.shape_cast %swap3A_479 : vector<16xi32> to vector<16xi32>
    %swap3A_481 = vector.shape_cast %get3A_477 : vector<16xi32> to vector<16xi32>
    tpu.vector_store %arg6[%swap3A_478], %swap3A_481 {strides = array<i32>} : memref<3136xi32, #tpu.memory_space<vmem>>, vector<16xi32>,
    %get3A_482 = arith.constant 2976 : index
    %get3A_483 = tpu.vector_load %arg5[%get3A_482] {strides = array<i32>} : memref<3136xi32, #tpu.memory_space<vmem>>, vector<16xi32>,
    %get3A_484 = vector.shape_cast %get3A_483 : vector<16xi32> to vector<16xi32>
    %swap3A_485 = arith.constant 1104 : index
    %swap3A_486 = tpu.vector_load %arg6[%swap3A_485] {strides = array<i32>} : memref<3136xi32, #tpu.memory_space<vmem>>, vector<16xi32>,
    %swap3A_487 = vector.shape_cast %swap3A_486 : vector<16xi32> to vector<16xi32>
    %swap3A_488 = vector.shape_cast %get3A_484 : vector<16xi32> to vector<16xi32>
    tpu.vector_store %arg6[%swap3A_485], %swap3A_488 {strides = array<i32>} : memref<3136xi32, #tpu.memory_space<vmem>>, vector<16xi32>,
    %get3A_489 = arith.constant 80 : index
    %get3A_490 = tpu.vector_load %arg5[%get3A_489] {strides = array<i32>} : memref<3136xi32, #tpu.memory_space<vmem>>, vector<16xi32>,
    %get3A_491 = vector.shape_cast %get3A_490 : vector<16xi32> to vector<16xi32>
    %swap3A_492 = arith.constant 1120 : index
    %swap3A_493 = tpu.vector_load %arg6[%swap3A_492] {strides = array<i32>} : memref<3136xi32, #tpu.memory_space<vmem>>, vector<16xi32>,
    %swap3A_494 = vector.shape_cast %swap3A_493 : vector<16xi32> to vector<16xi32>
    %swap3A_495 = vector.shape_cast %get3A_491 : vector<16xi32> to vector<16xi32>
    tpu.vector_store %arg6[%swap3A_492], %swap3A_495 {strides = array<i32>} : memref<3136xi32, #tpu.memory_space<vmem>>, vector<16xi32>,
    %get3A_496 = arith.constant 304 : index
    %get3A_497 = tpu.vector_load %arg5[%get3A_496] {strides = array<i32>} : memref<3136xi32, #tpu.memory_space<vmem>>, vector<16xi32>,
    %get3A_498 = vector.shape_cast %get3A_497 : vector<16xi32> to vector<16xi32>
    %swap3A_499 = arith.constant 1136 : index
    %swap3A_500 = tpu.vector_load %arg6[%swap3A_499] {strides = array<i32>} : memref<3136xi32, #tpu.memory_space<vmem>>, vector<16xi32>,
    %swap3A_501 = vector.shape_cast %swap3A_500 : vector<16xi32> to vector<16xi32>
    %swap3A_502 = vector.shape_cast %get3A_498 : vector<16xi32> to vector<16xi32>
    tpu.vector_store %arg6[%swap3A_499], %swap3A_502 {strides = array<i32>} : memref<3136xi32, #tpu.memory_space<vmem>>, vector<16xi32>,
    %get3A_503 = arith.constant 528 : index
    %get3A_504 = tpu.vector_load %arg5[%get3A_503] {strides = array<i32>} : memref<3136xi32, #tpu.memory_space<vmem>>, vector<16xi32>,
    %get3A_505 = vector.shape_cast %get3A_504 : vector<16xi32> to vector<16xi32>
    %swap3A_506 = arith.constant 1152 : index
    %swap3A_507 = tpu.vector_load %arg6[%swap3A_506] {strides = array<i32>} : memref<3136xi32, #tpu.memory_space<vmem>>, vector<16xi32>,
    %swap3A_508 = vector.shape_cast %swap3A_507 : vector<16xi32> to vector<16xi32>
    %swap3A_509 = vector.shape_cast %get3A_505 : vector<16xi32> to vector<16xi32>
    tpu.vector_store %arg6[%swap3A_506], %swap3A_509 {strides = array<i32>} : memref<3136xi32, #tpu.memory_space<vmem>>, vector<16xi32>,
    %get3A_510 = arith.constant 752 : index
    %get3A_511 = tpu.vector_load %arg5[%get3A_510] {strides = array<i32>} : memref<3136xi32, #tpu.memory_space<vmem>>, vector<16xi32>,
    %get3A_512 = vector.shape_cast %get3A_511 : vector<16xi32> to vector<16xi32>
    %swap3A_513 = arith.constant 1168 : index
    %swap3A_514 = tpu.vector_load %arg6[%swap3A_513] {strides = array<i32>} : memref<3136xi32, #tpu.memory_space<vmem>>, vector<16xi32>,
    %swap3A_515 = vector.shape_cast %swap3A_514 : vector<16xi32> to vector<16xi32>
    %swap3A_516 = vector.shape_cast %get3A_512 : vector<16xi32> to vector<16xi32>
    tpu.vector_store %arg6[%swap3A_513], %swap3A_516 {strides = array<i32>} : memref<3136xi32, #tpu.memory_space<vmem>>, vector<16xi32>,
    %get3A_517 = arith.constant 976 : index
    %get3A_518 = tpu.vector_load %arg5[%get3A_517] {strides = array<i32>} : memref<3136xi32, #tpu.memory_space<vmem>>, vector<16xi32>,
    %get3A_519 = vector.shape_cast %get3A_518 : vector<16xi32> to vector<16xi32>
    %swap3A_520 = arith.constant 1184 : index
    %swap3A_521 = tpu.vector_load %arg6[%swap3A_520] {strides = array<i32>} : memref<3136xi32, #tpu.memory_space<vmem>>, vector<16xi32>,
    %swap3A_522 = vector.shape_cast %swap3A_521 : vector<16xi32> to vector<16xi32>
    %swap3A_523 = vector.shape_cast %get3A_519 : vector<16xi32> to vector<16xi32>
    tpu.vector_store %arg6[%swap3A_520], %swap3A_523 {strides = array<i32>} : memref<3136xi32, #tpu.memory_space<vmem>>, vector<16xi32>,
    %get3A_524 = arith.constant 1200 : index
    %get3A_525 = tpu.vector_load %arg5[%get3A_524] {strides = array<i32>} : memref<3136xi32, #tpu.memory_space<vmem>>, vector<16xi32>,
    %get3A_526 = vector.shape_cast %get3A_525 : vector<16xi32> to vector<16xi32>
    %swap3A_527 = arith.constant 1200 : index
    %swap3A_528 = tpu.vector_load %arg6[%swap3A_527] {strides = array<i32>} : memref<3136xi32, #tpu.memory_space<vmem>>, vector<16xi32>,
    %swap3A_529 = vector.shape_cast %swap3A_528 : vector<16xi32> to vector<16xi32>
    %swap3A_530 = vector.shape_cast %get3A_526 : vector<16xi32> to vector<16xi32>
    tpu.vector_store %arg6[%swap3A_527], %swap3A_530 {strides = array<i32>} : memref<3136xi32, #tpu.memory_space<vmem>>, vector<16xi32>,
    %get3A_531 = arith.constant 1424 : index
    %get3A_532 = tpu.vector_load %arg5[%get3A_531] {strides = array<i32>} : memref<3136xi32, #tpu.memory_space<vmem>>, vector<16xi32>,
    %get3A_533 = vector.shape_cast %get3A_532 : vector<16xi32> to vector<16xi32>
    %swap3A_534 = arith.constant 1216 : index
    %swap3A_535 = tpu.vector_load %arg6[%swap3A_534] {strides = array<i32>} : memref<3136xi32, #tpu.memory_space<vmem>>, vector<16xi32>,
    %swap3A_536 = vector.shape_cast %swap3A_535 : vector<16xi32> to vector<16xi32>
    %swap3A_537 = vector.shape_cast %get3A_533 : vector<16xi32> to vector<16xi32>
    tpu.vector_store %arg6[%swap3A_534], %swap3A_537 {strides = array<i32>} : memref<3136xi32, #tpu.memory_space<vmem>>, vector<16xi32>,
    %get3A_538 = arith.constant 1648 : index
    %get3A_539 = tpu.vector_load %arg5[%get3A_538] {strides = array<i32>} : memref<3136xi32, #tpu.memory_space<vmem>>, vector<16xi32>,
    %get3A_540 = vector.shape_cast %get3A_539 : vector<16xi32> to vector<16xi32>
    %swap3A_541 = arith.constant 1232 : index
    %swap3A_542 = tpu.vector_load %arg6[%swap3A_541] {strides = array<i32>} : memref<3136xi32, #tpu.memory_space<vmem>>, vector<16xi32>,
    %swap3A_543 = vector.shape_cast %swap3A_542 : vector<16xi32> to vector<16xi32>
    %swap3A_544 = vector.shape_cast %get3A_540 : vector<16xi32> to vector<16xi32>
    tpu.vector_store %arg6[%swap3A_541], %swap3A_544 {strides = array<i32>} : memref<3136xi32, #tpu.memory_space<vmem>>, vector<16xi32>,
    %get3A_545 = arith.constant 1872 : index
    %get3A_546 = tpu.vector_load %arg5[%get3A_545] {strides = array<i32>} : memref<3136xi32, #tpu.memory_space<vmem>>, vector<16xi32>,
    %get3A_547 = vector.shape_cast %get3A_546 : vector<16xi32> to vector<16xi32>
    %swap3A_548 = arith.constant 1248 : index
    %swap3A_549 = tpu.vector_load %arg6[%swap3A_548] {strides = array<i32>} : memref<3136xi32, #tpu.memory_space<vmem>>, vector<16xi32>,
    %swap3A_550 = vector.shape_cast %swap3A_549 : vector<16xi32> to vector<16xi32>
    %swap3A_551 = vector.shape_cast %get3A_547 : vector<16xi32> to vector<16xi32>
    tpu.vector_store %arg6[%swap3A_548], %swap3A_551 {strides = array<i32>} : memref<3136xi32, #tpu.memory_space<vmem>>, vector<16xi32>,
    %get3A_552 = arith.constant 2096 : index
    %get3A_553 = tpu.vector_load %arg5[%get3A_552] {strides = array<i32>} : memref<3136xi32, #tpu.memory_space<vmem>>, vector<16xi32>,
    %get3A_554 = vector.shape_cast %get3A_553 : vector<16xi32> to vector<16xi32>
    %swap3A_555 = arith.constant 1264 : index
    %swap3A_556 = tpu.vector_load %arg6[%swap3A_555] {strides = array<i32>} : memref<3136xi32, #tpu.memory_space<vmem>>, vector<16xi32>,
    %swap3A_557 = vector.shape_cast %swap3A_556 : vector<16xi32> to vector<16xi32>
    %swap3A_558 = vector.shape_cast %get3A_554 : vector<16xi32> to vector<16xi32>
    tpu.vector_store %arg6[%swap3A_555], %swap3A_558 {strides = array<i32>} : memref<3136xi32, #tpu.memory_space<vmem>>, vector<16xi32>,
    %get3A_559 = arith.constant 2320 : index
    %get3A_560 = tpu.vector_load %arg5[%get3A_559] {strides = array<i32>} : memref<3136xi32, #tpu.memory_space<vmem>>, vector<16xi32>,
    %get3A_561 = vector.shape_cast %get3A_560 : vector<16xi32> to vector<16xi32>
    %swap3A_562 = arith.constant 1280 : index
    %swap3A_563 = tpu.vector_load %arg6[%swap3A_562] {strides = array<i32>} : memref<3136xi32, #tpu.memory_space<vmem>>, vector<16xi32>,
    %swap3A_564 = vector.shape_cast %swap3A_563 : vector<16xi32> to vector<16xi32>
    %swap3A_565 = vector.shape_cast %get3A_561 : vector<16xi32> to vector<16xi32>
    tpu.vector_store %arg6[%swap3A_562], %swap3A_565 {strides = array<i32>} : memref<3136xi32, #tpu.memory_space<vmem>>, vector<16xi32>,
    %get3A_566 = arith.constant 2544 : index
    %get3A_567 = tpu.vector_load %arg5[%get3A_566] {strides = array<i32>} : memref<3136xi32, #tpu.memory_space<vmem>>, vector<16xi32>,
    %get3A_568 = vector.shape_cast %get3A_567 : vector<16xi32> to vector<16xi32>
    %swap3A_569 = arith.constant 1296 : index
    %swap3A_570 = tpu.vector_load %arg6[%swap3A_569] {strides = array<i32>} : memref<3136xi32, #tpu.memory_space<vmem>>, vector<16xi32>,
    %swap3A_571 = vector.shape_cast %swap3A_570 : vector<16xi32> to vector<16xi32>
    %swap3A_572 = vector.shape_cast %get3A_568 : vector<16xi32> to vector<16xi32>
    tpu.vector_store %arg6[%swap3A_569], %swap3A_572 {strides = array<i32>} : memref<3136xi32, #tpu.memory_space<vmem>>, vector<16xi32>,
    %get3A_573 = arith.constant 2768 : index
    %get3A_574 = tpu.vector_load %arg5[%get3A_573] {strides = array<i32>} : memref<3136xi32, #tpu.memory_space<vmem>>, vector<16xi32>,
    %get3A_575 = vector.shape_cast %get3A_574 : vector<16xi32> to vector<16xi32>
    %swap3A_576 = arith.constant 1312 : index
    %swap3A_577 = tpu.vector_load %arg6[%swap3A_576] {strides = array<i32>} : memref<3136xi32, #tpu.memory_space<vmem>>, vector<16xi32>,
    %swap3A_578 = vector.shape_cast %swap3A_577 : vector<16xi32> to vector<16xi32>
    %swap3A_579 = vector.shape_cast %get3A_575 : vector<16xi32> to vector<16xi32>
    tpu.vector_store %arg6[%swap3A_576], %swap3A_579 {strides = array<i32>} : memref<3136xi32, #tpu.memory_space<vmem>>, vector<16xi32>,
    %get3A_580 = arith.constant 2992 : index
    %get3A_581 = tpu.vector_load %arg5[%get3A_580] {strides = array<i32>} : memref<3136xi32, #tpu.memory_space<vmem>>, vector<16xi32>,
    %get3A_582 = vector.shape_cast %get3A_581 : vector<16xi32> to vector<16xi32>
    %swap3A_583 = arith.constant 1328 : index
    %swap3A_584 = tpu.vector_load %arg6[%swap3A_583] {strides = array<i32>} : memref<3136xi32, #tpu.memory_space<vmem>>, vector<16xi32>,
    %swap3A_585 = vector.shape_cast %swap3A_584 : vector<16xi32> to vector<16xi32>
    %swap3A_586 = vector.shape_cast %get3A_582 : vector<16xi32> to vector<16xi32>
    tpu.vector_store %arg6[%swap3A_583], %swap3A_586 {strides = array<i32>} : memref<3136xi32, #tpu.memory_space<vmem>>, vector<16xi32>,
    %get3A_587 = arith.constant 96 : index
    %get3A_588 = tpu.vector_load %arg5[%get3A_587] {strides = array<i32>} : memref<3136xi32, #tpu.memory_space<vmem>>, vector<16xi32>,
    %get3A_589 = vector.shape_cast %get3A_588 : vector<16xi32> to vector<16xi32>
    %swap3A_590 = arith.constant 1344 : index
    %swap3A_591 = tpu.vector_load %arg6[%swap3A_590] {strides = array<i32>} : memref<3136xi32, #tpu.memory_space<vmem>>, vector<16xi32>,
    %swap3A_592 = vector.shape_cast %swap3A_591 : vector<16xi32> to vector<16xi32>
    %swap3A_593 = vector.shape_cast %get3A_589 : vector<16xi32> to vector<16xi32>
    tpu.vector_store %arg6[%swap3A_590], %swap3A_593 {strides = array<i32>} : memref<3136xi32, #tpu.memory_space<vmem>>, vector<16xi32>,
    %get3A_594 = arith.constant 320 : index
    %get3A_595 = tpu.vector_load %arg5[%get3A_594] {strides = array<i32>} : memref<3136xi32, #tpu.memory_space<vmem>>, vector<16xi32>,
    %get3A_596 = vector.shape_cast %get3A_595 : vector<16xi32> to vector<16xi32>
    %swap3A_597 = arith.constant 1360 : index
    %swap3A_598 = tpu.vector_load %arg6[%swap3A_597] {strides = array<i32>} : memref<3136xi32, #tpu.memory_space<vmem>>, vector<16xi32>,
    %swap3A_599 = vector.shape_cast %swap3A_598 : vector<16xi32> to vector<16xi32>
    %swap3A_600 = vector.shape_cast %get3A_596 : vector<16xi32> to vector<16xi32>
    tpu.vector_store %arg6[%swap3A_597], %swap3A_600 {strides = array<i32>} : memref<3136xi32, #tpu.memory_space<vmem>>, vector<16xi32>,
    %get3A_601 = arith.constant 544 : index
    %get3A_602 = tpu.vector_load %arg5[%get3A_601] {strides = array<i32>} : memref<3136xi32, #tpu.memory_space<vmem>>, vector<16xi32>,
    %get3A_603 = vector.shape_cast %get3A_602 : vector<16xi32> to vector<16xi32>
    %swap3A_604 = arith.constant 1376 : index
    %swap3A_605 = tpu.vector_load %arg6[%swap3A_604] {strides = array<i32>} : memref<3136xi32, #tpu.memory_space<vmem>>, vector<16xi32>,
    %swap3A_606 = vector.shape_cast %swap3A_605 : vector<16xi32> to vector<16xi32>
    %swap3A_607 = vector.shape_cast %get3A_603 : vector<16xi32> to vector<16xi32>
    tpu.vector_store %arg6[%swap3A_604], %swap3A_607 {strides = array<i32>} : memref<3136xi32, #tpu.memory_space<vmem>>, vector<16xi32>,
    %get3A_608 = arith.constant 768 : index
    %get3A_609 = tpu.vector_load %arg5[%get3A_608] {strides = array<i32>} : memref<3136xi32, #tpu.memory_space<vmem>>, vector<16xi32>,
    %get3A_610 = vector.shape_cast %get3A_609 : vector<16xi32> to vector<16xi32>
    %swap3A_611 = arith.constant 1392 : index
    %swap3A_612 = tpu.vector_load %arg6[%swap3A_611] {strides = array<i32>} : memref<3136xi32, #tpu.memory_space<vmem>>, vector<16xi32>,
    %swap3A_613 = vector.shape_cast %swap3A_612 : vector<16xi32> to vector<16xi32>
    %swap3A_614 = vector.shape_cast %get3A_610 : vector<16xi32> to vector<16xi32>
    tpu.vector_store %arg6[%swap3A_611], %swap3A_614 {strides = array<i32>} : memref<3136xi32, #tpu.memory_space<vmem>>, vector<16xi32>,
    %get3A_615 = arith.constant 992 : index
    %get3A_616 = tpu.vector_load %arg5[%get3A_615] {strides = array<i32>} : memref<3136xi32, #tpu.memory_space<vmem>>, vector<16xi32>,
    %get3A_617 = vector.shape_cast %get3A_616 : vector<16xi32> to vector<16xi32>
    %swap3A_618 = arith.constant 1408 : index
    %swap3A_619 = tpu.vector_load %arg6[%swap3A_618] {strides = array<i32>} : memref<3136xi32, #tpu.memory_space<vmem>>, vector<16xi32>,
    %swap3A_620 = vector.shape_cast %swap3A_619 : vector<16xi32> to vector<16xi32>
    %swap3A_621 = vector.shape_cast %get3A_617 : vector<16xi32> to vector<16xi32>
    tpu.vector_store %arg6[%swap3A_618], %swap3A_621 {strides = array<i32>} : memref<3136xi32, #tpu.memory_space<vmem>>, vector<16xi32>,
    %get3A_622 = arith.constant 1216 : index
    %get3A_623 = tpu.vector_load %arg5[%get3A_622] {strides = array<i32>} : memref<3136xi32, #tpu.memory_space<vmem>>, vector<16xi32>,
    %get3A_624 = vector.shape_cast %get3A_623 : vector<16xi32> to vector<16xi32>
    %swap3A_625 = arith.constant 1424 : index
    %swap3A_626 = tpu.vector_load %arg6[%swap3A_625] {strides = array<i32>} : memref<3136xi32, #tpu.memory_space<vmem>>, vector<16xi32>,
    %swap3A_627 = vector.shape_cast %swap3A_626 : vector<16xi32> to vector<16xi32>
    %swap3A_628 = vector.shape_cast %get3A_624 : vector<16xi32> to vector<16xi32>
    tpu.vector_store %arg6[%swap3A_625], %swap3A_628 {strides = array<i32>} : memref<3136xi32, #tpu.memory_space<vmem>>, vector<16xi32>,
    %get3A_629 = arith.constant 1440 : index
    %get3A_630 = tpu.vector_load %arg5[%get3A_629] {strides = array<i32>} : memref<3136xi32, #tpu.memory_space<vmem>>, vector<16xi32>,
    %get3A_631 = vector.shape_cast %get3A_630 : vector<16xi32> to vector<16xi32>
    %swap3A_632 = arith.constant 1440 : index
    %swap3A_633 = tpu.vector_load %arg6[%swap3A_632] {strides = array<i32>} : memref<3136xi32, #tpu.memory_space<vmem>>, vector<16xi32>,
    %swap3A_634 = vector.shape_cast %swap3A_633 : vector<16xi32> to vector<16xi32>
    %swap3A_635 = vector.shape_cast %get3A_631 : vector<16xi32> to vector<16xi32>
    tpu.vector_store %arg6[%swap3A_632], %swap3A_635 {strides = array<i32>} : memref<3136xi32, #tpu.memory_space<vmem>>, vector<16xi32>,
    %get3A_636 = arith.constant 1664 : index
    %get3A_637 = tpu.vector_load %arg5[%get3A_636] {strides = array<i32>} : memref<3136xi32, #tpu.memory_space<vmem>>, vector<16xi32>,
    %get3A_638 = vector.shape_cast %get3A_637 : vector<16xi32> to vector<16xi32>
    %swap3A_639 = arith.constant 1456 : index
    %swap3A_640 = tpu.vector_load %arg6[%swap3A_639] {strides = array<i32>} : memref<3136xi32, #tpu.memory_space<vmem>>, vector<16xi32>,
    %swap3A_641 = vector.shape_cast %swap3A_640 : vector<16xi32> to vector<16xi32>
    %swap3A_642 = vector.shape_cast %get3A_638 : vector<16xi32> to vector<16xi32>
    tpu.vector_store %arg6[%swap3A_639], %swap3A_642 {strides = array<i32>} : memref<3136xi32, #tpu.memory_space<vmem>>, vector<16xi32>,
    %get3A_643 = arith.constant 1888 : index
    %get3A_644 = tpu.vector_load %arg5[%get3A_643] {strides = array<i32>} : memref<3136xi32, #tpu.memory_space<vmem>>, vector<16xi32>,
    %get3A_645 = vector.shape_cast %get3A_644 : vector<16xi32> to vector<16xi32>
    %swap3A_646 = arith.constant 1472 : index
    %swap3A_647 = tpu.vector_load %arg6[%swap3A_646] {strides = array<i32>} : memref<3136xi32, #tpu.memory_space<vmem>>, vector<16xi32>,
    %swap3A_648 = vector.shape_cast %swap3A_647 : vector<16xi32> to vector<16xi32>
    %swap3A_649 = vector.shape_cast %get3A_645 : vector<16xi32> to vector<16xi32>
    tpu.vector_store %arg6[%swap3A_646], %swap3A_649 {strides = array<i32>} : memref<3136xi32, #tpu.memory_space<vmem>>, vector<16xi32>,
    %get3A_650 = arith.constant 2112 : index
    %get3A_651 = tpu.vector_load %arg5[%get3A_650] {strides = array<i32>} : memref<3136xi32, #tpu.memory_space<vmem>>, vector<16xi32>,
    %get3A_652 = vector.shape_cast %get3A_651 : vector<16xi32> to vector<16xi32>
    %swap3A_653 = arith.constant 1488 : index
    %swap3A_654 = tpu.vector_load %arg6[%swap3A_653] {strides = array<i32>} : memref<3136xi32, #tpu.memory_space<vmem>>, vector<16xi32>,
    %swap3A_655 = vector.shape_cast %swap3A_654 : vector<16xi32> to vector<16xi32>
    %swap3A_656 = vector.shape_cast %get3A_652 : vector<16xi32> to vector<16xi32>
    tpu.vector_store %arg6[%swap3A_653], %swap3A_656 {strides = array<i32>} : memref<3136xi32, #tpu.memory_space<vmem>>, vector<16xi32>,
    %get3A_657 = arith.constant 2336 : index
    %get3A_658 = tpu.vector_load %arg5[%get3A_657] {strides = array<i32>} : memref<3136xi32, #tpu.memory_space<vmem>>, vector<16xi32>,
    %get3A_659 = vector.shape_cast %get3A_658 : vector<16xi32> to vector<16xi32>
    %swap3A_660 = arith.constant 1504 : index
    %swap3A_661 = tpu.vector_load %arg6[%swap3A_660] {strides = array<i32>} : memref<3136xi32, #tpu.memory_space<vmem>>, vector<16xi32>,
    %swap3A_662 = vector.shape_cast %swap3A_661 : vector<16xi32> to vector<16xi32>
    %swap3A_663 = vector.shape_cast %get3A_659 : vector<16xi32> to vector<16xi32>
    tpu.vector_store %arg6[%swap3A_660], %swap3A_663 {strides = array<i32>} : memref<3136xi32, #tpu.memory_space<vmem>>, vector<16xi32>,
    %get3A_664 = arith.constant 2560 : index
    %get3A_665 = tpu.vector_load %arg5[%get3A_664] {strides = array<i32>} : memref<3136xi32, #tpu.memory_space<vmem>>, vector<16xi32>,
    %get3A_666 = vector.shape_cast %get3A_665 : vector<16xi32> to vector<16xi32>
    %swap3A_667 = arith.constant 1520 : index
    %swap3A_668 = tpu.vector_load %arg6[%swap3A_667] {strides = array<i32>} : memref<3136xi32, #tpu.memory_space<vmem>>, vector<16xi32>,
    %swap3A_669 = vector.shape_cast %swap3A_668 : vector<16xi32> to vector<16xi32>
    %swap3A_670 = vector.shape_cast %get3A_666 : vector<16xi32> to vector<16xi32>
    tpu.vector_store %arg6[%swap3A_667], %swap3A_670 {strides = array<i32>} : memref<3136xi32, #tpu.memory_space<vmem>>, vector<16xi32>,
    %get3A_671 = arith.constant 2784 : index
    %get3A_672 = tpu.vector_load %arg5[%get3A_671] {strides = array<i32>} : memref<3136xi32, #tpu.memory_space<vmem>>, vector<16xi32>,
    %get3A_673 = vector.shape_cast %get3A_672 : vector<16xi32> to vector<16xi32>
    %swap3A_674 = arith.constant 1536 : index
    %swap3A_675 = tpu.vector_load %arg6[%swap3A_674] {strides = array<i32>} : memref<3136xi32, #tpu.memory_space<vmem>>, vector<16xi32>,
    %swap3A_676 = vector.shape_cast %swap3A_675 : vector<16xi32> to vector<16xi32>
    %swap3A_677 = vector.shape_cast %get3A_673 : vector<16xi32> to vector<16xi32>
    tpu.vector_store %arg6[%swap3A_674], %swap3A_677 {strides = array<i32>} : memref<3136xi32, #tpu.memory_space<vmem>>, vector<16xi32>,
    %get3A_678 = arith.constant 3008 : index
    %get3A_679 = tpu.vector_load %arg5[%get3A_678] {strides = array<i32>} : memref<3136xi32, #tpu.memory_space<vmem>>, vector<16xi32>,
    %get3A_680 = vector.shape_cast %get3A_679 : vector<16xi32> to vector<16xi32>
    %swap3A_681 = arith.constant 1552 : index
    %swap3A_682 = tpu.vector_load %arg6[%swap3A_681] {strides = array<i32>} : memref<3136xi32, #tpu.memory_space<vmem>>, vector<16xi32>,
    %swap3A_683 = vector.shape_cast %swap3A_682 : vector<16xi32> to vector<16xi32>
    %swap3A_684 = vector.shape_cast %get3A_680 : vector<16xi32> to vector<16xi32>
    tpu.vector_store %arg6[%swap3A_681], %swap3A_684 {strides = array<i32>} : memref<3136xi32, #tpu.memory_space<vmem>>, vector<16xi32>,
    %get3A_685 = arith.constant 112 : index
    %get3A_686 = tpu.vector_load %arg5[%get3A_685] {strides = array<i32>} : memref<3136xi32, #tpu.memory_space<vmem>>, vector<16xi32>,
    %get3A_687 = vector.shape_cast %get3A_686 : vector<16xi32> to vector<16xi32>
    %swap3A_688 = arith.constant 1568 : index
    %swap3A_689 = tpu.vector_load %arg6[%swap3A_688] {strides = array<i32>} : memref<3136xi32, #tpu.memory_space<vmem>>, vector<16xi32>,
    %swap3A_690 = vector.shape_cast %swap3A_689 : vector<16xi32> to vector<16xi32>
    %swap3A_691 = vector.shape_cast %get3A_687 : vector<16xi32> to vector<16xi32>
    tpu.vector_store %arg6[%swap3A_688], %swap3A_691 {strides = array<i32>} : memref<3136xi32, #tpu.memory_space<vmem>>, vector<16xi32>,
    %get3A_692 = arith.constant 336 : index
    %get3A_693 = tpu.vector_load %arg5[%get3A_692] {strides = array<i32>} : memref<3136xi32, #tpu.memory_space<vmem>>, vector<16xi32>,
    %get3A_694 = vector.shape_cast %get3A_693 : vector<16xi32> to vector<16xi32>
    %swap3A_695 = arith.constant 1584 : index
    %swap3A_696 = tpu.vector_load %arg6[%swap3A_695] {strides = array<i32>} : memref<3136xi32, #tpu.memory_space<vmem>>, vector<16xi32>,
    %swap3A_697 = vector.shape_cast %swap3A_696 : vector<16xi32> to vector<16xi32>
    %swap3A_698 = vector.shape_cast %get3A_694 : vector<16xi32> to vector<16xi32>
    tpu.vector_store %arg6[%swap3A_695], %swap3A_698 {strides = array<i32>} : memref<3136xi32, #tpu.memory_space<vmem>>, vector<16xi32>,
    %get3A_699 = arith.constant 560 : index
    %get3A_700 = tpu.vector_load %arg5[%get3A_699] {strides = array<i32>} : memref<3136xi32, #tpu.memory_space<vmem>>, vector<16xi32>,
    %get3A_701 = vector.shape_cast %get3A_700 : vector<16xi32> to vector<16xi32>
    %swap3A_702 = arith.constant 1600 : index
    %swap3A_703 = tpu.vector_load %arg6[%swap3A_702] {strides = array<i32>} : memref<3136xi32, #tpu.memory_space<vmem>>, vector<16xi32>,
    %swap3A_704 = vector.shape_cast %swap3A_703 : vector<16xi32> to vector<16xi32>
    %swap3A_705 = vector.shape_cast %get3A_701 : vector<16xi32> to vector<16xi32>
    tpu.vector_store %arg6[%swap3A_702], %swap3A_705 {strides = array<i32>} : memref<3136xi32, #tpu.memory_space<vmem>>, vector<16xi32>,
    %get3A_706 = arith.constant 784 : index
    %get3A_707 = tpu.vector_load %arg5[%get3A_706] {strides = array<i32>} : memref<3136xi32, #tpu.memory_space<vmem>>, vector<16xi32>,
    %get3A_708 = vector.shape_cast %get3A_707 : vector<16xi32> to vector<16xi32>
    %swap3A_709 = arith.constant 1616 : index
    %swap3A_710 = tpu.vector_load %arg6[%swap3A_709] {strides = array<i32>} : memref<3136xi32, #tpu.memory_space<vmem>>, vector<16xi32>,
    %swap3A_711 = vector.shape_cast %swap3A_710 : vector<16xi32> to vector<16xi32>
    %swap3A_712 = vector.shape_cast %get3A_708 : vector<16xi32> to vector<16xi32>
    tpu.vector_store %arg6[%swap3A_709], %swap3A_712 {strides = array<i32>} : memref<3136xi32, #tpu.memory_space<vmem>>, vector<16xi32>,
    %get3A_713 = arith.constant 1008 : index
    %get3A_714 = tpu.vector_load %arg5[%get3A_713] {strides = array<i32>} : memref<3136xi32, #tpu.memory_space<vmem>>, vector<16xi32>,
    %get3A_715 = vector.shape_cast %get3A_714 : vector<16xi32> to vector<16xi32>
    %swap3A_716 = arith.constant 1632 : index
    %swap3A_717 = tpu.vector_load %arg6[%swap3A_716] {strides = array<i32>} : memref<3136xi32, #tpu.memory_space<vmem>>, vector<16xi32>,
    %swap3A_718 = vector.shape_cast %swap3A_717 : vector<16xi32> to vector<16xi32>
    %swap3A_719 = vector.shape_cast %get3A_715 : vector<16xi32> to vector<16xi32>
    tpu.vector_store %arg6[%swap3A_716], %swap3A_719 {strides = array<i32>} : memref<3136xi32, #tpu.memory_space<vmem>>, vector<16xi32>,
    %get3A_720 = arith.constant 1232 : index
    %get3A_721 = tpu.vector_load %arg5[%get3A_720] {strides = array<i32>} : memref<3136xi32, #tpu.memory_space<vmem>>, vector<16xi32>,
    %get3A_722 = vector.shape_cast %get3A_721 : vector<16xi32> to vector<16xi32>
    %swap3A_723 = arith.constant 1648 : index
    %swap3A_724 = tpu.vector_load %arg6[%swap3A_723] {strides = array<i32>} : memref<3136xi32, #tpu.memory_space<vmem>>, vector<16xi32>,
    %swap3A_725 = vector.shape_cast %swap3A_724 : vector<16xi32> to vector<16xi32>
    %swap3A_726 = vector.shape_cast %get3A_722 : vector<16xi32> to vector<16xi32>
    tpu.vector_store %arg6[%swap3A_723], %swap3A_726 {strides = array<i32>} : memref<3136xi32, #tpu.memory_space<vmem>>, vector<16xi32>,
    %get3A_727 = arith.constant 1456 : index
    %get3A_728 = tpu.vector_load %arg5[%get3A_727] {strides = array<i32>} : memref<3136xi32, #tpu.memory_space<vmem>>, vector<16xi32>,
    %get3A_729 = vector.shape_cast %get3A_728 : vector<16xi32> to vector<16xi32>
    %swap3A_730 = arith.constant 1664 : index
    %swap3A_731 = tpu.vector_load %arg6[%swap3A_730] {strides = array<i32>} : memref<3136xi32, #tpu.memory_space<vmem>>, vector<16xi32>,
    %swap3A_732 = vector.shape_cast %swap3A_731 : vector<16xi32> to vector<16xi32>
    %swap3A_733 = vector.shape_cast %get3A_729 : vector<16xi32> to vector<16xi32>
    tpu.vector_store %arg6[%swap3A_730], %swap3A_733 {strides = array<i32>} : memref<3136xi32, #tpu.memory_space<vmem>>, vector<16xi32>,
    %get3A_734 = arith.constant 1680 : index
    %get3A_735 = tpu.vector_load %arg5[%get3A_734] {strides = array<i32>} : memref<3136xi32, #tpu.memory_space<vmem>>, vector<16xi32>,
    %get3A_736 = vector.shape_cast %get3A_735 : vector<16xi32> to vector<16xi32>
    %swap3A_737 = arith.constant 1680 : index
    %swap3A_738 = tpu.vector_load %arg6[%swap3A_737] {strides = array<i32>} : memref<3136xi32, #tpu.memory_space<vmem>>, vector<16xi32>,
    %swap3A_739 = vector.shape_cast %swap3A_738 : vector<16xi32> to vector<16xi32>
    %swap3A_740 = vector.shape_cast %get3A_736 : vector<16xi32> to vector<16xi32>
    tpu.vector_store %arg6[%swap3A_737], %swap3A_740 {strides = array<i32>} : memref<3136xi32, #tpu.memory_space<vmem>>, vector<16xi32>,
    %get3A_741 = arith.constant 1904 : index
    %get3A_742 = tpu.vector_load %arg5[%get3A_741] {strides = array<i32>} : memref<3136xi32, #tpu.memory_space<vmem>>, vector<16xi32>,
    %get3A_743 = vector.shape_cast %get3A_742 : vector<16xi32> to vector<16xi32>
    %swap3A_744 = arith.constant 1696 : index
    %swap3A_745 = tpu.vector_load %arg6[%swap3A_744] {strides = array<i32>} : memref<3136xi32, #tpu.memory_space<vmem>>, vector<16xi32>,
    %swap3A_746 = vector.shape_cast %swap3A_745 : vector<16xi32> to vector<16xi32>
    %swap3A_747 = vector.shape_cast %get3A_743 : vector<16xi32> to vector<16xi32>
    tpu.vector_store %arg6[%swap3A_744], %swap3A_747 {strides = array<i32>} : memref<3136xi32, #tpu.memory_space<vmem>>, vector<16xi32>,
    %get3A_748 = arith.constant 2128 : index
    %get3A_749 = tpu.vector_load %arg5[%get3A_748] {strides = array<i32>} : memref<3136xi32, #tpu.memory_space<vmem>>, vector<16xi32>,
    %get3A_750 = vector.shape_cast %get3A_749 : vector<16xi32> to vector<16xi32>
    %swap3A_751 = arith.constant 1712 : index
    %swap3A_752 = tpu.vector_load %arg6[%swap3A_751] {strides = array<i32>} : memref<3136xi32, #tpu.memory_space<vmem>>, vector<16xi32>,
    %swap3A_753 = vector.shape_cast %swap3A_752 : vector<16xi32> to vector<16xi32>
    %swap3A_754 = vector.shape_cast %get3A_750 : vector<16xi32> to vector<16xi32>
    tpu.vector_store %arg6[%swap3A_751], %swap3A_754 {strides = array<i32>} : memref<3136xi32, #tpu.memory_space<vmem>>, vector<16xi32>,
    %get3A_755 = arith.constant 2352 : index
    %get3A_756 = tpu.vector_load %arg5[%get3A_755] {strides = array<i32>} : memref<3136xi32, #tpu.memory_space<vmem>>, vector<16xi32>,
    %get3A_757 = vector.shape_cast %get3A_756 : vector<16xi32> to vector<16xi32>
    %swap3A_758 = arith.constant 1728 : index
    %swap3A_759 = tpu.vector_load %arg6[%swap3A_758] {strides = array<i32>} : memref<3136xi32, #tpu.memory_space<vmem>>, vector<16xi32>,
    %swap3A_760 = vector.shape_cast %swap3A_759 : vector<16xi32> to vector<16xi32>
    %swap3A_761 = vector.shape_cast %get3A_757 : vector<16xi32> to vector<16xi32>
    tpu.vector_store %arg6[%swap3A_758], %swap3A_761 {strides = array<i32>} : memref<3136xi32, #tpu.memory_space<vmem>>, vector<16xi32>,
    %get3A_762 = arith.constant 2576 : index
    %get3A_763 = tpu.vector_load %arg5[%get3A_762] {strides = array<i32>} : memref<3136xi32, #tpu.memory_space<vmem>>, vector<16xi32>,
    %get3A_764 = vector.shape_cast %get3A_763 : vector<16xi32> to vector<16xi32>
    %swap3A_765 = arith.constant 1744 : index
    %swap3A_766 = tpu.vector_load %arg6[%swap3A_765] {strides = array<i32>} : memref<3136xi32, #tpu.memory_space<vmem>>, vector<16xi32>,
    %swap3A_767 = vector.shape_cast %swap3A_766 : vector<16xi32> to vector<16xi32>
    %swap3A_768 = vector.shape_cast %get3A_764 : vector<16xi32> to vector<16xi32>
    tpu.vector_store %arg6[%swap3A_765], %swap3A_768 {strides = array<i32>} : memref<3136xi32, #tpu.memory_space<vmem>>, vector<16xi32>,
    %get3A_769 = arith.constant 2800 : index
    %get3A_770 = tpu.vector_load %arg5[%get3A_769] {strides = array<i32>} : memref<3136xi32, #tpu.memory_space<vmem>>, vector<16xi32>,
    %get3A_771 = vector.shape_cast %get3A_770 : vector<16xi32> to vector<16xi32>
    %swap3A_772 = arith.constant 1760 : index
    %swap3A_773 = tpu.vector_load %arg6[%swap3A_772] {strides = array<i32>} : memref<3136xi32, #tpu.memory_space<vmem>>, vector<16xi32>,
    %swap3A_774 = vector.shape_cast %swap3A_773 : vector<16xi32> to vector<16xi32>
    %swap3A_775 = vector.shape_cast %get3A_771 : vector<16xi32> to vector<16xi32>
    tpu.vector_store %arg6[%swap3A_772], %swap3A_775 {strides = array<i32>} : memref<3136xi32, #tpu.memory_space<vmem>>, vector<16xi32>,
    %get3A_776 = arith.constant 3024 : index
    %get3A_777 = tpu.vector_load %arg5[%get3A_776] {strides = array<i32>} : memref<3136xi32, #tpu.memory_space<vmem>>, vector<16xi32>,
    %get3A_778 = vector.shape_cast %get3A_777 : vector<16xi32> to vector<16xi32>
    %swap3A_779 = arith.constant 1776 : index
    %swap3A_780 = tpu.vector_load %arg6[%swap3A_779] {strides = array<i32>} : memref<3136xi32, #tpu.memory_space<vmem>>, vector<16xi32>,
    %swap3A_781 = vector.shape_cast %swap3A_780 : vector<16xi32> to vector<16xi32>
    %swap3A_782 = vector.shape_cast %get3A_778 : vector<16xi32> to vector<16xi32>
    tpu.vector_store %arg6[%swap3A_779], %swap3A_782 {strides = array<i32>} : memref<3136xi32, #tpu.memory_space<vmem>>, vector<16xi32>,
    %get3A_783 = arith.constant 128 : index
    %get3A_784 = tpu.vector_load %arg5[%get3A_783] {strides = array<i32>} : memref<3136xi32, #tpu.memory_space<vmem>>, vector<16xi32>,
    %get3A_785 = vector.shape_cast %get3A_784 : vector<16xi32> to vector<16xi32>
    %swap3A_786 = arith.constant 1792 : index
    %swap3A_787 = tpu.vector_load %arg6[%swap3A_786] {strides = array<i32>} : memref<3136xi32, #tpu.memory_space<vmem>>, vector<16xi32>,
    %swap3A_788 = vector.shape_cast %swap3A_787 : vector<16xi32> to vector<16xi32>
    %swap3A_789 = vector.shape_cast %get3A_785 : vector<16xi32> to vector<16xi32>
    tpu.vector_store %arg6[%swap3A_786], %swap3A_789 {strides = array<i32>} : memref<3136xi32, #tpu.memory_space<vmem>>, vector<16xi32>,
    %get3A_790 = arith.constant 352 : index
    %get3A_791 = tpu.vector_load %arg5[%get3A_790] {strides = array<i32>} : memref<3136xi32, #tpu.memory_space<vmem>>, vector<16xi32>,
    %get3A_792 = vector.shape_cast %get3A_791 : vector<16xi32> to vector<16xi32>
    %swap3A_793 = arith.constant 1808 : index
    %swap3A_794 = tpu.vector_load %arg6[%swap3A_793] {strides = array<i32>} : memref<3136xi32, #tpu.memory_space<vmem>>, vector<16xi32>,
    %swap3A_795 = vector.shape_cast %swap3A_794 : vector<16xi32> to vector<16xi32>
    %swap3A_796 = vector.shape_cast %get3A_792 : vector<16xi32> to vector<16xi32>
    tpu.vector_store %arg6[%swap3A_793], %swap3A_796 {strides = array<i32>} : memref<3136xi32, #tpu.memory_space<vmem>>, vector<16xi32>,
    %get3A_797 = arith.constant 576 : index
    %get3A_798 = tpu.vector_load %arg5[%get3A_797] {strides = array<i32>} : memref<3136xi32, #tpu.memory_space<vmem>>, vector<16xi32>,
    %get3A_799 = vector.shape_cast %get3A_798 : vector<16xi32> to vector<16xi32>
    %swap3A_800 = arith.constant 1824 : index
    %swap3A_801 = tpu.vector_load %arg6[%swap3A_800] {strides = array<i32>} : memref<3136xi32, #tpu.memory_space<vmem>>, vector<16xi32>,
    %swap3A_802 = vector.shape_cast %swap3A_801 : vector<16xi32> to vector<16xi32>
    %swap3A_803 = vector.shape_cast %get3A_799 : vector<16xi32> to vector<16xi32>
    tpu.vector_store %arg6[%swap3A_800], %swap3A_803 {strides = array<i32>} : memref<3136xi32, #tpu.memory_space<vmem>>, vector<16xi32>,
    %get3A_804 = arith.constant 800 : index
    %get3A_805 = tpu.vector_load %arg5[%get3A_804] {strides = array<i32>} : memref<3136xi32, #tpu.memory_space<vmem>>, vector<16xi32>,
    %get3A_806 = vector.shape_cast %get3A_805 : vector<16xi32> to vector<16xi32>
    %swap3A_807 = arith.constant 1840 : index
    %swap3A_808 = tpu.vector_load %arg6[%swap3A_807] {strides = array<i32>} : memref<3136xi32, #tpu.memory_space<vmem>>, vector<16xi32>,
    %swap3A_809 = vector.shape_cast %swap3A_808 : vector<16xi32> to vector<16xi32>
    %swap3A_810 = vector.shape_cast %get3A_806 : vector<16xi32> to vector<16xi32>
    tpu.vector_store %arg6[%swap3A_807], %swap3A_810 {strides = array<i32>} : memref<3136xi32, #tpu.memory_space<vmem>>, vector<16xi32>,
    %get3A_811 = arith.constant 1024 : index
    %get3A_812 = tpu.vector_load %arg5[%get3A_811] {strides = array<i32>} : memref<3136xi32, #tpu.memory_space<vmem>>, vector<16xi32>,
    %get3A_813 = vector.shape_cast %get3A_812 : vector<16xi32> to vector<16xi32>
    %swap3A_814 = arith.constant 1856 : index
    %swap3A_815 = tpu.vector_load %arg6[%swap3A_814] {strides = array<i32>} : memref<3136xi32, #tpu.memory_space<vmem>>, vector<16xi32>,
    %swap3A_816 = vector.shape_cast %swap3A_815 : vector<16xi32> to vector<16xi32>
    %swap3A_817 = vector.shape_cast %get3A_813 : vector<16xi32> to vector<16xi32>
    tpu.vector_store %arg6[%swap3A_814], %swap3A_817 {strides = array<i32>} : memref<3136xi32, #tpu.memory_space<vmem>>, vector<16xi32>,
    %get3A_818 = arith.constant 1248 : index
    %get3A_819 = tpu.vector_load %arg5[%get3A_818] {strides = array<i32>} : memref<3136xi32, #tpu.memory_space<vmem>>, vector<16xi32>,
    %get3A_820 = vector.shape_cast %get3A_819 : vector<16xi32> to vector<16xi32>
    %swap3A_821 = arith.constant 1872 : index
    %swap3A_822 = tpu.vector_load %arg6[%swap3A_821] {strides = array<i32>} : memref<3136xi32, #tpu.memory_space<vmem>>, vector<16xi32>,
    %swap3A_823 = vector.shape_cast %swap3A_822 : vector<16xi32> to vector<16xi32>
    %swap3A_824 = vector.shape_cast %get3A_820 : vector<16xi32> to vector<16xi32>
    tpu.vector_store %arg6[%swap3A_821], %swap3A_824 {strides = array<i32>} : memref<3136xi32, #tpu.memory_space<vmem>>, vector<16xi32>,
    %get3A_825 = arith.constant 1472 : index
    %get3A_826 = tpu.vector_load %arg5[%get3A_825] {strides = array<i32>} : memref<3136xi32, #tpu.memory_space<vmem>>, vector<16xi32>,
    %get3A_827 = vector.shape_cast %get3A_826 : vector<16xi32> to vector<16xi32>
    %swap3A_828 = arith.constant 1888 : index
    %swap3A_829 = tpu.vector_load %arg6[%swap3A_828] {strides = array<i32>} : memref<3136xi32, #tpu.memory_space<vmem>>, vector<16xi32>,
    %swap3A_830 = vector.shape_cast %swap3A_829 : vector<16xi32> to vector<16xi32>
    %swap3A_831 = vector.shape_cast %get3A_827 : vector<16xi32> to vector<16xi32>
    tpu.vector_store %arg6[%swap3A_828], %swap3A_831 {strides = array<i32>} : memref<3136xi32, #tpu.memory_space<vmem>>, vector<16xi32>,
    %get3A_832 = arith.constant 1696 : index
    %get3A_833 = tpu.vector_load %arg5[%get3A_832] {strides = array<i32>} : memref<3136xi32, #tpu.memory_space<vmem>>, vector<16xi32>,
    %get3A_834 = vector.shape_cast %get3A_833 : vector<16xi32> to vector<16xi32>
    %swap3A_835 = arith.constant 1904 : index
    %swap3A_836 = tpu.vector_load %arg6[%swap3A_835] {strides = array<i32>} : memref<3136xi32, #tpu.memory_space<vmem>>, vector<16xi32>,
    %swap3A_837 = vector.shape_cast %swap3A_836 : vector<16xi32> to vector<16xi32>
    %swap3A_838 = vector.shape_cast %get3A_834 : vector<16xi32> to vector<16xi32>
    tpu.vector_store %arg6[%swap3A_835], %swap3A_838 {strides = array<i32>} : memref<3136xi32, #tpu.memory_space<vmem>>, vector<16xi32>,
    %get3A_839 = arith.constant 1920 : index
    %get3A_840 = tpu.vector_load %arg5[%get3A_839] {strides = array<i32>} : memref<3136xi32, #tpu.memory_space<vmem>>, vector<16xi32>,
    %get3A_841 = vector.shape_cast %get3A_840 : vector<16xi32> to vector<16xi32>
    %swap3A_842 = arith.constant 1920 : index
    %swap3A_843 = tpu.vector_load %arg6[%swap3A_842] {strides = array<i32>} : memref<3136xi32, #tpu.memory_space<vmem>>, vector<16xi32>,
    %swap3A_844 = vector.shape_cast %swap3A_843 : vector<16xi32> to vector<16xi32>
    %swap3A_845 = vector.shape_cast %get3A_841 : vector<16xi32> to vector<16xi32>
    tpu.vector_store %arg6[%swap3A_842], %swap3A_845 {strides = array<i32>} : memref<3136xi32, #tpu.memory_space<vmem>>, vector<16xi32>,
    %get3A_846 = arith.constant 2144 : index
    %get3A_847 = tpu.vector_load %arg5[%get3A_846] {strides = array<i32>} : memref<3136xi32, #tpu.memory_space<vmem>>, vector<16xi32>,
    %get3A_848 = vector.shape_cast %get3A_847 : vector<16xi32> to vector<16xi32>
    %swap3A_849 = arith.constant 1936 : index
    %swap3A_850 = tpu.vector_load %arg6[%swap3A_849] {strides = array<i32>} : memref<3136xi32, #tpu.memory_space<vmem>>, vector<16xi32>,
    %swap3A_851 = vector.shape_cast %swap3A_850 : vector<16xi32> to vector<16xi32>
    %swap3A_852 = vector.shape_cast %get3A_848 : vector<16xi32> to vector<16xi32>
    tpu.vector_store %arg6[%swap3A_849], %swap3A_852 {strides = array<i32>} : memref<3136xi32, #tpu.memory_space<vmem>>, vector<16xi32>,
    %get3A_853 = arith.constant 2368 : index
    %get3A_854 = tpu.vector_load %arg5[%get3A_853] {strides = array<i32>} : memref<3136xi32, #tpu.memory_space<vmem>>, vector<16xi32>,
    %get3A_855 = vector.shape_cast %get3A_854 : vector<16xi32> to vector<16xi32>
    %swap3A_856 = arith.constant 1952 : index
    %swap3A_857 = tpu.vector_load %arg6[%swap3A_856] {strides = array<i32>} : memref<3136xi32, #tpu.memory_space<vmem>>, vector<16xi32>,
    %swap3A_858 = vector.shape_cast %swap3A_857 : vector<16xi32> to vector<16xi32>
    %swap3A_859 = vector.shape_cast %get3A_855 : vector<16xi32> to vector<16xi32>
    tpu.vector_store %arg6[%swap3A_856], %swap3A_859 {strides = array<i32>} : memref<3136xi32, #tpu.memory_space<vmem>>, vector<16xi32>,
    %get3A_860 = arith.constant 2592 : index
    %get3A_861 = tpu.vector_load %arg5[%get3A_860] {strides = array<i32>} : memref<3136xi32, #tpu.memory_space<vmem>>, vector<16xi32>,
    %get3A_862 = vector.shape_cast %get3A_861 : vector<16xi32> to vector<16xi32>
    %swap3A_863 = arith.constant 1968 : index
    %swap3A_864 = tpu.vector_load %arg6[%swap3A_863] {strides = array<i32>} : memref<3136xi32, #tpu.memory_space<vmem>>, vector<16xi32>,
    %swap3A_865 = vector.shape_cast %swap3A_864 : vector<16xi32> to vector<16xi32>
    %swap3A_866 = vector.shape_cast %get3A_862 : vector<16xi32> to vector<16xi32>
    tpu.vector_store %arg6[%swap3A_863], %swap3A_866 {strides = array<i32>} : memref<3136xi32, #tpu.memory_space<vmem>>, vector<16xi32>,
    %get3A_867 = arith.constant 2816 : index
    %get3A_868 = tpu.vector_load %arg5[%get3A_867] {strides = array<i32>} : memref<3136xi32, #tpu.memory_space<vmem>>, vector<16xi32>,
    %get3A_869 = vector.shape_cast %get3A_868 : vector<16xi32> to vector<16xi32>
    %swap3A_870 = arith.constant 1984 : index
    %swap3A_871 = tpu.vector_load %arg6[%swap3A_870] {strides = array<i32>} : memref<3136xi32, #tpu.memory_space<vmem>>, vector<16xi32>,
    %swap3A_872 = vector.shape_cast %swap3A_871 : vector<16xi32> to vector<16xi32>
    %swap3A_873 = vector.shape_cast %get3A_869 : vector<16xi32> to vector<16xi32>
    tpu.vector_store %arg6[%swap3A_870], %swap3A_873 {strides = array<i32>} : memref<3136xi32, #tpu.memory_space<vmem>>, vector<16xi32>,
    %get3A_874 = arith.constant 3040 : index
    %get3A_875 = tpu.vector_load %arg5[%get3A_874] {strides = array<i32>} : memref<3136xi32, #tpu.memory_space<vmem>>, vector<16xi32>,
    %get3A_876 = vector.shape_cast %get3A_875 : vector<16xi32> to vector<16xi32>
    %swap3A_877 = arith.constant 2000 : index
    %swap3A_878 = tpu.vector_load %arg6[%swap3A_877] {strides = array<i32>} : memref<3136xi32, #tpu.memory_space<vmem>>, vector<16xi32>,
    %swap3A_879 = vector.shape_cast %swap3A_878 : vector<16xi32> to vector<16xi32>
    %swap3A_880 = vector.shape_cast %get3A_876 : vector<16xi32> to vector<16xi32>
    tpu.vector_store %arg6[%swap3A_877], %swap3A_880 {strides = array<i32>} : memref<3136xi32, #tpu.memory_space<vmem>>, vector<16xi32>,
    %get3A_881 = arith.constant 144 : index
    %get3A_882 = tpu.vector_load %arg5[%get3A_881] {strides = array<i32>} : memref<3136xi32, #tpu.memory_space<vmem>>, vector<16xi32>,
    %get3A_883 = vector.shape_cast %get3A_882 : vector<16xi32> to vector<16xi32>
    %swap3A_884 = arith.constant 2016 : index
    %swap3A_885 = tpu.vector_load %arg6[%swap3A_884] {strides = array<i32>} : memref<3136xi32, #tpu.memory_space<vmem>>, vector<16xi32>,
    %swap3A_886 = vector.shape_cast %swap3A_885 : vector<16xi32> to vector<16xi32>
    %swap3A_887 = vector.shape_cast %get3A_883 : vector<16xi32> to vector<16xi32>
    tpu.vector_store %arg6[%swap3A_884], %swap3A_887 {strides = array<i32>} : memref<3136xi32, #tpu.memory_space<vmem>>, vector<16xi32>,
    %get3A_888 = arith.constant 368 : index
    %get3A_889 = tpu.vector_load %arg5[%get3A_888] {strides = array<i32>} : memref<3136xi32, #tpu.memory_space<vmem>>, vector<16xi32>,
    %get3A_890 = vector.shape_cast %get3A_889 : vector<16xi32> to vector<16xi32>
    %swap3A_891 = arith.constant 2032 : index
    %swap3A_892 = tpu.vector_load %arg6[%swap3A_891] {strides = array<i32>} : memref<3136xi32, #tpu.memory_space<vmem>>, vector<16xi32>,
    %swap3A_893 = vector.shape_cast %swap3A_892 : vector<16xi32> to vector<16xi32>
    %swap3A_894 = vector.shape_cast %get3A_890 : vector<16xi32> to vector<16xi32>
    tpu.vector_store %arg6[%swap3A_891], %swap3A_894 {strides = array<i32>} : memref<3136xi32, #tpu.memory_space<vmem>>, vector<16xi32>,
    %get3A_895 = arith.constant 592 : index
    %get3A_896 = tpu.vector_load %arg5[%get3A_895] {strides = array<i32>} : memref<3136xi32, #tpu.memory_space<vmem>>, vector<16xi32>,
    %get3A_897 = vector.shape_cast %get3A_896 : vector<16xi32> to vector<16xi32>
    %swap3A_898 = arith.constant 2048 : index
    %swap3A_899 = tpu.vector_load %arg6[%swap3A_898] {strides = array<i32>} : memref<3136xi32, #tpu.memory_space<vmem>>, vector<16xi32>,
    %swap3A_900 = vector.shape_cast %swap3A_899 : vector<16xi32> to vector<16xi32>
    %swap3A_901 = vector.shape_cast %get3A_897 : vector<16xi32> to vector<16xi32>
    tpu.vector_store %arg6[%swap3A_898], %swap3A_901 {strides = array<i32>} : memref<3136xi32, #tpu.memory_space<vmem>>, vector<16xi32>,
    %get3A_902 = arith.constant 816 : index
    %get3A_903 = tpu.vector_load %arg5[%get3A_902] {strides = array<i32>} : memref<3136xi32, #tpu.memory_space<vmem>>, vector<16xi32>,
    %get3A_904 = vector.shape_cast %get3A_903 : vector<16xi32> to vector<16xi32>
    %swap3A_905 = arith.constant 2064 : index
    %swap3A_906 = tpu.vector_load %arg6[%swap3A_905] {strides = array<i32>} : memref<3136xi32, #tpu.memory_space<vmem>>, vector<16xi32>,
    %swap3A_907 = vector.shape_cast %swap3A_906 : vector<16xi32> to vector<16xi32>
    %swap3A_908 = vector.shape_cast %get3A_904 : vector<16xi32> to vector<16xi32>
    tpu.vector_store %arg6[%swap3A_905], %swap3A_908 {strides = array<i32>} : memref<3136xi32, #tpu.memory_space<vmem>>, vector<16xi32>,
    %get3A_909 = arith.constant 1040 : index
    %get3A_910 = tpu.vector_load %arg5[%get3A_909] {strides = array<i32>} : memref<3136xi32, #tpu.memory_space<vmem>>, vector<16xi32>,
    %get3A_911 = vector.shape_cast %get3A_910 : vector<16xi32> to vector<16xi32>
    %swap3A_912 = arith.constant 2080 : index
    %swap3A_913 = tpu.vector_load %arg6[%swap3A_912] {strides = array<i32>} : memref<3136xi32, #tpu.memory_space<vmem>>, vector<16xi32>,
    %swap3A_914 = vector.shape_cast %swap3A_913 : vector<16xi32> to vector<16xi32>
    %swap3A_915 = vector.shape_cast %get3A_911 : vector<16xi32> to vector<16xi32>
    tpu.vector_store %arg6[%swap3A_912], %swap3A_915 {strides = array<i32>} : memref<3136xi32, #tpu.memory_space<vmem>>, vector<16xi32>,
    %get3A_916 = arith.constant 1264 : index
    %get3A_917 = tpu.vector_load %arg5[%get3A_916] {strides = array<i32>} : memref<3136xi32, #tpu.memory_space<vmem>>, vector<16xi32>,
    %get3A_918 = vector.shape_cast %get3A_917 : vector<16xi32> to vector<16xi32>
    %swap3A_919 = arith.constant 2096 : index
    %swap3A_920 = tpu.vector_load %arg6[%swap3A_919] {strides = array<i32>} : memref<3136xi32, #tpu.memory_space<vmem>>, vector<16xi32>,
    %swap3A_921 = vector.shape_cast %swap3A_920 : vector<16xi32> to vector<16xi32>
    %swap3A_922 = vector.shape_cast %get3A_918 : vector<16xi32> to vector<16xi32>
    tpu.vector_store %arg6[%swap3A_919], %swap3A_922 {strides = array<i32>} : memref<3136xi32, #tpu.memory_space<vmem>>, vector<16xi32>,
    %get3A_923 = arith.constant 1488 : index
    %get3A_924 = tpu.vector_load %arg5[%get3A_923] {strides = array<i32>} : memref<3136xi32, #tpu.memory_space<vmem>>, vector<16xi32>,
    %get3A_925 = vector.shape_cast %get3A_924 : vector<16xi32> to vector<16xi32>
    %swap3A_926 = arith.constant 2112 : index
    %swap3A_927 = tpu.vector_load %arg6[%swap3A_926] {strides = array<i32>} : memref<3136xi32, #tpu.memory_space<vmem>>, vector<16xi32>,
    %swap3A_928 = vector.shape_cast %swap3A_927 : vector<16xi32> to vector<16xi32>
    %swap3A_929 = vector.shape_cast %get3A_925 : vector<16xi32> to vector<16xi32>
    tpu.vector_store %arg6[%swap3A_926], %swap3A_929 {strides = array<i32>} : memref<3136xi32, #tpu.memory_space<vmem>>, vector<16xi32>,
    %get3A_930 = arith.constant 1712 : index
    %get3A_931 = tpu.vector_load %arg5[%get3A_930] {strides = array<i32>} : memref<3136xi32, #tpu.memory_space<vmem>>, vector<16xi32>,
    %get3A_932 = vector.shape_cast %get3A_931 : vector<16xi32> to vector<16xi32>
    %swap3A_933 = arith.constant 2128 : index
    %swap3A_934 = tpu.vector_load %arg6[%swap3A_933] {strides = array<i32>} : memref<3136xi32, #tpu.memory_space<vmem>>, vector<16xi32>,
    %swap3A_935 = vector.shape_cast %swap3A_934 : vector<16xi32> to vector<16xi32>
    %swap3A_936 = vector.shape_cast %get3A_932 : vector<16xi32> to vector<16xi32>
    tpu.vector_store %arg6[%swap3A_933], %swap3A_936 {strides = array<i32>} : memref<3136xi32, #tpu.memory_space<vmem>>, vector<16xi32>,
    %get3A_937 = arith.constant 1936 : index
    %get3A_938 = tpu.vector_load %arg5[%get3A_937] {strides = array<i32>} : memref<3136xi32, #tpu.memory_space<vmem>>, vector<16xi32>,
    %get3A_939 = vector.shape_cast %get3A_938 : vector<16xi32> to vector<16xi32>
    %swap3A_940 = arith.constant 2144 : index
    %swap3A_941 = tpu.vector_load %arg6[%swap3A_940] {strides = array<i32>} : memref<3136xi32, #tpu.memory_space<vmem>>, vector<16xi32>,
    %swap3A_942 = vector.shape_cast %swap3A_941 : vector<16xi32> to vector<16xi32>
    %swap3A_943 = vector.shape_cast %get3A_939 : vector<16xi32> to vector<16xi32>
    tpu.vector_store %arg6[%swap3A_940], %swap3A_943 {strides = array<i32>} : memref<3136xi32, #tpu.memory_space<vmem>>, vector<16xi32>,
    %get3A_944 = arith.constant 2160 : index
    %get3A_945 = tpu.vector_load %arg5[%get3A_944] {strides = array<i32>} : memref<3136xi32, #tpu.memory_space<vmem>>, vector<16xi32>,
    %get3A_946 = vector.shape_cast %get3A_945 : vector<16xi32> to vector<16xi32>
    %swap3A_947 = arith.constant 2160 : index
    %swap3A_948 = tpu.vector_load %arg6[%swap3A_947] {strides = array<i32>} : memref<3136xi32, #tpu.memory_space<vmem>>, vector<16xi32>,
    %swap3A_949 = vector.shape_cast %swap3A_948 : vector<16xi32> to vector<16xi32>
    %swap3A_950 = vector.shape_cast %get3A_946 : vector<16xi32> to vector<16xi32>
    tpu.vector_store %arg6[%swap3A_947], %swap3A_950 {strides = array<i32>} : memref<3136xi32, #tpu.memory_space<vmem>>, vector<16xi32>,
    %get3A_951 = arith.constant 2384 : index
    %get3A_952 = tpu.vector_load %arg5[%get3A_951] {strides = array<i32>} : memref<3136xi32, #tpu.memory_space<vmem>>, vector<16xi32>,
    %get3A_953 = vector.shape_cast %get3A_952 : vector<16xi32> to vector<16xi32>
    %swap3A_954 = arith.constant 2176 : index
    %swap3A_955 = tpu.vector_load %arg6[%swap3A_954] {strides = array<i32>} : memref<3136xi32, #tpu.memory_space<vmem>>, vector<16xi32>,
    %swap3A_956 = vector.shape_cast %swap3A_955 : vector<16xi32> to vector<16xi32>
    %swap3A_957 = vector.shape_cast %get3A_953 : vector<16xi32> to vector<16xi32>
    tpu.vector_store %arg6[%swap3A_954], %swap3A_957 {strides = array<i32>} : memref<3136xi32, #tpu.memory_space<vmem>>, vector<16xi32>,
    %get3A_958 = arith.constant 2608 : index
    %get3A_959 = tpu.vector_load %arg5[%get3A_958] {strides = array<i32>} : memref<3136xi32, #tpu.memory_space<vmem>>, vector<16xi32>,
    %get3A_960 = vector.shape_cast %get3A_959 : vector<16xi32> to vector<16xi32>
    %swap3A_961 = arith.constant 2192 : index
    %swap3A_962 = tpu.vector_load %arg6[%swap3A_961] {strides = array<i32>} : memref<3136xi32, #tpu.memory_space<vmem>>, vector<16xi32>,
    %swap3A_963 = vector.shape_cast %swap3A_962 : vector<16xi32> to vector<16xi32>
    %swap3A_964 = vector.shape_cast %get3A_960 : vector<16xi32> to vector<16xi32>
    tpu.vector_store %arg6[%swap3A_961], %swap3A_964 {strides = array<i32>} : memref<3136xi32, #tpu.memory_space<vmem>>, vector<16xi32>,
    %get3A_965 = arith.constant 2832 : index
    %get3A_966 = tpu.vector_load %arg5[%get3A_965] {strides = array<i32>} : memref<3136xi32, #tpu.memory_space<vmem>>, vector<16xi32>,
    %get3A_967 = vector.shape_cast %get3A_966 : vector<16xi32> to vector<16xi32>
    %swap3A_968 = arith.constant 2208 : index
    %swap3A_969 = tpu.vector_load %arg6[%swap3A_968] {strides = array<i32>} : memref<3136xi32, #tpu.memory_space<vmem>>, vector<16xi32>,
    %swap3A_970 = vector.shape_cast %swap3A_969 : vector<16xi32> to vector<16xi32>
    %swap3A_971 = vector.shape_cast %get3A_967 : vector<16xi32> to vector<16xi32>
    tpu.vector_store %arg6[%swap3A_968], %swap3A_971 {strides = array<i32>} : memref<3136xi32, #tpu.memory_space<vmem>>, vector<16xi32>,
    %get3A_972 = arith.constant 3056 : index
    %get3A_973 = tpu.vector_load %arg5[%get3A_972] {strides = array<i32>} : memref<3136xi32, #tpu.memory_space<vmem>>, vector<16xi32>,
    %get3A_974 = vector.shape_cast %get3A_973 : vector<16xi32> to vector<16xi32>
    %swap3A_975 = arith.constant 2224 : index
    %swap3A_976 = tpu.vector_load %arg6[%swap3A_975] {strides = array<i32>} : memref<3136xi32, #tpu.memory_space<vmem>>, vector<16xi32>,
    %swap3A_977 = vector.shape_cast %swap3A_976 : vector<16xi32> to vector<16xi32>
    %swap3A_978 = vector.shape_cast %get3A_974 : vector<16xi32> to vector<16xi32>
    tpu.vector_store %arg6[%swap3A_975], %swap3A_978 {strides = array<i32>} : memref<3136xi32, #tpu.memory_space<vmem>>, vector<16xi32>,
    %get3A_979 = arith.constant 160 : index
    %get3A_980 = tpu.vector_load %arg5[%get3A_979] {strides = array<i32>} : memref<3136xi32, #tpu.memory_space<vmem>>, vector<16xi32>,
    %get3A_981 = vector.shape_cast %get3A_980 : vector<16xi32> to vector<16xi32>
    %swap3A_982 = arith.constant 2240 : index
    %swap3A_983 = tpu.vector_load %arg6[%swap3A_982] {strides = array<i32>} : memref<3136xi32, #tpu.memory_space<vmem>>, vector<16xi32>,
    %swap3A_984 = vector.shape_cast %swap3A_983 : vector<16xi32> to vector<16xi32>
    %swap3A_985 = vector.shape_cast %get3A_981 : vector<16xi32> to vector<16xi32>
    tpu.vector_store %arg6[%swap3A_982], %swap3A_985 {strides = array<i32>} : memref<3136xi32, #tpu.memory_space<vmem>>, vector<16xi32>,
    %get3A_986 = arith.constant 384 : index
    %get3A_987 = tpu.vector_load %arg5[%get3A_986] {strides = array<i32>} : memref<3136xi32, #tpu.memory_space<vmem>>, vector<16xi32>,
    %get3A_988 = vector.shape_cast %get3A_987 : vector<16xi32> to vector<16xi32>
    %swap3A_989 = arith.constant 2256 : index
    %swap3A_990 = tpu.vector_load %arg6[%swap3A_989] {strides = array<i32>} : memref<3136xi32, #tpu.memory_space<vmem>>, vector<16xi32>,
    %swap3A_991 = vector.shape_cast %swap3A_990 : vector<16xi32> to vector<16xi32>
    %swap3A_992 = vector.shape_cast %get3A_988 : vector<16xi32> to vector<16xi32>
    tpu.vector_store %arg6[%swap3A_989], %swap3A_992 {strides = array<i32>} : memref<3136xi32, #tpu.memory_space<vmem>>, vector<16xi32>,
    %get3A_993 = arith.constant 608 : index
    %get3A_994 = tpu.vector_load %arg5[%get3A_993] {strides = array<i32>} : memref<3136xi32, #tpu.memory_space<vmem>>, vector<16xi32>,
    %get3A_995 = vector.shape_cast %get3A_994 : vector<16xi32> to vector<16xi32>
    %swap3A_996 = arith.constant 2272 : index
    %swap3A_997 = tpu.vector_load %arg6[%swap3A_996] {strides = array<i32>} : memref<3136xi32, #tpu.memory_space<vmem>>, vector<16xi32>,
    %swap3A_998 = vector.shape_cast %swap3A_997 : vector<16xi32> to vector<16xi32>
    %swap3A_999 = vector.shape_cast %get3A_995 : vector<16xi32> to vector<16xi32>
    tpu.vector_store %arg6[%swap3A_996], %swap3A_999 {strides = array<i32>} : memref<3136xi32, #tpu.memory_space<vmem>>, vector<16xi32>,
    %get3A_1000 = arith.constant 832 : index
    %get3A_1001 = tpu.vector_load %arg5[%get3A_1000] {strides = array<i32>} : memref<3136xi32, #tpu.memory_space<vmem>>, vector<16xi32>,
    %get3A_1002 = vector.shape_cast %get3A_1001 : vector<16xi32> to vector<16xi32>
    %swap3A_1003 = arith.constant 2288 : index
    %swap3A_1004 = tpu.vector_load %arg6[%swap3A_1003] {strides = array<i32>} : memref<3136xi32, #tpu.memory_space<vmem>>, vector<16xi32>,
    %swap3A_1005 = vector.shape_cast %swap3A_1004 : vector<16xi32> to vector<16xi32>
    %swap3A_1006 = vector.shape_cast %get3A_1002 : vector<16xi32> to vector<16xi32>
    tpu.vector_store %arg6[%swap3A_1003], %swap3A_1006 {strides = array<i32>} : memref<3136xi32, #tpu.memory_space<vmem>>, vector<16xi32>,
    %get3A_1007 = arith.constant 1056 : index
    %get3A_1008 = tpu.vector_load %arg5[%get3A_1007] {strides = array<i32>} : memref<3136xi32, #tpu.memory_space<vmem>>, vector<16xi32>,
    %get3A_1009 = vector.shape_cast %get3A_1008 : vector<16xi32> to vector<16xi32>
    %swap3A_1010 = arith.constant 2304 : index
    %swap3A_1011 = tpu.vector_load %arg6[%swap3A_1010] {strides = array<i32>} : memref<3136xi32, #tpu.memory_space<vmem>>, vector<16xi32>,
    %swap3A_1012 = vector.shape_cast %swap3A_1011 : vector<16xi32> to vector<16xi32>
    %swap3A_1013 = vector.shape_cast %get3A_1009 : vector<16xi32> to vector<16xi32>
    tpu.vector_store %arg6[%swap3A_1010], %swap3A_1013 {strides = array<i32>} : memref<3136xi32, #tpu.memory_space<vmem>>, vector<16xi32>,
    %get3A_1014 = arith.constant 1280 : index
    %get3A_1015 = tpu.vector_load %arg5[%get3A_1014] {strides = array<i32>} : memref<3136xi32, #tpu.memory_space<vmem>>, vector<16xi32>,
    %get3A_1016 = vector.shape_cast %get3A_1015 : vector<16xi32> to vector<16xi32>
    %swap3A_1017 = arith.constant 2320 : index
    %swap3A_1018 = tpu.vector_load %arg6[%swap3A_1017] {strides = array<i32>} : memref<3136xi32, #tpu.memory_space<vmem>>, vector<16xi32>,
    %swap3A_1019 = vector.shape_cast %swap3A_1018 : vector<16xi32> to vector<16xi32>
    %swap3A_1020 = vector.shape_cast %get3A_1016 : vector<16xi32> to vector<16xi32>
    tpu.vector_store %arg6[%swap3A_1017], %swap3A_1020 {strides = array<i32>} : memref<3136xi32, #tpu.memory_space<vmem>>, vector<16xi32>,
    %get3A_1021 = arith.constant 1504 : index
    %get3A_1022 = tpu.vector_load %arg5[%get3A_1021] {strides = array<i32>} : memref<3136xi32, #tpu.memory_space<vmem>>, vector<16xi32>,
    %get3A_1023 = vector.shape_cast %get3A_1022 : vector<16xi32> to vector<16xi32>
    %swap3A_1024 = arith.constant 2336 : index
    %swap3A_1025 = tpu.vector_load %arg6[%swap3A_1024] {strides = array<i32>} : memref<3136xi32, #tpu.memory_space<vmem>>, vector<16xi32>,
    %swap3A_1026 = vector.shape_cast %swap3A_1025 : vector<16xi32> to vector<16xi32>
    %swap3A_1027 = vector.shape_cast %get3A_1023 : vector<16xi32> to vector<16xi32>
    tpu.vector_store %arg6[%swap3A_1024], %swap3A_1027 {strides = array<i32>} : memref<3136xi32, #tpu.memory_space<vmem>>, vector<16xi32>,
    %get3A_1028 = arith.constant 1728 : index
    %get3A_1029 = tpu.vector_load %arg5[%get3A_1028] {strides = array<i32>} : memref<3136xi32, #tpu.memory_space<vmem>>, vector<16xi32>,
    %get3A_1030 = vector.shape_cast %get3A_1029 : vector<16xi32> to vector<16xi32>
    %swap3A_1031 = arith.constant 2352 : index
    %swap3A_1032 = tpu.vector_load %arg6[%swap3A_1031] {strides = array<i32>} : memref<3136xi32, #tpu.memory_space<vmem>>, vector<16xi32>,
    %swap3A_1033 = vector.shape_cast %swap3A_1032 : vector<16xi32> to vector<16xi32>
    %swap3A_1034 = vector.shape_cast %get3A_1030 : vector<16xi32> to vector<16xi32>
    tpu.vector_store %arg6[%swap3A_1031], %swap3A_1034 {strides = array<i32>} : memref<3136xi32, #tpu.memory_space<vmem>>, vector<16xi32>,
    %get3A_1035 = arith.constant 1952 : index
    %get3A_1036 = tpu.vector_load %arg5[%get3A_1035] {strides = array<i32>} : memref<3136xi32, #tpu.memory_space<vmem>>, vector<16xi32>,
    %get3A_1037 = vector.shape_cast %get3A_1036 : vector<16xi32> to vector<16xi32>
    %swap3A_1038 = arith.constant 2368 : index
    %swap3A_1039 = tpu.vector_load %arg6[%swap3A_1038] {strides = array<i32>} : memref<3136xi32, #tpu.memory_space<vmem>>, vector<16xi32>,
    %swap3A_1040 = vector.shape_cast %swap3A_1039 : vector<16xi32> to vector<16xi32>
    %swap3A_1041 = vector.shape_cast %get3A_1037 : vector<16xi32> to vector<16xi32>
    tpu.vector_store %arg6[%swap3A_1038], %swap3A_1041 {strides = array<i32>} : memref<3136xi32, #tpu.memory_space<vmem>>, vector<16xi32>,
    %get3A_1042 = arith.constant 2176 : index
    %get3A_1043 = tpu.vector_load %arg5[%get3A_1042] {strides = array<i32>} : memref<3136xi32, #tpu.memory_space<vmem>>, vector<16xi32>,
    %get3A_1044 = vector.shape_cast %get3A_1043 : vector<16xi32> to vector<16xi32>
    %swap3A_1045 = arith.constant 2384 : index
    %swap3A_1046 = tpu.vector_load %arg6[%swap3A_1045] {strides = array<i32>} : memref<3136xi32, #tpu.memory_space<vmem>>, vector<16xi32>,
    %swap3A_1047 = vector.shape_cast %swap3A_1046 : vector<16xi32> to vector<16xi32>
    %swap3A_1048 = vector.shape_cast %get3A_1044 : vector<16xi32> to vector<16xi32>
    tpu.vector_store %arg6[%swap3A_1045], %swap3A_1048 {strides = array<i32>} : memref<3136xi32, #tpu.memory_space<vmem>>, vector<16xi32>,
    %get3A_1049 = arith.constant 2400 : index
    %get3A_1050 = tpu.vector_load %arg5[%get3A_1049] {strides = array<i32>} : memref<3136xi32, #tpu.memory_space<vmem>>, vector<16xi32>,
    %get3A_1051 = vector.shape_cast %get3A_1050 : vector<16xi32> to vector<16xi32>
    %swap3A_1052 = arith.constant 2400 : index
    %swap3A_1053 = tpu.vector_load %arg6[%swap3A_1052] {strides = array<i32>} : memref<3136xi32, #tpu.memory_space<vmem>>, vector<16xi32>,
    %swap3A_1054 = vector.shape_cast %swap3A_1053 : vector<16xi32> to vector<16xi32>
    %swap3A_1055 = vector.shape_cast %get3A_1051 : vector<16xi32> to vector<16xi32>
    tpu.vector_store %arg6[%swap3A_1052], %swap3A_1055 {strides = array<i32>} : memref<3136xi32, #tpu.memory_space<vmem>>, vector<16xi32>,
    %get3A_1056 = arith.constant 2624 : index
    %get3A_1057 = tpu.vector_load %arg5[%get3A_1056] {strides = array<i32>} : memref<3136xi32, #tpu.memory_space<vmem>>, vector<16xi32>,
    %get3A_1058 = vector.shape_cast %get3A_1057 : vector<16xi32> to vector<16xi32>
    %swap3A_1059 = arith.constant 2416 : index
    %swap3A_1060 = tpu.vector_load %arg6[%swap3A_1059] {strides = array<i32>} : memref<3136xi32, #tpu.memory_space<vmem>>, vector<16xi32>,
    %swap3A_1061 = vector.shape_cast %swap3A_1060 : vector<16xi32> to vector<16xi32>
    %swap3A_1062 = vector.shape_cast %get3A_1058 : vector<16xi32> to vector<16xi32>
    tpu.vector_store %arg6[%swap3A_1059], %swap3A_1062 {strides = array<i32>} : memref<3136xi32, #tpu.memory_space<vmem>>, vector<16xi32>,
    %get3A_1063 = arith.constant 2848 : index
    %get3A_1064 = tpu.vector_load %arg5[%get3A_1063] {strides = array<i32>} : memref<3136xi32, #tpu.memory_space<vmem>>, vector<16xi32>,
    %get3A_1065 = vector.shape_cast %get3A_1064 : vector<16xi32> to vector<16xi32>
    %swap3A_1066 = arith.constant 2432 : index
    %swap3A_1067 = tpu.vector_load %arg6[%swap3A_1066] {strides = array<i32>} : memref<3136xi32, #tpu.memory_space<vmem>>, vector<16xi32>,
    %swap3A_1068 = vector.shape_cast %swap3A_1067 : vector<16xi32> to vector<16xi32>
    %swap3A_1069 = vector.shape_cast %get3A_1065 : vector<16xi32> to vector<16xi32>
    tpu.vector_store %arg6[%swap3A_1066], %swap3A_1069 {strides = array<i32>} : memref<3136xi32, #tpu.memory_space<vmem>>, vector<16xi32>,
    %get3A_1070 = arith.constant 3072 : index
    %get3A_1071 = tpu.vector_load %arg5[%get3A_1070] {strides = array<i32>} : memref<3136xi32, #tpu.memory_space<vmem>>, vector<16xi32>,
    %get3A_1072 = vector.shape_cast %get3A_1071 : vector<16xi32> to vector<16xi32>
    %swap3A_1073 = arith.constant 2448 : index
    %swap3A_1074 = tpu.vector_load %arg6[%swap3A_1073] {strides = array<i32>} : memref<3136xi32, #tpu.memory_space<vmem>>, vector<16xi32>,
    %swap3A_1075 = vector.shape_cast %swap3A_1074 : vector<16xi32> to vector<16xi32>
    %swap3A_1076 = vector.shape_cast %get3A_1072 : vector<16xi32> to vector<16xi32>
    tpu.vector_store %arg6[%swap3A_1073], %swap3A_1076 {strides = array<i32>} : memref<3136xi32, #tpu.memory_space<vmem>>, vector<16xi32>,
    %get3A_1077 = arith.constant 176 : index
    %get3A_1078 = tpu.vector_load %arg5[%get3A_1077] {strides = array<i32>} : memref<3136xi32, #tpu.memory_space<vmem>>, vector<16xi32>,
    %get3A_1079 = vector.shape_cast %get3A_1078 : vector<16xi32> to vector<16xi32>
    %swap3A_1080 = arith.constant 2464 : index
    %swap3A_1081 = tpu.vector_load %arg6[%swap3A_1080] {strides = array<i32>} : memref<3136xi32, #tpu.memory_space<vmem>>, vector<16xi32>,
    %swap3A_1082 = vector.shape_cast %swap3A_1081 : vector<16xi32> to vector<16xi32>
    %swap3A_1083 = vector.shape_cast %get3A_1079 : vector<16xi32> to vector<16xi32>
    tpu.vector_store %arg6[%swap3A_1080], %swap3A_1083 {strides = array<i32>} : memref<3136xi32, #tpu.memory_space<vmem>>, vector<16xi32>,
    %get3A_1084 = arith.constant 400 : index
    %get3A_1085 = tpu.vector_load %arg5[%get3A_1084] {strides = array<i32>} : memref<3136xi32, #tpu.memory_space<vmem>>, vector<16xi32>,
    %get3A_1086 = vector.shape_cast %get3A_1085 : vector<16xi32> to vector<16xi32>
    %swap3A_1087 = arith.constant 2480 : index
    %swap3A_1088 = tpu.vector_load %arg6[%swap3A_1087] {strides = array<i32>} : memref<3136xi32, #tpu.memory_space<vmem>>, vector<16xi32>,
    %swap3A_1089 = vector.shape_cast %swap3A_1088 : vector<16xi32> to vector<16xi32>
    %swap3A_1090 = vector.shape_cast %get3A_1086 : vector<16xi32> to vector<16xi32>
    tpu.vector_store %arg6[%swap3A_1087], %swap3A_1090 {strides = array<i32>} : memref<3136xi32, #tpu.memory_space<vmem>>, vector<16xi32>,
    %get3A_1091 = arith.constant 624 : index
    %get3A_1092 = tpu.vector_load %arg5[%get3A_1091] {strides = array<i32>} : memref<3136xi32, #tpu.memory_space<vmem>>, vector<16xi32>,
    %get3A_1093 = vector.shape_cast %get3A_1092 : vector<16xi32> to vector<16xi32>
    %swap3A_1094 = arith.constant 2496 : index
    %swap3A_1095 = tpu.vector_load %arg6[%swap3A_1094] {strides = array<i32>} : memref<3136xi32, #tpu.memory_space<vmem>>, vector<16xi32>,
    %swap3A_1096 = vector.shape_cast %swap3A_1095 : vector<16xi32> to vector<16xi32>
    %swap3A_1097 = vector.shape_cast %get3A_1093 : vector<16xi32> to vector<16xi32>
    tpu.vector_store %arg6[%swap3A_1094], %swap3A_1097 {strides = array<i32>} : memref<3136xi32, #tpu.memory_space<vmem>>, vector<16xi32>,
    %get3A_1098 = arith.constant 848 : index
    %get3A_1099 = tpu.vector_load %arg5[%get3A_1098] {strides = array<i32>} : memref<3136xi32, #tpu.memory_space<vmem>>, vector<16xi32>,
    %get3A_1100 = vector.shape_cast %get3A_1099 : vector<16xi32> to vector<16xi32>
    %swap3A_1101 = arith.constant 2512 : index
    %swap3A_1102 = tpu.vector_load %arg6[%swap3A_1101] {strides = array<i32>} : memref<3136xi32, #tpu.memory_space<vmem>>, vector<16xi32>,
    %swap3A_1103 = vector.shape_cast %swap3A_1102 : vector<16xi32> to vector<16xi32>
    %swap3A_1104 = vector.shape_cast %get3A_1100 : vector<16xi32> to vector<16xi32>
    tpu.vector_store %arg6[%swap3A_1101], %swap3A_1104 {strides = array<i32>} : memref<3136xi32, #tpu.memory_space<vmem>>, vector<16xi32>,
    %get3A_1105 = arith.constant 1072 : index
    %get3A_1106 = tpu.vector_load %arg5[%get3A_1105] {strides = array<i32>} : memref<3136xi32, #tpu.memory_space<vmem>>, vector<16xi32>,
    %get3A_1107 = vector.shape_cast %get3A_1106 : vector<16xi32> to vector<16xi32>
    %swap3A_1108 = arith.constant 2528 : index
    %swap3A_1109 = tpu.vector_load %arg6[%swap3A_1108] {strides = array<i32>} : memref<3136xi32, #tpu.memory_space<vmem>>, vector<16xi32>,
    %swap3A_1110 = vector.shape_cast %swap3A_1109 : vector<16xi32> to vector<16xi32>
    %swap3A_1111 = vector.shape_cast %get3A_1107 : vector<16xi32> to vector<16xi32>
    tpu.vector_store %arg6[%swap3A_1108], %swap3A_1111 {strides = array<i32>} : memref<3136xi32, #tpu.memory_space<vmem>>, vector<16xi32>,
    %get3A_1112 = arith.constant 1296 : index
    %get3A_1113 = tpu.vector_load %arg5[%get3A_1112] {strides = array<i32>} : memref<3136xi32, #tpu.memory_space<vmem>>, vector<16xi32>,
    %get3A_1114 = vector.shape_cast %get3A_1113 : vector<16xi32> to vector<16xi32>
    %swap3A_1115 = arith.constant 2544 : index
    %swap3A_1116 = tpu.vector_load %arg6[%swap3A_1115] {strides = array<i32>} : memref<3136xi32, #tpu.memory_space<vmem>>, vector<16xi32>,
    %swap3A_1117 = vector.shape_cast %swap3A_1116 : vector<16xi32> to vector<16xi32>
    %swap3A_1118 = vector.shape_cast %get3A_1114 : vector<16xi32> to vector<16xi32>
    tpu.vector_store %arg6[%swap3A_1115], %swap3A_1118 {strides = array<i32>} : memref<3136xi32, #tpu.memory_space<vmem>>, vector<16xi32>,
    %get3A_1119 = arith.constant 1520 : index
    %get3A_1120 = tpu.vector_load %arg5[%get3A_1119] {strides = array<i32>} : memref<3136xi32, #tpu.memory_space<vmem>>, vector<16xi32>,
    %get3A_1121 = vector.shape_cast %get3A_1120 : vector<16xi32> to vector<16xi32>
    %swap3A_1122 = arith.constant 2560 : index
    %swap3A_1123 = tpu.vector_load %arg6[%swap3A_1122] {strides = array<i32>} : memref<3136xi32, #tpu.memory_space<vmem>>, vector<16xi32>,
    %swap3A_1124 = vector.shape_cast %swap3A_1123 : vector<16xi32> to vector<16xi32>
    %swap3A_1125 = vector.shape_cast %get3A_1121 : vector<16xi32> to vector<16xi32>
    tpu.vector_store %arg6[%swap3A_1122], %swap3A_1125 {strides = array<i32>} : memref<3136xi32, #tpu.memory_space<vmem>>, vector<16xi32>,
    %get3A_1126 = arith.constant 1744 : index
    %get3A_1127 = tpu.vector_load %arg5[%get3A_1126] {strides = array<i32>} : memref<3136xi32, #tpu.memory_space<vmem>>, vector<16xi32>,
    %get3A_1128 = vector.shape_cast %get3A_1127 : vector<16xi32> to vector<16xi32>
    %swap3A_1129 = arith.constant 2576 : index
    %swap3A_1130 = tpu.vector_load %arg6[%swap3A_1129] {strides = array<i32>} : memref<3136xi32, #tpu.memory_space<vmem>>, vector<16xi32>,
    %swap3A_1131 = vector.shape_cast %swap3A_1130 : vector<16xi32> to vector<16xi32>
    %swap3A_1132 = vector.shape_cast %get3A_1128 : vector<16xi32> to vector<16xi32>
    tpu.vector_store %arg6[%swap3A_1129], %swap3A_1132 {strides = array<i32>} : memref<3136xi32, #tpu.memory_space<vmem>>, vector<16xi32>,
    %get3A_1133 = arith.constant 1968 : index
    %get3A_1134 = tpu.vector_load %arg5[%get3A_1133] {strides = array<i32>} : memref<3136xi32, #tpu.memory_space<vmem>>, vector<16xi32>,
    %get3A_1135 = vector.shape_cast %get3A_1134 : vector<16xi32> to vector<16xi32>
    %swap3A_1136 = arith.constant 2592 : index
    %swap3A_1137 = tpu.vector_load %arg6[%swap3A_1136] {strides = array<i32>} : memref<3136xi32, #tpu.memory_space<vmem>>, vector<16xi32>,
    %swap3A_1138 = vector.shape_cast %swap3A_1137 : vector<16xi32> to vector<16xi32>
    %swap3A_1139 = vector.shape_cast %get3A_1135 : vector<16xi32> to vector<16xi32>
    tpu.vector_store %arg6[%swap3A_1136], %swap3A_1139 {strides = array<i32>} : memref<3136xi32, #tpu.memory_space<vmem>>, vector<16xi32>,
    %get3A_1140 = arith.constant 2192 : index
    %get3A_1141 = tpu.vector_load %arg5[%get3A_1140] {strides = array<i32>} : memref<3136xi32, #tpu.memory_space<vmem>>, vector<16xi32>,
    %get3A_1142 = vector.shape_cast %get3A_1141 : vector<16xi32> to vector<16xi32>
    %swap3A_1143 = arith.constant 2608 : index
    %swap3A_1144 = tpu.vector_load %arg6[%swap3A_1143] {strides = array<i32>} : memref<3136xi32, #tpu.memory_space<vmem>>, vector<16xi32>,
    %swap3A_1145 = vector.shape_cast %swap3A_1144 : vector<16xi32> to vector<16xi32>
    %swap3A_1146 = vector.shape_cast %get3A_1142 : vector<16xi32> to vector<16xi32>
    tpu.vector_store %arg6[%swap3A_1143], %swap3A_1146 {strides = array<i32>} : memref<3136xi32, #tpu.memory_space<vmem>>, vector<16xi32>,
    %get3A_1147 = arith.constant 2416 : index
    %get3A_1148 = tpu.vector_load %arg5[%get3A_1147] {strides = array<i32>} : memref<3136xi32, #tpu.memory_space<vmem>>, vector<16xi32>,
    %get3A_1149 = vector.shape_cast %get3A_1148 : vector<16xi32> to vector<16xi32>
    %swap3A_1150 = arith.constant 2624 : index
    %swap3A_1151 = tpu.vector_load %arg6[%swap3A_1150] {strides = array<i32>} : memref<3136xi32, #tpu.memory_space<vmem>>, vector<16xi32>,
    %swap3A_1152 = vector.shape_cast %swap3A_1151 : vector<16xi32> to vector<16xi32>
    %swap3A_1153 = vector.shape_cast %get3A_1149 : vector<16xi32> to vector<16xi32>
    tpu.vector_store %arg6[%swap3A_1150], %swap3A_1153 {strides = array<i32>} : memref<3136xi32, #tpu.memory_space<vmem>>, vector<16xi32>,
    %get3A_1154 = arith.constant 2640 : index
    %get3A_1155 = tpu.vector_load %arg5[%get3A_1154] {strides = array<i32>} : memref<3136xi32, #tpu.memory_space<vmem>>, vector<16xi32>,
    %get3A_1156 = vector.shape_cast %get3A_1155 : vector<16xi32> to vector<16xi32>
    %swap3A_1157 = arith.constant 2640 : index
    %swap3A_1158 = tpu.vector_load %arg6[%swap3A_1157] {strides = array<i32>} : memref<3136xi32, #tpu.memory_space<vmem>>, vector<16xi32>,
    %swap3A_1159 = vector.shape_cast %swap3A_1158 : vector<16xi32> to vector<16xi32>
    %swap3A_1160 = vector.shape_cast %get3A_1156 : vector<16xi32> to vector<16xi32>
    tpu.vector_store %arg6[%swap3A_1157], %swap3A_1160 {strides = array<i32>} : memref<3136xi32, #tpu.memory_space<vmem>>, vector<16xi32>,
    %get3A_1161 = arith.constant 2864 : index
    %get3A_1162 = tpu.vector_load %arg5[%get3A_1161] {strides = array<i32>} : memref<3136xi32, #tpu.memory_space<vmem>>, vector<16xi32>,
    %get3A_1163 = vector.shape_cast %get3A_1162 : vector<16xi32> to vector<16xi32>
    %swap3A_1164 = arith.constant 2656 : index
    %swap3A_1165 = tpu.vector_load %arg6[%swap3A_1164] {strides = array<i32>} : memref<3136xi32, #tpu.memory_space<vmem>>, vector<16xi32>,
    %swap3A_1166 = vector.shape_cast %swap3A_1165 : vector<16xi32> to vector<16xi32>
    %swap3A_1167 = vector.shape_cast %get3A_1163 : vector<16xi32> to vector<16xi32>
    tpu.vector_store %arg6[%swap3A_1164], %swap3A_1167 {strides = array<i32>} : memref<3136xi32, #tpu.memory_space<vmem>>, vector<16xi32>,
    %get3A_1168 = arith.constant 3088 : index
    %get3A_1169 = tpu.vector_load %arg5[%get3A_1168] {strides = array<i32>} : memref<3136xi32, #tpu.memory_space<vmem>>, vector<16xi32>,
    %get3A_1170 = vector.shape_cast %get3A_1169 : vector<16xi32> to vector<16xi32>
    %swap3A_1171 = arith.constant 2672 : index
    %swap3A_1172 = tpu.vector_load %arg6[%swap3A_1171] {strides = array<i32>} : memref<3136xi32, #tpu.memory_space<vmem>>, vector<16xi32>,
    %swap3A_1173 = vector.shape_cast %swap3A_1172 : vector<16xi32> to vector<16xi32>
    %swap3A_1174 = vector.shape_cast %get3A_1170 : vector<16xi32> to vector<16xi32>
    tpu.vector_store %arg6[%swap3A_1171], %swap3A_1174 {strides = array<i32>} : memref<3136xi32, #tpu.memory_space<vmem>>, vector<16xi32>,
    %get3A_1175 = arith.constant 192 : index
    %get3A_1176 = tpu.vector_load %arg5[%get3A_1175] {strides = array<i32>} : memref<3136xi32, #tpu.memory_space<vmem>>, vector<16xi32>,
    %get3A_1177 = vector.shape_cast %get3A_1176 : vector<16xi32> to vector<16xi32>
    %swap3A_1178 = arith.constant 2688 : index
    %swap3A_1179 = tpu.vector_load %arg6[%swap3A_1178] {strides = array<i32>} : memref<3136xi32, #tpu.memory_space<vmem>>, vector<16xi32>,
    %swap3A_1180 = vector.shape_cast %swap3A_1179 : vector<16xi32> to vector<16xi32>
    %swap3A_1181 = vector.shape_cast %get3A_1177 : vector<16xi32> to vector<16xi32>
    tpu.vector_store %arg6[%swap3A_1178], %swap3A_1181 {strides = array<i32>} : memref<3136xi32, #tpu.memory_space<vmem>>, vector<16xi32>,
    %get3A_1182 = arith.constant 416 : index
    %get3A_1183 = tpu.vector_load %arg5[%get3A_1182] {strides = array<i32>} : memref<3136xi32, #tpu.memory_space<vmem>>, vector<16xi32>,
    %get3A_1184 = vector.shape_cast %get3A_1183 : vector<16xi32> to vector<16xi32>
    %swap3A_1185 = arith.constant 2704 : index
    %swap3A_1186 = tpu.vector_load %arg6[%swap3A_1185] {strides = array<i32>} : memref<3136xi32, #tpu.memory_space<vmem>>, vector<16xi32>,
    %swap3A_1187 = vector.shape_cast %swap3A_1186 : vector<16xi32> to vector<16xi32>
    %swap3A_1188 = vector.shape_cast %get3A_1184 : vector<16xi32> to vector<16xi32>
    tpu.vector_store %arg6[%swap3A_1185], %swap3A_1188 {strides = array<i32>} : memref<3136xi32, #tpu.memory_space<vmem>>, vector<16xi32>,
    %get3A_1189 = arith.constant 640 : index
    %get3A_1190 = tpu.vector_load %arg5[%get3A_1189] {strides = array<i32>} : memref<3136xi32, #tpu.memory_space<vmem>>, vector<16xi32>,
    %get3A_1191 = vector.shape_cast %get3A_1190 : vector<16xi32> to vector<16xi32>
    %swap3A_1192 = arith.constant 2720 : index
    %swap3A_1193 = tpu.vector_load %arg6[%swap3A_1192] {strides = array<i32>} : memref<3136xi32, #tpu.memory_space<vmem>>, vector<16xi32>,
    %swap3A_1194 = vector.shape_cast %swap3A_1193 : vector<16xi32> to vector<16xi32>
    %swap3A_1195 = vector.shape_cast %get3A_1191 : vector<16xi32> to vector<16xi32>
    tpu.vector_store %arg6[%swap3A_1192], %swap3A_1195 {strides = array<i32>} : memref<3136xi32, #tpu.memory_space<vmem>>, vector<16xi32>,
    %get3A_1196 = arith.constant 864 : index
    %get3A_1197 = tpu.vector_load %arg5[%get3A_1196] {strides = array<i32>} : memref<3136xi32, #tpu.memory_space<vmem>>, vector<16xi32>,
    %get3A_1198 = vector.shape_cast %get3A_1197 : vector<16xi32> to vector<16xi32>
    %swap3A_1199 = arith.constant 2736 : index
    %swap3A_1200 = tpu.vector_load %arg6[%swap3A_1199] {strides = array<i32>} : memref<3136xi32, #tpu.memory_space<vmem>>, vector<16xi32>,
    %swap3A_1201 = vector.shape_cast %swap3A_1200 : vector<16xi32> to vector<16xi32>
    %swap3A_1202 = vector.shape_cast %get3A_1198 : vector<16xi32> to vector<16xi32>
    tpu.vector_store %arg6[%swap3A_1199], %swap3A_1202 {strides = array<i32>} : memref<3136xi32, #tpu.memory_space<vmem>>, vector<16xi32>,
    %get3A_1203 = arith.constant 1088 : index
    %get3A_1204 = tpu.vector_load %arg5[%get3A_1203] {strides = array<i32>} : memref<3136xi32, #tpu.memory_space<vmem>>, vector<16xi32>,
    %get3A_1205 = vector.shape_cast %get3A_1204 : vector<16xi32> to vector<16xi32>
    %swap3A_1206 = arith.constant 2752 : index
    %swap3A_1207 = tpu.vector_load %arg6[%swap3A_1206] {strides = array<i32>} : memref<3136xi32, #tpu.memory_space<vmem>>, vector<16xi32>,
    %swap3A_1208 = vector.shape_cast %swap3A_1207 : vector<16xi32> to vector<16xi32>
    %swap3A_1209 = vector.shape_cast %get3A_1205 : vector<16xi32> to vector<16xi32>
    tpu.vector_store %arg6[%swap3A_1206], %swap3A_1209 {strides = array<i32>} : memref<3136xi32, #tpu.memory_space<vmem>>, vector<16xi32>,
    %get3A_1210 = arith.constant 1312 : index
    %get3A_1211 = tpu.vector_load %arg5[%get3A_1210] {strides = array<i32>} : memref<3136xi32, #tpu.memory_space<vmem>>, vector<16xi32>,
    %get3A_1212 = vector.shape_cast %get3A_1211 : vector<16xi32> to vector<16xi32>
    %swap3A_1213 = arith.constant 2768 : index
    %swap3A_1214 = tpu.vector_load %arg6[%swap3A_1213] {strides = array<i32>} : memref<3136xi32, #tpu.memory_space<vmem>>, vector<16xi32>,
    %swap3A_1215 = vector.shape_cast %swap3A_1214 : vector<16xi32> to vector<16xi32>
    %swap3A_1216 = vector.shape_cast %get3A_1212 : vector<16xi32> to vector<16xi32>
    tpu.vector_store %arg6[%swap3A_1213], %swap3A_1216 {strides = array<i32>} : memref<3136xi32, #tpu.memory_space<vmem>>, vector<16xi32>,
    %get3A_1217 = arith.constant 1536 : index
    %get3A_1218 = tpu.vector_load %arg5[%get3A_1217] {strides = array<i32>} : memref<3136xi32, #tpu.memory_space<vmem>>, vector<16xi32>,
    %get3A_1219 = vector.shape_cast %get3A_1218 : vector<16xi32> to vector<16xi32>
    %swap3A_1220 = arith.constant 2784 : index
    %swap3A_1221 = tpu.vector_load %arg6[%swap3A_1220] {strides = array<i32>} : memref<3136xi32, #tpu.memory_space<vmem>>, vector<16xi32>,
    %swap3A_1222 = vector.shape_cast %swap3A_1221 : vector<16xi32> to vector<16xi32>
    %swap3A_1223 = vector.shape_cast %get3A_1219 : vector<16xi32> to vector<16xi32>
    tpu.vector_store %arg6[%swap3A_1220], %swap3A_1223 {strides = array<i32>} : memref<3136xi32, #tpu.memory_space<vmem>>, vector<16xi32>,
    %get3A_1224 = arith.constant 1760 : index
    %get3A_1225 = tpu.vector_load %arg5[%get3A_1224] {strides = array<i32>} : memref<3136xi32, #tpu.memory_space<vmem>>, vector<16xi32>,
    %get3A_1226 = vector.shape_cast %get3A_1225 : vector<16xi32> to vector<16xi32>
    %swap3A_1227 = arith.constant 2800 : index
    %swap3A_1228 = tpu.vector_load %arg6[%swap3A_1227] {strides = array<i32>} : memref<3136xi32, #tpu.memory_space<vmem>>, vector<16xi32>,
    %swap3A_1229 = vector.shape_cast %swap3A_1228 : vector<16xi32> to vector<16xi32>
    %swap3A_1230 = vector.shape_cast %get3A_1226 : vector<16xi32> to vector<16xi32>
    tpu.vector_store %arg6[%swap3A_1227], %swap3A_1230 {strides = array<i32>} : memref<3136xi32, #tpu.memory_space<vmem>>, vector<16xi32>,
    %get3A_1231 = arith.constant 1984 : index
    %get3A_1232 = tpu.vector_load %arg5[%get3A_1231] {strides = array<i32>} : memref<3136xi32, #tpu.memory_space<vmem>>, vector<16xi32>,
    %get3A_1233 = vector.shape_cast %get3A_1232 : vector<16xi32> to vector<16xi32>
    %swap3A_1234 = arith.constant 2816 : index
    %swap3A_1235 = tpu.vector_load %arg6[%swap3A_1234] {strides = array<i32>} : memref<3136xi32, #tpu.memory_space<vmem>>, vector<16xi32>,
    %swap3A_1236 = vector.shape_cast %swap3A_1235 : vector<16xi32> to vector<16xi32>
    %swap3A_1237 = vector.shape_cast %get3A_1233 : vector<16xi32> to vector<16xi32>
    tpu.vector_store %arg6[%swap3A_1234], %swap3A_1237 {strides = array<i32>} : memref<3136xi32, #tpu.memory_space<vmem>>, vector<16xi32>,
    %get3A_1238 = arith.constant 2208 : index
    %get3A_1239 = tpu.vector_load %arg5[%get3A_1238] {strides = array<i32>} : memref<3136xi32, #tpu.memory_space<vmem>>, vector<16xi32>,
    %get3A_1240 = vector.shape_cast %get3A_1239 : vector<16xi32> to vector<16xi32>
    %swap3A_1241 = arith.constant 2832 : index
    %swap3A_1242 = tpu.vector_load %arg6[%swap3A_1241] {strides = array<i32>} : memref<3136xi32, #tpu.memory_space<vmem>>, vector<16xi32>,
    %swap3A_1243 = vector.shape_cast %swap3A_1242 : vector<16xi32> to vector<16xi32>
    %swap3A_1244 = vector.shape_cast %get3A_1240 : vector<16xi32> to vector<16xi32>
    tpu.vector_store %arg6[%swap3A_1241], %swap3A_1244 {strides = array<i32>} : memref<3136xi32, #tpu.memory_space<vmem>>, vector<16xi32>,
    %get3A_1245 = arith.constant 2432 : index
    %get3A_1246 = tpu.vector_load %arg5[%get3A_1245] {strides = array<i32>} : memref<3136xi32, #tpu.memory_space<vmem>>, vector<16xi32>,
    %get3A_1247 = vector.shape_cast %get3A_1246 : vector<16xi32> to vector<16xi32>
    %swap3A_1248 = arith.constant 2848 : index
    %swap3A_1249 = tpu.vector_load %arg6[%swap3A_1248] {strides = array<i32>} : memref<3136xi32, #tpu.memory_space<vmem>>, vector<16xi32>,
    %swap3A_1250 = vector.shape_cast %swap3A_1249 : vector<16xi32> to vector<16xi32>
    %swap3A_1251 = vector.shape_cast %get3A_1247 : vector<16xi32> to vector<16xi32>
    tpu.vector_store %arg6[%swap3A_1248], %swap3A_1251 {strides = array<i32>} : memref<3136xi32, #tpu.memory_space<vmem>>, vector<16xi32>,
    %get3A_1252 = arith.constant 2656 : index
    %get3A_1253 = tpu.vector_load %arg5[%get3A_1252] {strides = array<i32>} : memref<3136xi32, #tpu.memory_space<vmem>>, vector<16xi32>,
    %get3A_1254 = vector.shape_cast %get3A_1253 : vector<16xi32> to vector<16xi32>
    %swap3A_1255 = arith.constant 2864 : index
    %swap3A_1256 = tpu.vector_load %arg6[%swap3A_1255] {strides = array<i32>} : memref<3136xi32, #tpu.memory_space<vmem>>, vector<16xi32>,
    %swap3A_1257 = vector.shape_cast %swap3A_1256 : vector<16xi32> to vector<16xi32>
    %swap3A_1258 = vector.shape_cast %get3A_1254 : vector<16xi32> to vector<16xi32>
    tpu.vector_store %arg6[%swap3A_1255], %swap3A_1258 {strides = array<i32>} : memref<3136xi32, #tpu.memory_space<vmem>>, vector<16xi32>,
    %get3A_1259 = arith.constant 2880 : index
    %get3A_1260 = tpu.vector_load %arg5[%get3A_1259] {strides = array<i32>} : memref<3136xi32, #tpu.memory_space<vmem>>, vector<16xi32>,
    %get3A_1261 = vector.shape_cast %get3A_1260 : vector<16xi32> to vector<16xi32>
    %swap3A_1262 = arith.constant 2880 : index
    %swap3A_1263 = tpu.vector_load %arg6[%swap3A_1262] {strides = array<i32>} : memref<3136xi32, #tpu.memory_space<vmem>>, vector<16xi32>,
    %swap3A_1264 = vector.shape_cast %swap3A_1263 : vector<16xi32> to vector<16xi32>
    %swap3A_1265 = vector.shape_cast %get3A_1261 : vector<16xi32> to vector<16xi32>
    tpu.vector_store %arg6[%swap3A_1262], %swap3A_1265 {strides = array<i32>} : memref<3136xi32, #tpu.memory_space<vmem>>, vector<16xi32>,
    %get3A_1266 = arith.constant 3104 : index
    %get3A_1267 = tpu.vector_load %arg5[%get3A_1266] {strides = array<i32>} : memref<3136xi32, #tpu.memory_space<vmem>>, vector<16xi32>,
    %get3A_1268 = vector.shape_cast %get3A_1267 : vector<16xi32> to vector<16xi32>
    %swap3A_1269 = arith.constant 2896 : index
    %swap3A_1270 = tpu.vector_load %arg6[%swap3A_1269] {strides = array<i32>} : memref<3136xi32, #tpu.memory_space<vmem>>, vector<16xi32>,
    %swap3A_1271 = vector.shape_cast %swap3A_1270 : vector<16xi32> to vector<16xi32>
    %swap3A_1272 = vector.shape_cast %get3A_1268 : vector<16xi32> to vector<16xi32>
    tpu.vector_store %arg6[%swap3A_1269], %swap3A_1272 {strides = array<i32>} : memref<3136xi32, #tpu.memory_space<vmem>>, vector<16xi32>,
    %get3A_1273 = arith.constant 208 : index
    %get3A_1274 = tpu.vector_load %arg5[%get3A_1273] {strides = array<i32>} : memref<3136xi32, #tpu.memory_space<vmem>>, vector<16xi32>,
    %get3A_1275 = vector.shape_cast %get3A_1274 : vector<16xi32> to vector<16xi32>
    %swap3A_1276 = arith.constant 2912 : index
    %swap3A_1277 = tpu.vector_load %arg6[%swap3A_1276] {strides = array<i32>} : memref<3136xi32, #tpu.memory_space<vmem>>, vector<16xi32>,
    %swap3A_1278 = vector.shape_cast %swap3A_1277 : vector<16xi32> to vector<16xi32>
    %swap3A_1279 = vector.shape_cast %get3A_1275 : vector<16xi32> to vector<16xi32>
    tpu.vector_store %arg6[%swap3A_1276], %swap3A_1279 {strides = array<i32>} : memref<3136xi32, #tpu.memory_space<vmem>>, vector<16xi32>,
    %get3A_1280 = arith.constant 432 : index
    %get3A_1281 = tpu.vector_load %arg5[%get3A_1280] {strides = array<i32>} : memref<3136xi32, #tpu.memory_space<vmem>>, vector<16xi32>,
    %get3A_1282 = vector.shape_cast %get3A_1281 : vector<16xi32> to vector<16xi32>
    %swap3A_1283 = arith.constant 2928 : index
    %swap3A_1284 = tpu.vector_load %arg6[%swap3A_1283] {strides = array<i32>} : memref<3136xi32, #tpu.memory_space<vmem>>, vector<16xi32>,
    %swap3A_1285 = vector.shape_cast %swap3A_1284 : vector<16xi32> to vector<16xi32>
    %swap3A_1286 = vector.shape_cast %get3A_1282 : vector<16xi32> to vector<16xi32>
    tpu.vector_store %arg6[%swap3A_1283], %swap3A_1286 {strides = array<i32>} : memref<3136xi32, #tpu.memory_space<vmem>>, vector<16xi32>,
    %get3A_1287 = arith.constant 656 : index
    %get3A_1288 = tpu.vector_load %arg5[%get3A_1287] {strides = array<i32>} : memref<3136xi32, #tpu.memory_space<vmem>>, vector<16xi32>,
    %get3A_1289 = vector.shape_cast %get3A_1288 : vector<16xi32> to vector<16xi32>
    %swap3A_1290 = arith.constant 2944 : index
    %swap3A_1291 = tpu.vector_load %arg6[%swap3A_1290] {strides = array<i32>} : memref<3136xi32, #tpu.memory_space<vmem>>, vector<16xi32>,
    %swap3A_1292 = vector.shape_cast %swap3A_1291 : vector<16xi32> to vector<16xi32>
    %swap3A_1293 = vector.shape_cast %get3A_1289 : vector<16xi32> to vector<16xi32>
    tpu.vector_store %arg6[%swap3A_1290], %swap3A_1293 {strides = array<i32>} : memref<3136xi32, #tpu.memory_space<vmem>>, vector<16xi32>,
    %get3A_1294 = arith.constant 880 : index
    %get3A_1295 = tpu.vector_load %arg5[%get3A_1294] {strides = array<i32>} : memref<3136xi32, #tpu.memory_space<vmem>>, vector<16xi32>,
    %get3A_1296 = vector.shape_cast %get3A_1295 : vector<16xi32> to vector<16xi32>
    %swap3A_1297 = arith.constant 2960 : index
    %swap3A_1298 = tpu.vector_load %arg6[%swap3A_1297] {strides = array<i32>} : memref<3136xi32, #tpu.memory_space<vmem>>, vector<16xi32>,
    %swap3A_1299 = vector.shape_cast %swap3A_1298 : vector<16xi32> to vector<16xi32>
    %swap3A_1300 = vector.shape_cast %get3A_1296 : vector<16xi32> to vector<16xi32>
    tpu.vector_store %arg6[%swap3A_1297], %swap3A_1300 {strides = array<i32>} : memref<3136xi32, #tpu.memory_space<vmem>>, vector<16xi32>,
    %get3A_1301 = arith.constant 1104 : index
    %get3A_1302 = tpu.vector_load %arg5[%get3A_1301] {strides = array<i32>} : memref<3136xi32, #tpu.memory_space<vmem>>, vector<16xi32>,
    %get3A_1303 = vector.shape_cast %get3A_1302 : vector<16xi32> to vector<16xi32>
    %swap3A_1304 = arith.constant 2976 : index
    %swap3A_1305 = tpu.vector_load %arg6[%swap3A_1304] {strides = array<i32>} : memref<3136xi32, #tpu.memory_space<vmem>>, vector<16xi32>,
    %swap3A_1306 = vector.shape_cast %swap3A_1305 : vector<16xi32> to vector<16xi32>
    %swap3A_1307 = vector.shape_cast %get3A_1303 : vector<16xi32> to vector<16xi32>
    tpu.vector_store %arg6[%swap3A_1304], %swap3A_1307 {strides = array<i32>} : memref<3136xi32, #tpu.memory_space<vmem>>, vector<16xi32>,
    %get3A_1308 = arith.constant 1328 : index
    %get3A_1309 = tpu.vector_load %arg5[%get3A_1308] {strides = array<i32>} : memref<3136xi32, #tpu.memory_space<vmem>>, vector<16xi32>,
    %get3A_1310 = vector.shape_cast %get3A_1309 : vector<16xi32> to vector<16xi32>
    %swap3A_1311 = arith.constant 2992 : index
    %swap3A_1312 = tpu.vector_load %arg6[%swap3A_1311] {strides = array<i32>} : memref<3136xi32, #tpu.memory_space<vmem>>, vector<16xi32>,
    %swap3A_1313 = vector.shape_cast %swap3A_1312 : vector<16xi32> to vector<16xi32>
    %swap3A_1314 = vector.shape_cast %get3A_1310 : vector<16xi32> to vector<16xi32>
    tpu.vector_store %arg6[%swap3A_1311], %swap3A_1314 {strides = array<i32>} : memref<3136xi32, #tpu.memory_space<vmem>>, vector<16xi32>,
    %get3A_1315 = arith.constant 1552 : index
    %get3A_1316 = tpu.vector_load %arg5[%get3A_1315] {strides = array<i32>} : memref<3136xi32, #tpu.memory_space<vmem>>, vector<16xi32>,
    %get3A_1317 = vector.shape_cast %get3A_1316 : vector<16xi32> to vector<16xi32>
    %swap3A_1318 = arith.constant 3008 : index
    %swap3A_1319 = tpu.vector_load %arg6[%swap3A_1318] {strides = array<i32>} : memref<3136xi32, #tpu.memory_space<vmem>>, vector<16xi32>,
    %swap3A_1320 = vector.shape_cast %swap3A_1319 : vector<16xi32> to vector<16xi32>
    %swap3A_1321 = vector.shape_cast %get3A_1317 : vector<16xi32> to vector<16xi32>
    tpu.vector_store %arg6[%swap3A_1318], %swap3A_1321 {strides = array<i32>} : memref<3136xi32, #tpu.memory_space<vmem>>, vector<16xi32>,
    %get3A_1322 = arith.constant 1776 : index
    %get3A_1323 = tpu.vector_load %arg5[%get3A_1322] {strides = array<i32>} : memref<3136xi32, #tpu.memory_space<vmem>>, vector<16xi32>,
    %get3A_1324 = vector.shape_cast %get3A_1323 : vector<16xi32> to vector<16xi32>
    %swap3A_1325 = arith.constant 3024 : index
    %swap3A_1326 = tpu.vector_load %arg6[%swap3A_1325] {strides = array<i32>} : memref<3136xi32, #tpu.memory_space<vmem>>, vector<16xi32>,
    %swap3A_1327 = vector.shape_cast %swap3A_1326 : vector<16xi32> to vector<16xi32>
    %swap3A_1328 = vector.shape_cast %get3A_1324 : vector<16xi32> to vector<16xi32>
    tpu.vector_store %arg6[%swap3A_1325], %swap3A_1328 {strides = array<i32>} : memref<3136xi32, #tpu.memory_space<vmem>>, vector<16xi32>,
    %get3A_1329 = arith.constant 2000 : index
    %get3A_1330 = tpu.vector_load %arg5[%get3A_1329] {strides = array<i32>} : memref<3136xi32, #tpu.memory_space<vmem>>, vector<16xi32>,
    %get3A_1331 = vector.shape_cast %get3A_1330 : vector<16xi32> to vector<16xi32>
    %swap3A_1332 = arith.constant 3040 : index
    %swap3A_1333 = tpu.vector_load %arg6[%swap3A_1332] {strides = array<i32>} : memref<3136xi32, #tpu.memory_space<vmem>>, vector<16xi32>,
    %swap3A_1334 = vector.shape_cast %swap3A_1333 : vector<16xi32> to vector<16xi32>
    %swap3A_1335 = vector.shape_cast %get3A_1331 : vector<16xi32> to vector<16xi32>
    tpu.vector_store %arg6[%swap3A_1332], %swap3A_1335 {strides = array<i32>} : memref<3136xi32, #tpu.memory_space<vmem>>, vector<16xi32>,
    %get3A_1336 = arith.constant 2224 : index
    %get3A_1337 = tpu.vector_load %arg5[%get3A_1336] {strides = array<i32>} : memref<3136xi32, #tpu.memory_space<vmem>>, vector<16xi32>,
    %get3A_1338 = vector.shape_cast %get3A_1337 : vector<16xi32> to vector<16xi32>
    %swap3A_1339 = arith.constant 3056 : index
    %swap3A_1340 = tpu.vector_load %arg6[%swap3A_1339] {strides = array<i32>} : memref<3136xi32, #tpu.memory_space<vmem>>, vector<16xi32>,
    %swap3A_1341 = vector.shape_cast %swap3A_1340 : vector<16xi32> to vector<16xi32>
    %swap3A_1342 = vector.shape_cast %get3A_1338 : vector<16xi32> to vector<16xi32>
    tpu.vector_store %arg6[%swap3A_1339], %swap3A_1342 {strides = array<i32>} : memref<3136xi32, #tpu.memory_space<vmem>>, vector<16xi32>,
    %get3A_1343 = arith.constant 2448 : index
    %get3A_1344 = tpu.vector_load %arg5[%get3A_1343] {strides = array<i32>} : memref<3136xi32, #tpu.memory_space<vmem>>, vector<16xi32>,
    %get3A_1345 = vector.shape_cast %get3A_1344 : vector<16xi32> to vector<16xi32>
    %swap3A_1346 = arith.constant 3072 : index
    %swap3A_1347 = tpu.vector_load %arg6[%swap3A_1346] {strides = array<i32>} : memref<3136xi32, #tpu.memory_space<vmem>>, vector<16xi32>,
    %swap3A_1348 = vector.shape_cast %swap3A_1347 : vector<16xi32> to vector<16xi32>
    %swap3A_1349 = vector.shape_cast %get3A_1345 : vector<16xi32> to vector<16xi32>
    tpu.vector_store %arg6[%swap3A_1346], %swap3A_1349 {strides = array<i32>} : memref<3136xi32, #tpu.memory_space<vmem>>, vector<16xi32>,
    %get3A_1350 = arith.constant 2672 : index
    %get3A_1351 = tpu.vector_load %arg5[%get3A_1350] {strides = array<i32>} : memref<3136xi32, #tpu.memory_space<vmem>>, vector<16xi32>,
    %get3A_1352 = vector.shape_cast %get3A_1351 : vector<16xi32> to vector<16xi32>
    %swap3A_1353 = arith.constant 3088 : index
    %swap3A_1354 = tpu.vector_load %arg6[%swap3A_1353] {strides = array<i32>} : memref<3136xi32, #tpu.memory_space<vmem>>, vector<16xi32>,
    %swap3A_1355 = vector.shape_cast %swap3A_1354 : vector<16xi32> to vector<16xi32>
    %swap3A_1356 = vector.shape_cast %get3A_1352 : vector<16xi32> to vector<16xi32>
    tpu.vector_store %arg6[%swap3A_1353], %swap3A_1356 {strides = array<i32>} : memref<3136xi32, #tpu.memory_space<vmem>>, vector<16xi32>,
    %get3A_1357 = arith.constant 2896 : index
    %get3A_1358 = tpu.vector_load %arg5[%get3A_1357] {strides = array<i32>} : memref<3136xi32, #tpu.memory_space<vmem>>, vector<16xi32>,
    %get3A_1359 = vector.shape_cast %get3A_1358 : vector<16xi32> to vector<16xi32>
    %swap3A_1360 = arith.constant 3104 : index
    %swap3A_1361 = tpu.vector_load %arg6[%swap3A_1360] {strides = array<i32>} : memref<3136xi32, #tpu.memory_space<vmem>>, vector<16xi32>,
    %swap3A_1362 = vector.shape_cast %swap3A_1361 : vector<16xi32> to vector<16xi32>
    %swap3A_1363 = vector.shape_cast %get3A_1359 : vector<16xi32> to vector<16xi32>
    tpu.vector_store %arg6[%swap3A_1360], %swap3A_1363 {strides = array<i32>} : memref<3136xi32, #tpu.memory_space<vmem>>, vector<16xi32>,
    %get3A_1364 = arith.constant 3120 : index
    %get3A_1365 = tpu.vector_load %arg5[%get3A_1364] {strides = array<i32>} : memref<3136xi32, #tpu.memory_space<vmem>>, vector<16xi32>,
    %get3A_1366 = vector.shape_cast %get3A_1365 : vector<16xi32> to vector<16xi32>
    %swap3A_1367 = arith.constant 3120 : index
    %swap3A_1368 = tpu.vector_load %arg6[%swap3A_1367] {strides = array<i32>} : memref<3136xi32, #tpu.memory_space<vmem>>, vector<16xi32>,
    %swap3A_1369 = vector.shape_cast %swap3A_1368 : vector<16xi32> to vector<16xi32>
    %swap3A_1370 = vector.shape_cast %get3A_1366 : vector<16xi32> to vector<16xi32>
    tpu.vector_store %arg6[%swap3A_1367], %swap3A_1370 {strides = array<i32>} : memref<3136xi32, #tpu.memory_space<vmem>>, vector<16xi32>,
    %dma_start3A = arith.constant 0 : i32
    %dma_start3A_1371 = arith.constant 0 : i32
    %dma_start3A_1372 = tpu.memref_slice %arg7[%dma_start3A, %dma_start3A_1371] : memref<3136x16xi32, #tpu.memory_space<vmem>> -> memref<112x16xi32, #tpu.memory_space<vmem>>
    %dma_start3A_1373 = arith.constant 0 : i32
    %dma_start3A_1374 = tpu.memref_slice %arg6[%dma_start3A_1373] : memref<3136xi32, #tpu.memory_space<vmem>> -> memref<112xi32, #tpu.memory_space<vmem>>
    %dma_start3A_1375 = arith.constant 0 : i32
    %dma_start3A_1376 = arith.constant 0 : i32
    %dma_start3A_1377 = tpu.memref_slice %arg3[%dma_start3A_1375, %dma_start3A_1376] : memref<8192x16xi32, #tpu.memory_space<hbm>> -> memref<8192x16xi32, #tpu.memory_space<hbm>>
    tpu.enqueue_indirect_dma source(%dma_start3A_1377 : memref<8192x16xi32, #tpu.memory_space<hbm>>) target(%dma_start3A_1372 : memref<112x16xi32, #tpu.memory_space<vmem>>) offsets(%dma_start3A_1374 : memref<112xi32, #tpu.memory_space<vmem>>) semaphore(%arg8 : memref<!tpu.dma_semaphore, #tpu.memory_space<semaphore_mem>>)
    %dma_start3A_1378 = arith.constant 112 : i32
    %dma_start3A_1379 = arith.constant 0 : i32
    %dma_start3A_1380 = tpu.memref_slice %arg7[%dma_start3A_1378, %dma_start3A_1379] : memref<3136x16xi32, #tpu.memory_space<vmem>> -> memref<112x16xi32, #tpu.memory_space<vmem>>
    %dma_start3A_1381 = arith.constant 112 : i32
    %dma_start3A_1382 = tpu.memref_slice %arg6[%dma_start3A_1381] : memref<3136xi32, #tpu.memory_space<vmem>> -> memref<112xi32, #tpu.memory_space<vmem>>
    %dma_start3A_1383 = arith.constant 0 : i32
    %dma_start3A_1384 = arith.constant 0 : i32
    %dma_start3A_1385 = tpu.memref_slice %arg3[%dma_start3A_1383, %dma_start3A_1384] : memref<8192x16xi32, #tpu.memory_space<hbm>> -> memref<8192x16xi32, #tpu.memory_space<hbm>>
    tpu.enqueue_indirect_dma source(%dma_start3A_1385 : memref<8192x16xi32, #tpu.memory_space<hbm>>) target(%dma_start3A_1380 : memref<112x16xi32, #tpu.memory_space<vmem>>) offsets(%dma_start3A_1382 : memref<112xi32, #tpu.memory_space<vmem>>) semaphore(%arg8 : memref<!tpu.dma_semaphore, #tpu.memory_space<semaphore_mem>>)
    %dma_start3A_1386 = arith.constant 224 : i32
    %dma_start3A_1387 = arith.constant 0 : i32
    %dma_start3A_1388 = tpu.memref_slice %arg7[%dma_start3A_1386, %dma_start3A_1387] : memref<3136x16xi32, #tpu.memory_space<vmem>> -> memref<112x16xi32, #tpu.memory_space<vmem>>
    %dma_start3A_1389 = arith.constant 224 : i32
    %dma_start3A_1390 = tpu.memref_slice %arg6[%dma_start3A_1389] : memref<3136xi32, #tpu.memory_space<vmem>> -> memref<112xi32, #tpu.memory_space<vmem>>
    %dma_start3A_1391 = arith.constant 0 : i32
    %dma_start3A_1392 = arith.constant 0 : i32
    %dma_start3A_1393 = tpu.memref_slice %arg3[%dma_start3A_1391, %dma_start3A_1392] : memref<8192x16xi32, #tpu.memory_space<hbm>> -> memref<8192x16xi32, #tpu.memory_space<hbm>>
    tpu.enqueue_indirect_dma source(%dma_start3A_1393 : memref<8192x16xi32, #tpu.memory_space<hbm>>) target(%dma_start3A_1388 : memref<112x16xi32, #tpu.memory_space<vmem>>) offsets(%dma_start3A_1390 : memref<112xi32, #tpu.memory_space<vmem>>) semaphore(%arg8 : memref<!tpu.dma_semaphore, #tpu.memory_space<semaphore_mem>>)
    %dma_start3A_1394 = arith.constant 336 : i32
    %dma_start3A_1395 = arith.constant 0 : i32
    %dma_start3A_1396 = tpu.memref_slice %arg7[%dma_start3A_1394, %dma_start3A_1395] : memref<3136x16xi32, #tpu.memory_space<vmem>> -> memref<112x16xi32, #tpu.memory_space<vmem>>
    %dma_start3A_1397 = arith.constant 336 : i32
    %dma_start3A_1398 = tpu.memref_slice %arg6[%dma_start3A_1397] : memref<3136xi32, #tpu.memory_space<vmem>> -> memref<112xi32, #tpu.memory_space<vmem>>
    %dma_start3A_1399 = arith.constant 0 : i32
    %dma_start3A_1400 = arith.constant 0 : i32
    %dma_start3A_1401 = tpu.memref_slice %arg3[%dma_start3A_1399, %dma_start3A_1400] : memref<8192x16xi32, #tpu.memory_space<hbm>> -> memref<8192x16xi32, #tpu.memory_space<hbm>>
    tpu.enqueue_indirect_dma source(%dma_start3A_1401 : memref<8192x16xi32, #tpu.memory_space<hbm>>) target(%dma_start3A_1396 : memref<112x16xi32, #tpu.memory_space<vmem>>) offsets(%dma_start3A_1398 : memref<112xi32, #tpu.memory_space<vmem>>) semaphore(%arg8 : memref<!tpu.dma_semaphore, #tpu.memory_space<semaphore_mem>>)
    %dma_start3A_1402 = arith.constant 448 : i32
    %dma_start3A_1403 = arith.constant 0 : i32
    %dma_start3A_1404 = tpu.memref_slice %arg7[%dma_start3A_1402, %dma_start3A_1403] : memref<3136x16xi32, #tpu.memory_space<vmem>> -> memref<112x16xi32, #tpu.memory_space<vmem>>
    %dma_start3A_1405 = arith.constant 448 : i32
    %dma_start3A_1406 = tpu.memref_slice %arg6[%dma_start3A_1405] : memref<3136xi32, #tpu.memory_space<vmem>> -> memref<112xi32, #tpu.memory_space<vmem>>
    %dma_start3A_1407 = arith.constant 0 : i32
    %dma_start3A_1408 = arith.constant 0 : i32
    %dma_start3A_1409 = tpu.memref_slice %arg3[%dma_start3A_1407, %dma_start3A_1408] : memref<8192x16xi32, #tpu.memory_space<hbm>> -> memref<8192x16xi32, #tpu.memory_space<hbm>>
    tpu.enqueue_indirect_dma source(%dma_start3A_1409 : memref<8192x16xi32, #tpu.memory_space<hbm>>) target(%dma_start3A_1404 : memref<112x16xi32, #tpu.memory_space<vmem>>) offsets(%dma_start3A_1406 : memref<112xi32, #tpu.memory_space<vmem>>) semaphore(%arg8 : memref<!tpu.dma_semaphore, #tpu.memory_space<semaphore_mem>>)
    %dma_start3A_1410 = arith.constant 560 : i32
    %dma_start3A_1411 = arith.constant 0 : i32
    %dma_start3A_1412 = tpu.memref_slice %arg7[%dma_start3A_1410, %dma_start3A_1411] : memref<3136x16xi32, #tpu.memory_space<vmem>> -> memref<112x16xi32, #tpu.memory_space<vmem>>
    %dma_start3A_1413 = arith.constant 560 : i32
    %dma_start3A_1414 = tpu.memref_slice %arg6[%dma_start3A_1413] : memref<3136xi32, #tpu.memory_space<vmem>> -> memref<112xi32, #tpu.memory_space<vmem>>
    %dma_start3A_1415 = arith.constant 0 : i32
    %dma_start3A_1416 = arith.constant 0 : i32
    %dma_start3A_1417 = tpu.memref_slice %arg3[%dma_start3A_1415, %dma_start3A_1416] : memref<8192x16xi32, #tpu.memory_space<hbm>> -> memref<8192x16xi32, #tpu.memory_space<hbm>>
    tpu.enqueue_indirect_dma source(%dma_start3A_1417 : memref<8192x16xi32, #tpu.memory_space<hbm>>) target(%dma_start3A_1412 : memref<112x16xi32, #tpu.memory_space<vmem>>) offsets(%dma_start3A_1414 : memref<112xi32, #tpu.memory_space<vmem>>) semaphore(%arg8 : memref<!tpu.dma_semaphore, #tpu.memory_space<semaphore_mem>>)
    %dma_start3A_1418 = arith.constant 672 : i32
    %dma_start3A_1419 = arith.constant 0 : i32
    %dma_start3A_1420 = tpu.memref_slice %arg7[%dma_start3A_1418, %dma_start3A_1419] : memref<3136x16xi32, #tpu.memory_space<vmem>> -> memref<112x16xi32, #tpu.memory_space<vmem>>
    %dma_start3A_1421 = arith.constant 672 : i32
    %dma_start3A_1422 = tpu.memref_slice %arg6[%dma_start3A_1421] : memref<3136xi32, #tpu.memory_space<vmem>> -> memref<112xi32, #tpu.memory_space<vmem>>
    %dma_start3A_1423 = arith.constant 0 : i32
    %dma_start3A_1424 = arith.constant 0 : i32
    %dma_start3A_1425 = tpu.memref_slice %arg3[%dma_start3A_1423, %dma_start3A_1424] : memref<8192x16xi32, #tpu.memory_space<hbm>> -> memref<8192x16xi32, #tpu.memory_space<hbm>>
    tpu.enqueue_indirect_dma source(%dma_start3A_1425 : memref<8192x16xi32, #tpu.memory_space<hbm>>) target(%dma_start3A_1420 : memref<112x16xi32, #tpu.memory_space<vmem>>) offsets(%dma_start3A_1422 : memref<112xi32, #tpu.memory_space<vmem>>) semaphore(%arg8 : memref<!tpu.dma_semaphore, #tpu.memory_space<semaphore_mem>>)
    %dma_start3A_1426 = arith.constant 784 : i32
    %dma_start3A_1427 = arith.constant 0 : i32
    %dma_start3A_1428 = tpu.memref_slice %arg7[%dma_start3A_1426, %dma_start3A_1427] : memref<3136x16xi32, #tpu.memory_space<vmem>> -> memref<112x16xi32, #tpu.memory_space<vmem>>
    %dma_start3A_1429 = arith.constant 784 : i32
    %dma_start3A_1430 = tpu.memref_slice %arg6[%dma_start3A_1429] : memref<3136xi32, #tpu.memory_space<vmem>> -> memref<112xi32, #tpu.memory_space<vmem>>
    %dma_start3A_1431 = arith.constant 0 : i32
    %dma_start3A_1432 = arith.constant 0 : i32
    %dma_start3A_1433 = tpu.memref_slice %arg3[%dma_start3A_1431, %dma_start3A_1432] : memref<8192x16xi32, #tpu.memory_space<hbm>> -> memref<8192x16xi32, #tpu.memory_space<hbm>>
    tpu.enqueue_indirect_dma source(%dma_start3A_1433 : memref<8192x16xi32, #tpu.memory_space<hbm>>) target(%dma_start3A_1428 : memref<112x16xi32, #tpu.memory_space<vmem>>) offsets(%dma_start3A_1430 : memref<112xi32, #tpu.memory_space<vmem>>) semaphore(%arg8 : memref<!tpu.dma_semaphore, #tpu.memory_space<semaphore_mem>>)
    %dma_start3A_1434 = arith.constant 896 : i32
    %dma_start3A_1435 = arith.constant 0 : i32
    %dma_start3A_1436 = tpu.memref_slice %arg7[%dma_start3A_1434, %dma_start3A_1435] : memref<3136x16xi32, #tpu.memory_space<vmem>> -> memref<112x16xi32, #tpu.memory_space<vmem>>
    %dma_start3A_1437 = arith.constant 896 : i32
    %dma_start3A_1438 = tpu.memref_slice %arg6[%dma_start3A_1437] : memref<3136xi32, #tpu.memory_space<vmem>> -> memref<112xi32, #tpu.memory_space<vmem>>
    %dma_start3A_1439 = arith.constant 0 : i32
    %dma_start3A_1440 = arith.constant 0 : i32
    %dma_start3A_1441 = tpu.memref_slice %arg3[%dma_start3A_1439, %dma_start3A_1440] : memref<8192x16xi32, #tpu.memory_space<hbm>> -> memref<8192x16xi32, #tpu.memory_space<hbm>>
    tpu.enqueue_indirect_dma source(%dma_start3A_1441 : memref<8192x16xi32, #tpu.memory_space<hbm>>) target(%dma_start3A_1436 : memref<112x16xi32, #tpu.memory_space<vmem>>) offsets(%dma_start3A_1438 : memref<112xi32, #tpu.memory_space<vmem>>) semaphore(%arg8 : memref<!tpu.dma_semaphore, #tpu.memory_space<semaphore_mem>>)
    %dma_start3A_1442 = arith.constant 1008 : i32
    %dma_start3A_1443 = arith.constant 0 : i32
    %dma_start3A_1444 = tpu.memref_slice %arg7[%dma_start3A_1442, %dma_start3A_1443] : memref<3136x16xi32, #tpu.memory_space<vmem>> -> memref<112x16xi32, #tpu.memory_space<vmem>>
    %dma_start3A_1445 = arith.constant 1008 : i32
    %dma_start3A_1446 = tpu.memref_slice %arg6[%dma_start3A_1445] : memref<3136xi32, #tpu.memory_space<vmem>> -> memref<112xi32, #tpu.memory_space<vmem>>
    %dma_start3A_1447 = arith.constant 0 : i32
    %dma_start3A_1448 = arith.constant 0 : i32
    %dma_start3A_1449 = tpu.memref_slice %arg3[%dma_start3A_1447, %dma_start3A_1448] : memref<8192x16xi32, #tpu.memory_space<hbm>> -> memref<8192x16xi32, #tpu.memory_space<hbm>>
    tpu.enqueue_indirect_dma source(%dma_start3A_1449 : memref<8192x16xi32, #tpu.memory_space<hbm>>) target(%dma_start3A_1444 : memref<112x16xi32, #tpu.memory_space<vmem>>) offsets(%dma_start3A_1446 : memref<112xi32, #tpu.memory_space<vmem>>) semaphore(%arg8 : memref<!tpu.dma_semaphore, #tpu.memory_space<semaphore_mem>>)
    %dma_start3A_1450 = arith.constant 1120 : i32
    %dma_start3A_1451 = arith.constant 0 : i32
    %dma_start3A_1452 = tpu.memref_slice %arg7[%dma_start3A_1450, %dma_start3A_1451] : memref<3136x16xi32, #tpu.memory_space<vmem>> -> memref<112x16xi32, #tpu.memory_space<vmem>>
    %dma_start3A_1453 = arith.constant 1120 : i32
    %dma_start3A_1454 = tpu.memref_slice %arg6[%dma_start3A_1453] : memref<3136xi32, #tpu.memory_space<vmem>> -> memref<112xi32, #tpu.memory_space<vmem>>
    %dma_start3A_1455 = arith.constant 0 : i32
    %dma_start3A_1456 = arith.constant 0 : i32
    %dma_start3A_1457 = tpu.memref_slice %arg3[%dma_start3A_1455, %dma_start3A_1456] : memref<8192x16xi32, #tpu.memory_space<hbm>> -> memref<8192x16xi32, #tpu.memory_space<hbm>>
    tpu.enqueue_indirect_dma source(%dma_start3A_1457 : memref<8192x16xi32, #tpu.memory_space<hbm>>) target(%dma_start3A_1452 : memref<112x16xi32, #tpu.memory_space<vmem>>) offsets(%dma_start3A_1454 : memref<112xi32, #tpu.memory_space<vmem>>) semaphore(%arg8 : memref<!tpu.dma_semaphore, #tpu.memory_space<semaphore_mem>>)
    %dma_start3A_1458 = arith.constant 1232 : i32
    %dma_start3A_1459 = arith.constant 0 : i32
    %dma_start3A_1460 = tpu.memref_slice %arg7[%dma_start3A_1458, %dma_start3A_1459] : memref<3136x16xi32, #tpu.memory_space<vmem>> -> memref<112x16xi32, #tpu.memory_space<vmem>>
    %dma_start3A_1461 = arith.constant 1232 : i32
    %dma_start3A_1462 = tpu.memref_slice %arg6[%dma_start3A_1461] : memref<3136xi32, #tpu.memory_space<vmem>> -> memref<112xi32, #tpu.memory_space<vmem>>
    %dma_start3A_1463 = arith.constant 0 : i32
    %dma_start3A_1464 = arith.constant 0 : i32
    %dma_start3A_1465 = tpu.memref_slice %arg3[%dma_start3A_1463, %dma_start3A_1464] : memref<8192x16xi32, #tpu.memory_space<hbm>> -> memref<8192x16xi32, #tpu.memory_space<hbm>>
    tpu.enqueue_indirect_dma source(%dma_start3A_1465 : memref<8192x16xi32, #tpu.memory_space<hbm>>) target(%dma_start3A_1460 : memref<112x16xi32, #tpu.memory_space<vmem>>) offsets(%dma_start3A_1462 : memref<112xi32, #tpu.memory_space<vmem>>) semaphore(%arg8 : memref<!tpu.dma_semaphore, #tpu.memory_space<semaphore_mem>>)
    %dma_start3A_1466 = arith.constant 1344 : i32
    %dma_start3A_1467 = arith.constant 0 : i32
    %dma_start3A_1468 = tpu.memref_slice %arg7[%dma_start3A_1466, %dma_start3A_1467] : memref<3136x16xi32, #tpu.memory_space<vmem>> -> memref<112x16xi32, #tpu.memory_space<vmem>>
    %dma_start3A_1469 = arith.constant 1344 : i32
    %dma_start3A_1470 = tpu.memref_slice %arg6[%dma_start3A_1469] : memref<3136xi32, #tpu.memory_space<vmem>> -> memref<112xi32, #tpu.memory_space<vmem>>
    %dma_start3A_1471 = arith.constant 0 : i32
    %dma_start3A_1472 = arith.constant 0 : i32
    %dma_start3A_1473 = tpu.memref_slice %arg3[%dma_start3A_1471, %dma_start3A_1472] : memref<8192x16xi32, #tpu.memory_space<hbm>> -> memref<8192x16xi32, #tpu.memory_space<hbm>>
    tpu.enqueue_indirect_dma source(%dma_start3A_1473 : memref<8192x16xi32, #tpu.memory_space<hbm>>) target(%dma_start3A_1468 : memref<112x16xi32, #tpu.memory_space<vmem>>) offsets(%dma_start3A_1470 : memref<112xi32, #tpu.memory_space<vmem>>) semaphore(%arg8 : memref<!tpu.dma_semaphore, #tpu.memory_space<semaphore_mem>>)
    %dma_start3A_1474 = arith.constant 1456 : i32
    %dma_start3A_1475 = arith.constant 0 : i32
    %dma_start3A_1476 = tpu.memref_slice %arg7[%dma_start3A_1474, %dma_start3A_1475] : memref<3136x16xi32, #tpu.memory_space<vmem>> -> memref<112x16xi32, #tpu.memory_space<vmem>>
    %dma_start3A_1477 = arith.constant 1456 : i32
    %dma_start3A_1478 = tpu.memref_slice %arg6[%dma_start3A_1477] : memref<3136xi32, #tpu.memory_space<vmem>> -> memref<112xi32, #tpu.memory_space<vmem>>
    %dma_start3A_1479 = arith.constant 0 : i32
    %dma_start3A_1480 = arith.constant 0 : i32
    %dma_start3A_1481 = tpu.memref_slice %arg3[%dma_start3A_1479, %dma_start3A_1480] : memref<8192x16xi32, #tpu.memory_space<hbm>> -> memref<8192x16xi32, #tpu.memory_space<hbm>>
    tpu.enqueue_indirect_dma source(%dma_start3A_1481 : memref<8192x16xi32, #tpu.memory_space<hbm>>) target(%dma_start3A_1476 : memref<112x16xi32, #tpu.memory_space<vmem>>) offsets(%dma_start3A_1478 : memref<112xi32, #tpu.memory_space<vmem>>) semaphore(%arg8 : memref<!tpu.dma_semaphore, #tpu.memory_space<semaphore_mem>>)
    %dma_start3A_1482 = arith.constant 1568 : i32
    %dma_start3A_1483 = arith.constant 0 : i32
    %dma_start3A_1484 = tpu.memref_slice %arg7[%dma_start3A_1482, %dma_start3A_1483] : memref<3136x16xi32, #tpu.memory_space<vmem>> -> memref<112x16xi32, #tpu.memory_space<vmem>>
    %dma_start3A_1485 = arith.constant 1568 : i32
    %dma_start3A_1486 = tpu.memref_slice %arg6[%dma_start3A_1485] : memref<3136xi32, #tpu.memory_space<vmem>> -> memref<112xi32, #tpu.memory_space<vmem>>
    %dma_start3A_1487 = arith.constant 0 : i32
    %dma_start3A_1488 = arith.constant 0 : i32
    %dma_start3A_1489 = tpu.memref_slice %arg3[%dma_start3A_1487, %dma_start3A_1488] : memref<8192x16xi32, #tpu.memory_space<hbm>> -> memref<8192x16xi32, #tpu.memory_space<hbm>>
    tpu.enqueue_indirect_dma source(%dma_start3A_1489 : memref<8192x16xi32, #tpu.memory_space<hbm>>) target(%dma_start3A_1484 : memref<112x16xi32, #tpu.memory_space<vmem>>) offsets(%dma_start3A_1486 : memref<112xi32, #tpu.memory_space<vmem>>) semaphore(%arg8 : memref<!tpu.dma_semaphore, #tpu.memory_space<semaphore_mem>>)
    %dma_start3A_1490 = arith.constant 1680 : i32
    %dma_start3A_1491 = arith.constant 0 : i32
    %dma_start3A_1492 = tpu.memref_slice %arg7[%dma_start3A_1490, %dma_start3A_1491] : memref<3136x16xi32, #tpu.memory_space<vmem>> -> memref<112x16xi32, #tpu.memory_space<vmem>>
    %dma_start3A_1493 = arith.constant 1680 : i32
    %dma_start3A_1494 = tpu.memref_slice %arg6[%dma_start3A_1493] : memref<3136xi32, #tpu.memory_space<vmem>> -> memref<112xi32, #tpu.memory_space<vmem>>
    %dma_start3A_1495 = arith.constant 0 : i32
    %dma_start3A_1496 = arith.constant 0 : i32
    %dma_start3A_1497 = tpu.memref_slice %arg3[%dma_start3A_1495, %dma_start3A_1496] : memref<8192x16xi32, #tpu.memory_space<hbm>> -> memref<8192x16xi32, #tpu.memory_space<hbm>>
    tpu.enqueue_indirect_dma source(%dma_start3A_1497 : memref<8192x16xi32, #tpu.memory_space<hbm>>) target(%dma_start3A_1492 : memref<112x16xi32, #tpu.memory_space<vmem>>) offsets(%dma_start3A_1494 : memref<112xi32, #tpu.memory_space<vmem>>) semaphore(%arg8 : memref<!tpu.dma_semaphore, #tpu.memory_space<semaphore_mem>>)
    %dma_start3A_1498 = arith.constant 1792 : i32
    %dma_start3A_1499 = arith.constant 0 : i32
    %dma_start3A_1500 = tpu.memref_slice %arg7[%dma_start3A_1498, %dma_start3A_1499] : memref<3136x16xi32, #tpu.memory_space<vmem>> -> memref<112x16xi32, #tpu.memory_space<vmem>>
    %dma_start3A_1501 = arith.constant 1792 : i32
    %dma_start3A_1502 = tpu.memref_slice %arg6[%dma_start3A_1501] : memref<3136xi32, #tpu.memory_space<vmem>> -> memref<112xi32, #tpu.memory_space<vmem>>
    %dma_start3A_1503 = arith.constant 0 : i32
    %dma_start3A_1504 = arith.constant 0 : i32
    %dma_start3A_1505 = tpu.memref_slice %arg3[%dma_start3A_1503, %dma_start3A_1504] : memref<8192x16xi32, #tpu.memory_space<hbm>> -> memref<8192x16xi32, #tpu.memory_space<hbm>>
    tpu.enqueue_indirect_dma source(%dma_start3A_1505 : memref<8192x16xi32, #tpu.memory_space<hbm>>) target(%dma_start3A_1500 : memref<112x16xi32, #tpu.memory_space<vmem>>) offsets(%dma_start3A_1502 : memref<112xi32, #tpu.memory_space<vmem>>) semaphore(%arg8 : memref<!tpu.dma_semaphore, #tpu.memory_space<semaphore_mem>>)
    %dma_start3A_1506 = arith.constant 1904 : i32
    %dma_start3A_1507 = arith.constant 0 : i32
    %dma_start3A_1508 = tpu.memref_slice %arg7[%dma_start3A_1506, %dma_start3A_1507] : memref<3136x16xi32, #tpu.memory_space<vmem>> -> memref<112x16xi32, #tpu.memory_space<vmem>>
    %dma_start3A_1509 = arith.constant 1904 : i32
    %dma_start3A_1510 = tpu.memref_slice %arg6[%dma_start3A_1509] : memref<3136xi32, #tpu.memory_space<vmem>> -> memref<112xi32, #tpu.memory_space<vmem>>
    %dma_start3A_1511 = arith.constant 0 : i32
    %dma_start3A_1512 = arith.constant 0 : i32
    %dma_start3A_1513 = tpu.memref_slice %arg3[%dma_start3A_1511, %dma_start3A_1512] : memref<8192x16xi32, #tpu.memory_space<hbm>> -> memref<8192x16xi32, #tpu.memory_space<hbm>>
    tpu.enqueue_indirect_dma source(%dma_start3A_1513 : memref<8192x16xi32, #tpu.memory_space<hbm>>) target(%dma_start3A_1508 : memref<112x16xi32, #tpu.memory_space<vmem>>) offsets(%dma_start3A_1510 : memref<112xi32, #tpu.memory_space<vmem>>) semaphore(%arg8 : memref<!tpu.dma_semaphore, #tpu.memory_space<semaphore_mem>>)
    %dma_start3A_1514 = arith.constant 2016 : i32
    %dma_start3A_1515 = arith.constant 0 : i32
    %dma_start3A_1516 = tpu.memref_slice %arg7[%dma_start3A_1514, %dma_start3A_1515] : memref<3136x16xi32, #tpu.memory_space<vmem>> -> memref<112x16xi32, #tpu.memory_space<vmem>>
    %dma_start3A_1517 = arith.constant 2016 : i32
    %dma_start3A_1518 = tpu.memref_slice %arg6[%dma_start3A_1517] : memref<3136xi32, #tpu.memory_space<vmem>> -> memref<112xi32, #tpu.memory_space<vmem>>
    %dma_start3A_1519 = arith.constant 0 : i32
    %dma_start3A_1520 = arith.constant 0 : i32
    %dma_start3A_1521 = tpu.memref_slice %arg3[%dma_start3A_1519, %dma_start3A_1520] : memref<8192x16xi32, #tpu.memory_space<hbm>> -> memref<8192x16xi32, #tpu.memory_space<hbm>>
    tpu.enqueue_indirect_dma source(%dma_start3A_1521 : memref<8192x16xi32, #tpu.memory_space<hbm>>) target(%dma_start3A_1516 : memref<112x16xi32, #tpu.memory_space<vmem>>) offsets(%dma_start3A_1518 : memref<112xi32, #tpu.memory_space<vmem>>) semaphore(%arg8 : memref<!tpu.dma_semaphore, #tpu.memory_space<semaphore_mem>>)
    %dma_start3A_1522 = arith.constant 2128 : i32
    %dma_start3A_1523 = arith.constant 0 : i32
    %dma_start3A_1524 = tpu.memref_slice %arg7[%dma_start3A_1522, %dma_start3A_1523] : memref<3136x16xi32, #tpu.memory_space<vmem>> -> memref<112x16xi32, #tpu.memory_space<vmem>>
    %dma_start3A_1525 = arith.constant 2128 : i32
    %dma_start3A_1526 = tpu.memref_slice %arg6[%dma_start3A_1525] : memref<3136xi32, #tpu.memory_space<vmem>> -> memref<112xi32, #tpu.memory_space<vmem>>
    %dma_start3A_1527 = arith.constant 0 : i32
    %dma_start3A_1528 = arith.constant 0 : i32
    %dma_start3A_1529 = tpu.memref_slice %arg3[%dma_start3A_1527, %dma_start3A_1528] : memref<8192x16xi32, #tpu.memory_space<hbm>> -> memref<8192x16xi32, #tpu.memory_space<hbm>>
    tpu.enqueue_indirect_dma source(%dma_start3A_1529 : memref<8192x16xi32, #tpu.memory_space<hbm>>) target(%dma_start3A_1524 : memref<112x16xi32, #tpu.memory_space<vmem>>) offsets(%dma_start3A_1526 : memref<112xi32, #tpu.memory_space<vmem>>) semaphore(%arg8 : memref<!tpu.dma_semaphore, #tpu.memory_space<semaphore_mem>>)
    %dma_start3A_1530 = arith.constant 2240 : i32
    %dma_start3A_1531 = arith.constant 0 : i32
    %dma_start3A_1532 = tpu.memref_slice %arg7[%dma_start3A_1530, %dma_start3A_1531] : memref<3136x16xi32, #tpu.memory_space<vmem>> -> memref<112x16xi32, #tpu.memory_space<vmem>>
    %dma_start3A_1533 = arith.constant 2240 : i32
    %dma_start3A_1534 = tpu.memref_slice %arg6[%dma_start3A_1533] : memref<3136xi32, #tpu.memory_space<vmem>> -> memref<112xi32, #tpu.memory_space<vmem>>
    %dma_start3A_1535 = arith.constant 0 : i32
    %dma_start3A_1536 = arith.constant 0 : i32
    %dma_start3A_1537 = tpu.memref_slice %arg3[%dma_start3A_1535, %dma_start3A_1536] : memref<8192x16xi32, #tpu.memory_space<hbm>> -> memref<8192x16xi32, #tpu.memory_space<hbm>>
    tpu.enqueue_indirect_dma source(%dma_start3A_1537 : memref<8192x16xi32, #tpu.memory_space<hbm>>) target(%dma_start3A_1532 : memref<112x16xi32, #tpu.memory_space<vmem>>) offsets(%dma_start3A_1534 : memref<112xi32, #tpu.memory_space<vmem>>) semaphore(%arg8 : memref<!tpu.dma_semaphore, #tpu.memory_space<semaphore_mem>>)
    %dma_start3A_1538 = arith.constant 2352 : i32
    %dma_start3A_1539 = arith.constant 0 : i32
    %dma_start3A_1540 = tpu.memref_slice %arg7[%dma_start3A_1538, %dma_start3A_1539] : memref<3136x16xi32, #tpu.memory_space<vmem>> -> memref<112x16xi32, #tpu.memory_space<vmem>>
    %dma_start3A_1541 = arith.constant 2352 : i32
    %dma_start3A_1542 = tpu.memref_slice %arg6[%dma_start3A_1541] : memref<3136xi32, #tpu.memory_space<vmem>> -> memref<112xi32, #tpu.memory_space<vmem>>
    %dma_start3A_1543 = arith.constant 0 : i32
    %dma_start3A_1544 = arith.constant 0 : i32
    %dma_start3A_1545 = tpu.memref_slice %arg3[%dma_start3A_1543, %dma_start3A_1544] : memref<8192x16xi32, #tpu.memory_space<hbm>> -> memref<8192x16xi32, #tpu.memory_space<hbm>>
    tpu.enqueue_indirect_dma source(%dma_start3A_1545 : memref<8192x16xi32, #tpu.memory_space<hbm>>) target(%dma_start3A_1540 : memref<112x16xi32, #tpu.memory_space<vmem>>) offsets(%dma_start3A_1542 : memref<112xi32, #tpu.memory_space<vmem>>) semaphore(%arg8 : memref<!tpu.dma_semaphore, #tpu.memory_space<semaphore_mem>>)
    %dma_start3A_1546 = arith.constant 2464 : i32
    %dma_start3A_1547 = arith.constant 0 : i32
    %dma_start3A_1548 = tpu.memref_slice %arg7[%dma_start3A_1546, %dma_start3A_1547] : memref<3136x16xi32, #tpu.memory_space<vmem>> -> memref<112x16xi32, #tpu.memory_space<vmem>>
    %dma_start3A_1549 = arith.constant 2464 : i32
    %dma_start3A_1550 = tpu.memref_slice %arg6[%dma_start3A_1549] : memref<3136xi32, #tpu.memory_space<vmem>> -> memref<112xi32, #tpu.memory_space<vmem>>
    %dma_start3A_1551 = arith.constant 0 : i32
    %dma_start3A_1552 = arith.constant 0 : i32
    %dma_start3A_1553 = tpu.memref_slice %arg3[%dma_start3A_1551, %dma_start3A_1552] : memref<8192x16xi32, #tpu.memory_space<hbm>> -> memref<8192x16xi32, #tpu.memory_space<hbm>>
    tpu.enqueue_indirect_dma source(%dma_start3A_1553 : memref<8192x16xi32, #tpu.memory_space<hbm>>) target(%dma_start3A_1548 : memref<112x16xi32, #tpu.memory_space<vmem>>) offsets(%dma_start3A_1550 : memref<112xi32, #tpu.memory_space<vmem>>) semaphore(%arg8 : memref<!tpu.dma_semaphore, #tpu.memory_space<semaphore_mem>>)
    %dma_start3A_1554 = arith.constant 2576 : i32
    %dma_start3A_1555 = arith.constant 0 : i32
    %dma_start3A_1556 = tpu.memref_slice %arg7[%dma_start3A_1554, %dma_start3A_1555] : memref<3136x16xi32, #tpu.memory_space<vmem>> -> memref<112x16xi32, #tpu.memory_space<vmem>>
    %dma_start3A_1557 = arith.constant 2576 : i32
    %dma_start3A_1558 = tpu.memref_slice %arg6[%dma_start3A_1557] : memref<3136xi32, #tpu.memory_space<vmem>> -> memref<112xi32, #tpu.memory_space<vmem>>
    %dma_start3A_1559 = arith.constant 0 : i32
    %dma_start3A_1560 = arith.constant 0 : i32
    %dma_start3A_1561 = tpu.memref_slice %arg3[%dma_start3A_1559, %dma_start3A_1560] : memref<8192x16xi32, #tpu.memory_space<hbm>> -> memref<8192x16xi32, #tpu.memory_space<hbm>>
    tpu.enqueue_indirect_dma source(%dma_start3A_1561 : memref<8192x16xi32, #tpu.memory_space<hbm>>) target(%dma_start3A_1556 : memref<112x16xi32, #tpu.memory_space<vmem>>) offsets(%dma_start3A_1558 : memref<112xi32, #tpu.memory_space<vmem>>) semaphore(%arg8 : memref<!tpu.dma_semaphore, #tpu.memory_space<semaphore_mem>>)
    %dma_start3A_1562 = arith.constant 2688 : i32
    %dma_start3A_1563 = arith.constant 0 : i32
    %dma_start3A_1564 = tpu.memref_slice %arg7[%dma_start3A_1562, %dma_start3A_1563] : memref<3136x16xi32, #tpu.memory_space<vmem>> -> memref<112x16xi32, #tpu.memory_space<vmem>>
    %dma_start3A_1565 = arith.constant 2688 : i32
    %dma_start3A_1566 = tpu.memref_slice %arg6[%dma_start3A_1565] : memref<3136xi32, #tpu.memory_space<vmem>> -> memref<112xi32, #tpu.memory_space<vmem>>
    %dma_start3A_1567 = arith.constant 0 : i32
    %dma_start3A_1568 = arith.constant 0 : i32
    %dma_start3A_1569 = tpu.memref_slice %arg3[%dma_start3A_1567, %dma_start3A_1568] : memref<8192x16xi32, #tpu.memory_space<hbm>> -> memref<8192x16xi32, #tpu.memory_space<hbm>>
    tpu.enqueue_indirect_dma source(%dma_start3A_1569 : memref<8192x16xi32, #tpu.memory_space<hbm>>) target(%dma_start3A_1564 : memref<112x16xi32, #tpu.memory_space<vmem>>) offsets(%dma_start3A_1566 : memref<112xi32, #tpu.memory_space<vmem>>) semaphore(%arg8 : memref<!tpu.dma_semaphore, #tpu.memory_space<semaphore_mem>>)
    %dma_start3A_1570 = arith.constant 2800 : i32
    %dma_start3A_1571 = arith.constant 0 : i32
    %dma_start3A_1572 = tpu.memref_slice %arg7[%dma_start3A_1570, %dma_start3A_1571] : memref<3136x16xi32, #tpu.memory_space<vmem>> -> memref<112x16xi32, #tpu.memory_space<vmem>>
    %dma_start3A_1573 = arith.constant 2800 : i32
    %dma_start3A_1574 = tpu.memref_slice %arg6[%dma_start3A_1573] : memref<3136xi32, #tpu.memory_space<vmem>> -> memref<112xi32, #tpu.memory_space<vmem>>
    %dma_start3A_1575 = arith.constant 0 : i32
    %dma_start3A_1576 = arith.constant 0 : i32
    %dma_start3A_1577 = tpu.memref_slice %arg3[%dma_start3A_1575, %dma_start3A_1576] : memref<8192x16xi32, #tpu.memory_space<hbm>> -> memref<8192x16xi32, #tpu.memory_space<hbm>>
    tpu.enqueue_indirect_dma source(%dma_start3A_1577 : memref<8192x16xi32, #tpu.memory_space<hbm>>) target(%dma_start3A_1572 : memref<112x16xi32, #tpu.memory_space<vmem>>) offsets(%dma_start3A_1574 : memref<112xi32, #tpu.memory_space<vmem>>) semaphore(%arg8 : memref<!tpu.dma_semaphore, #tpu.memory_space<semaphore_mem>>)
    %dma_start3A_1578 = arith.constant 2912 : i32
    %dma_start3A_1579 = arith.constant 0 : i32
    %dma_start3A_1580 = tpu.memref_slice %arg7[%dma_start3A_1578, %dma_start3A_1579] : memref<3136x16xi32, #tpu.memory_space<vmem>> -> memref<112x16xi32, #tpu.memory_space<vmem>>
    %dma_start3A_1581 = arith.constant 2912 : i32
    %dma_start3A_1582 = tpu.memref_slice %arg6[%dma_start3A_1581] : memref<3136xi32, #tpu.memory_space<vmem>> -> memref<112xi32, #tpu.memory_space<vmem>>
    %dma_start3A_1583 = arith.constant 0 : i32
    %dma_start3A_1584 = arith.constant 0 : i32
    %dma_start3A_1585 = tpu.memref_slice %arg3[%dma_start3A_1583, %dma_start3A_1584] : memref<8192x16xi32, #tpu.memory_space<hbm>> -> memref<8192x16xi32, #tpu.memory_space<hbm>>
    tpu.enqueue_indirect_dma source(%dma_start3A_1585 : memref<8192x16xi32, #tpu.memory_space<hbm>>) target(%dma_start3A_1580 : memref<112x16xi32, #tpu.memory_space<vmem>>) offsets(%dma_start3A_1582 : memref<112xi32, #tpu.memory_space<vmem>>) semaphore(%arg8 : memref<!tpu.dma_semaphore, #tpu.memory_space<semaphore_mem>>)
    %dma_start3A_1586 = arith.constant 3024 : i32
    %dma_start3A_1587 = arith.constant 0 : i32
    %dma_start3A_1588 = tpu.memref_slice %arg7[%dma_start3A_1586, %dma_start3A_1587] : memref<3136x16xi32, #tpu.memory_space<vmem>> -> memref<112x16xi32, #tpu.memory_space<vmem>>
    %dma_start3A_1589 = arith.constant 3024 : i32
    %dma_start3A_1590 = tpu.memref_slice %arg6[%dma_start3A_1589] : memref<3136xi32, #tpu.memory_space<vmem>> -> memref<112xi32, #tpu.memory_space<vmem>>
    %dma_start3A_1591 = arith.constant 0 : i32
    %dma_start3A_1592 = arith.constant 0 : i32
    %dma_start3A_1593 = tpu.memref_slice %arg3[%dma_start3A_1591, %dma_start3A_1592] : memref<8192x16xi32, #tpu.memory_space<hbm>> -> memref<8192x16xi32, #tpu.memory_space<hbm>>
    tpu.enqueue_indirect_dma source(%dma_start3A_1593 : memref<8192x16xi32, #tpu.memory_space<hbm>>) target(%dma_start3A_1588 : memref<112x16xi32, #tpu.memory_space<vmem>>) offsets(%dma_start3A_1590 : memref<112xi32, #tpu.memory_space<vmem>>) semaphore(%arg8 : memref<!tpu.dma_semaphore, #tpu.memory_space<semaphore_mem>>)
    %dma_wait3A = arith.constant 0 : i32
    %dma_wait3A_1594 = arith.constant 0 : i32
    %dma_wait3A_1595 = tpu.memref_slice %arg7[%dma_wait3A, %dma_wait3A_1594] : memref<3136x16xi32, #tpu.memory_space<vmem>> -> memref<112x16xi32, #tpu.memory_space<vmem>>
    %dma_wait3A_1596 = arith.constant 0 : i32
    %dma_wait3A_1597 = tpu.memref_slice %arg6[%dma_wait3A_1596] : memref<3136xi32, #tpu.memory_space<vmem>> -> memref<112xi32, #tpu.memory_space<vmem>>
    %dma_wait3A_1598 = arith.constant 0 : i32
    %dma_wait3A_1599 = arith.constant 0 : i32
    %dma_wait3A_1600 = tpu.memref_slice %arg3[%dma_wait3A_1598, %dma_wait3A_1599] : memref<8192x16xi32, #tpu.memory_space<hbm>> -> memref<8192x16xi32, #tpu.memory_space<hbm>>
    tpu.wait_indirect_dma semaphore(%arg8 : memref<!tpu.dma_semaphore, #tpu.memory_space<semaphore_mem>>) src(%dma_wait3A_1600 : memref<8192x16xi32, #tpu.memory_space<hbm>>) dst(%dma_wait3A_1595 : memref<112x16xi32, #tpu.memory_space<vmem>>)
    %dma_wait3A_1601 = arith.constant 112 : i32
    %dma_wait3A_1602 = arith.constant 0 : i32
    %dma_wait3A_1603 = tpu.memref_slice %arg7[%dma_wait3A_1601, %dma_wait3A_1602] : memref<3136x16xi32, #tpu.memory_space<vmem>> -> memref<112x16xi32, #tpu.memory_space<vmem>>
    %dma_wait3A_1604 = arith.constant 112 : i32
    %dma_wait3A_1605 = tpu.memref_slice %arg6[%dma_wait3A_1604] : memref<3136xi32, #tpu.memory_space<vmem>> -> memref<112xi32, #tpu.memory_space<vmem>>
    %dma_wait3A_1606 = arith.constant 0 : i32
    %dma_wait3A_1607 = arith.constant 0 : i32
    %dma_wait3A_1608 = tpu.memref_slice %arg3[%dma_wait3A_1606, %dma_wait3A_1607] : memref<8192x16xi32, #tpu.memory_space<hbm>> -> memref<8192x16xi32, #tpu.memory_space<hbm>>
    tpu.wait_indirect_dma semaphore(%arg8 : memref<!tpu.dma_semaphore, #tpu.memory_space<semaphore_mem>>) src(%dma_wait3A_1608 : memref<8192x16xi32, #tpu.memory_space<hbm>>) dst(%dma_wait3A_1603 : memref<112x16xi32, #tpu.memory_space<vmem>>)
    %dma_wait3A_1609 = arith.constant 224 : i32
    %dma_wait3A_1610 = arith.constant 0 : i32
    %dma_wait3A_1611 = tpu.memref_slice %arg7[%dma_wait3A_1609, %dma_wait3A_1610] : memref<3136x16xi32, #tpu.memory_space<vmem>> -> memref<112x16xi32, #tpu.memory_space<vmem>>
    %dma_wait3A_1612 = arith.constant 224 : i32
    %dma_wait3A_1613 = tpu.memref_slice %arg6[%dma_wait3A_1612] : memref<3136xi32, #tpu.memory_space<vmem>> -> memref<112xi32, #tpu.memory_space<vmem>>
    %dma_wait3A_1614 = arith.constant 0 : i32
    %dma_wait3A_1615 = arith.constant 0 : i32
    %dma_wait3A_1616 = tpu.memref_slice %arg3[%dma_wait3A_1614, %dma_wait3A_1615] : memref<8192x16xi32, #tpu.memory_space<hbm>> -> memref<8192x16xi32, #tpu.memory_space<hbm>>
    tpu.wait_indirect_dma semaphore(%arg8 : memref<!tpu.dma_semaphore, #tpu.memory_space<semaphore_mem>>) src(%dma_wait3A_1616 : memref<8192x16xi32, #tpu.memory_space<hbm>>) dst(%dma_wait3A_1611 : memref<112x16xi32, #tpu.memory_space<vmem>>)
    %dma_wait3A_1617 = arith.constant 336 : i32
    %dma_wait3A_1618 = arith.constant 0 : i32
    %dma_wait3A_1619 = tpu.memref_slice %arg7[%dma_wait3A_1617, %dma_wait3A_1618] : memref<3136x16xi32, #tpu.memory_space<vmem>> -> memref<112x16xi32, #tpu.memory_space<vmem>>
    %dma_wait3A_1620 = arith.constant 336 : i32
    %dma_wait3A_1621 = tpu.memref_slice %arg6[%dma_wait3A_1620] : memref<3136xi32, #tpu.memory_space<vmem>> -> memref<112xi32, #tpu.memory_space<vmem>>
    %dma_wait3A_1622 = arith.constant 0 : i32
    %dma_wait3A_1623 = arith.constant 0 : i32
    %dma_wait3A_1624 = tpu.memref_slice %arg3[%dma_wait3A_1622, %dma_wait3A_1623] : memref<8192x16xi32, #tpu.memory_space<hbm>> -> memref<8192x16xi32, #tpu.memory_space<hbm>>
    tpu.wait_indirect_dma semaphore(%arg8 : memref<!tpu.dma_semaphore, #tpu.memory_space<semaphore_mem>>) src(%dma_wait3A_1624 : memref<8192x16xi32, #tpu.memory_space<hbm>>) dst(%dma_wait3A_1619 : memref<112x16xi32, #tpu.memory_space<vmem>>)
    %dma_wait3A_1625 = arith.constant 448 : i32
    %dma_wait3A_1626 = arith.constant 0 : i32
    %dma_wait3A_1627 = tpu.memref_slice %arg7[%dma_wait3A_1625, %dma_wait3A_1626] : memref<3136x16xi32, #tpu.memory_space<vmem>> -> memref<112x16xi32, #tpu.memory_space<vmem>>
    %dma_wait3A_1628 = arith.constant 448 : i32
    %dma_wait3A_1629 = tpu.memref_slice %arg6[%dma_wait3A_1628] : memref<3136xi32, #tpu.memory_space<vmem>> -> memref<112xi32, #tpu.memory_space<vmem>>
    %dma_wait3A_1630 = arith.constant 0 : i32
    %dma_wait3A_1631 = arith.constant 0 : i32
    %dma_wait3A_1632 = tpu.memref_slice %arg3[%dma_wait3A_1630, %dma_wait3A_1631] : memref<8192x16xi32, #tpu.memory_space<hbm>> -> memref<8192x16xi32, #tpu.memory_space<hbm>>
    tpu.wait_indirect_dma semaphore(%arg8 : memref<!tpu.dma_semaphore, #tpu.memory_space<semaphore_mem>>) src(%dma_wait3A_1632 : memref<8192x16xi32, #tpu.memory_space<hbm>>) dst(%dma_wait3A_1627 : memref<112x16xi32, #tpu.memory_space<vmem>>)
    %dma_wait3A_1633 = arith.constant 560 : i32
    %dma_wait3A_1634 = arith.constant 0 : i32
    %dma_wait3A_1635 = tpu.memref_slice %arg7[%dma_wait3A_1633, %dma_wait3A_1634] : memref<3136x16xi32, #tpu.memory_space<vmem>> -> memref<112x16xi32, #tpu.memory_space<vmem>>
    %dma_wait3A_1636 = arith.constant 560 : i32
    %dma_wait3A_1637 = tpu.memref_slice %arg6[%dma_wait3A_1636] : memref<3136xi32, #tpu.memory_space<vmem>> -> memref<112xi32, #tpu.memory_space<vmem>>
    %dma_wait3A_1638 = arith.constant 0 : i32
    %dma_wait3A_1639 = arith.constant 0 : i32
    %dma_wait3A_1640 = tpu.memref_slice %arg3[%dma_wait3A_1638, %dma_wait3A_1639] : memref<8192x16xi32, #tpu.memory_space<hbm>> -> memref<8192x16xi32, #tpu.memory_space<hbm>>
    tpu.wait_indirect_dma semaphore(%arg8 : memref<!tpu.dma_semaphore, #tpu.memory_space<semaphore_mem>>) src(%dma_wait3A_1640 : memref<8192x16xi32, #tpu.memory_space<hbm>>) dst(%dma_wait3A_1635 : memref<112x16xi32, #tpu.memory_space<vmem>>)
    %dma_wait3A_1641 = arith.constant 672 : i32
    %dma_wait3A_1642 = arith.constant 0 : i32
    %dma_wait3A_1643 = tpu.memref_slice %arg7[%dma_wait3A_1641, %dma_wait3A_1642] : memref<3136x16xi32, #tpu.memory_space<vmem>> -> memref<112x16xi32, #tpu.memory_space<vmem>>
    %dma_wait3A_1644 = arith.constant 672 : i32
    %dma_wait3A_1645 = tpu.memref_slice %arg6[%dma_wait3A_1644] : memref<3136xi32, #tpu.memory_space<vmem>> -> memref<112xi32, #tpu.memory_space<vmem>>
    %dma_wait3A_1646 = arith.constant 0 : i32
    %dma_wait3A_1647 = arith.constant 0 : i32
    %dma_wait3A_1648 = tpu.memref_slice %arg3[%dma_wait3A_1646, %dma_wait3A_1647] : memref<8192x16xi32, #tpu.memory_space<hbm>> -> memref<8192x16xi32, #tpu.memory_space<hbm>>
    tpu.wait_indirect_dma semaphore(%arg8 : memref<!tpu.dma_semaphore, #tpu.memory_space<semaphore_mem>>) src(%dma_wait3A_1648 : memref<8192x16xi32, #tpu.memory_space<hbm>>) dst(%dma_wait3A_1643 : memref<112x16xi32, #tpu.memory_space<vmem>>)
    %dma_wait3A_1649 = arith.constant 784 : i32
    %dma_wait3A_1650 = arith.constant 0 : i32
    %dma_wait3A_1651 = tpu.memref_slice %arg7[%dma_wait3A_1649, %dma_wait3A_1650] : memref<3136x16xi32, #tpu.memory_space<vmem>> -> memref<112x16xi32, #tpu.memory_space<vmem>>
    %dma_wait3A_1652 = arith.constant 784 : i32
    %dma_wait3A_1653 = tpu.memref_slice %arg6[%dma_wait3A_1652] : memref<3136xi32, #tpu.memory_space<vmem>> -> memref<112xi32, #tpu.memory_space<vmem>>
    %dma_wait3A_1654 = arith.constant 0 : i32
    %dma_wait3A_1655 = arith.constant 0 : i32
    %dma_wait3A_1656 = tpu.memref_slice %arg3[%dma_wait3A_1654, %dma_wait3A_1655] : memref<8192x16xi32, #tpu.memory_space<hbm>> -> memref<8192x16xi32, #tpu.memory_space<hbm>>
    tpu.wait_indirect_dma semaphore(%arg8 : memref<!tpu.dma_semaphore, #tpu.memory_space<semaphore_mem>>) src(%dma_wait3A_1656 : memref<8192x16xi32, #tpu.memory_space<hbm>>) dst(%dma_wait3A_1651 : memref<112x16xi32, #tpu.memory_space<vmem>>)
    %dma_wait3A_1657 = arith.constant 896 : i32
    %dma_wait3A_1658 = arith.constant 0 : i32
    %dma_wait3A_1659 = tpu.memref_slice %arg7[%dma_wait3A_1657, %dma_wait3A_1658] : memref<3136x16xi32, #tpu.memory_space<vmem>> -> memref<112x16xi32, #tpu.memory_space<vmem>>
    %dma_wait3A_1660 = arith.constant 896 : i32
    %dma_wait3A_1661 = tpu.memref_slice %arg6[%dma_wait3A_1660] : memref<3136xi32, #tpu.memory_space<vmem>> -> memref<112xi32, #tpu.memory_space<vmem>>
    %dma_wait3A_1662 = arith.constant 0 : i32
    %dma_wait3A_1663 = arith.constant 0 : i32
    %dma_wait3A_1664 = tpu.memref_slice %arg3[%dma_wait3A_1662, %dma_wait3A_1663] : memref<8192x16xi32, #tpu.memory_space<hbm>> -> memref<8192x16xi32, #tpu.memory_space<hbm>>
    tpu.wait_indirect_dma semaphore(%arg8 : memref<!tpu.dma_semaphore, #tpu.memory_space<semaphore_mem>>) src(%dma_wait3A_1664 : memref<8192x16xi32, #tpu.memory_space<hbm>>) dst(%dma_wait3A_1659 : memref<112x16xi32, #tpu.memory_space<vmem>>)
    %dma_wait3A_1665 = arith.constant 1008 : i32
    %dma_wait3A_1666 = arith.constant 0 : i32
    %dma_wait3A_1667 = tpu.memref_slice %arg7[%dma_wait3A_1665, %dma_wait3A_1666] : memref<3136x16xi32, #tpu.memory_space<vmem>> -> memref<112x16xi32, #tpu.memory_space<vmem>>
    %dma_wait3A_1668 = arith.constant 1008 : i32
    %dma_wait3A_1669 = tpu.memref_slice %arg6[%dma_wait3A_1668] : memref<3136xi32, #tpu.memory_space<vmem>> -> memref<112xi32, #tpu.memory_space<vmem>>
    %dma_wait3A_1670 = arith.constant 0 : i32
    %dma_wait3A_1671 = arith.constant 0 : i32
    %dma_wait3A_1672 = tpu.memref_slice %arg3[%dma_wait3A_1670, %dma_wait3A_1671] : memref<8192x16xi32, #tpu.memory_space<hbm>> -> memref<8192x16xi32, #tpu.memory_space<hbm>>
    tpu.wait_indirect_dma semaphore(%arg8 : memref<!tpu.dma_semaphore, #tpu.memory_space<semaphore_mem>>) src(%dma_wait3A_1672 : memref<8192x16xi32, #tpu.memory_space<hbm>>) dst(%dma_wait3A_1667 : memref<112x16xi32, #tpu.memory_space<vmem>>)
    %dma_wait3A_1673 = arith.constant 1120 : i32
    %dma_wait3A_1674 = arith.constant 0 : i32
    %dma_wait3A_1675 = tpu.memref_slice %arg7[%dma_wait3A_1673, %dma_wait3A_1674] : memref<3136x16xi32, #tpu.memory_space<vmem>> -> memref<112x16xi32, #tpu.memory_space<vmem>>
    %dma_wait3A_1676 = arith.constant 1120 : i32
    %dma_wait3A_1677 = tpu.memref_slice %arg6[%dma_wait3A_1676] : memref<3136xi32, #tpu.memory_space<vmem>> -> memref<112xi32, #tpu.memory_space<vmem>>
    %dma_wait3A_1678 = arith.constant 0 : i32
    %dma_wait3A_1679 = arith.constant 0 : i32
    %dma_wait3A_1680 = tpu.memref_slice %arg3[%dma_wait3A_1678, %dma_wait3A_1679] : memref<8192x16xi32, #tpu.memory_space<hbm>> -> memref<8192x16xi32, #tpu.memory_space<hbm>>
    tpu.wait_indirect_dma semaphore(%arg8 : memref<!tpu.dma_semaphore, #tpu.memory_space<semaphore_mem>>) src(%dma_wait3A_1680 : memref<8192x16xi32, #tpu.memory_space<hbm>>) dst(%dma_wait3A_1675 : memref<112x16xi32, #tpu.memory_space<vmem>>)
    %dma_wait3A_1681 = arith.constant 1232 : i32
    %dma_wait3A_1682 = arith.constant 0 : i32
    %dma_wait3A_1683 = tpu.memref_slice %arg7[%dma_wait3A_1681, %dma_wait3A_1682] : memref<3136x16xi32, #tpu.memory_space<vmem>> -> memref<112x16xi32, #tpu.memory_space<vmem>>
    %dma_wait3A_1684 = arith.constant 1232 : i32
    %dma_wait3A_1685 = tpu.memref_slice %arg6[%dma_wait3A_1684] : memref<3136xi32, #tpu.memory_space<vmem>> -> memref<112xi32, #tpu.memory_space<vmem>>
    %dma_wait3A_1686 = arith.constant 0 : i32
    %dma_wait3A_1687 = arith.constant 0 : i32
    %dma_wait3A_1688 = tpu.memref_slice %arg3[%dma_wait3A_1686, %dma_wait3A_1687] : memref<8192x16xi32, #tpu.memory_space<hbm>> -> memref<8192x16xi32, #tpu.memory_space<hbm>>
    tpu.wait_indirect_dma semaphore(%arg8 : memref<!tpu.dma_semaphore, #tpu.memory_space<semaphore_mem>>) src(%dma_wait3A_1688 : memref<8192x16xi32, #tpu.memory_space<hbm>>) dst(%dma_wait3A_1683 : memref<112x16xi32, #tpu.memory_space<vmem>>)
    %dma_wait3A_1689 = arith.constant 1344 : i32
    %dma_wait3A_1690 = arith.constant 0 : i32
    %dma_wait3A_1691 = tpu.memref_slice %arg7[%dma_wait3A_1689, %dma_wait3A_1690] : memref<3136x16xi32, #tpu.memory_space<vmem>> -> memref<112x16xi32, #tpu.memory_space<vmem>>
    %dma_wait3A_1692 = arith.constant 1344 : i32
    %dma_wait3A_1693 = tpu.memref_slice %arg6[%dma_wait3A_1692] : memref<3136xi32, #tpu.memory_space<vmem>> -> memref<112xi32, #tpu.memory_space<vmem>>
    %dma_wait3A_1694 = arith.constant 0 : i32
    %dma_wait3A_1695 = arith.constant 0 : i32
    %dma_wait3A_1696 = tpu.memref_slice %arg3[%dma_wait3A_1694, %dma_wait3A_1695] : memref<8192x16xi32, #tpu.memory_space<hbm>> -> memref<8192x16xi32, #tpu.memory_space<hbm>>
    tpu.wait_indirect_dma semaphore(%arg8 : memref<!tpu.dma_semaphore, #tpu.memory_space<semaphore_mem>>) src(%dma_wait3A_1696 : memref<8192x16xi32, #tpu.memory_space<hbm>>) dst(%dma_wait3A_1691 : memref<112x16xi32, #tpu.memory_space<vmem>>)
    %dma_wait3A_1697 = arith.constant 1456 : i32
    %dma_wait3A_1698 = arith.constant 0 : i32
    %dma_wait3A_1699 = tpu.memref_slice %arg7[%dma_wait3A_1697, %dma_wait3A_1698] : memref<3136x16xi32, #tpu.memory_space<vmem>> -> memref<112x16xi32, #tpu.memory_space<vmem>>
    %dma_wait3A_1700 = arith.constant 1456 : i32
    %dma_wait3A_1701 = tpu.memref_slice %arg6[%dma_wait3A_1700] : memref<3136xi32, #tpu.memory_space<vmem>> -> memref<112xi32, #tpu.memory_space<vmem>>
    %dma_wait3A_1702 = arith.constant 0 : i32
    %dma_wait3A_1703 = arith.constant 0 : i32
    %dma_wait3A_1704 = tpu.memref_slice %arg3[%dma_wait3A_1702, %dma_wait3A_1703] : memref<8192x16xi32, #tpu.memory_space<hbm>> -> memref<8192x16xi32, #tpu.memory_space<hbm>>
    tpu.wait_indirect_dma semaphore(%arg8 : memref<!tpu.dma_semaphore, #tpu.memory_space<semaphore_mem>>) src(%dma_wait3A_1704 : memref<8192x16xi32, #tpu.memory_space<hbm>>) dst(%dma_wait3A_1699 : memref<112x16xi32, #tpu.memory_space<vmem>>)
    %dma_wait3A_1705 = arith.constant 1568 : i32
    %dma_wait3A_1706 = arith.constant 0 : i32
    %dma_wait3A_1707 = tpu.memref_slice %arg7[%dma_wait3A_1705, %dma_wait3A_1706] : memref<3136x16xi32, #tpu.memory_space<vmem>> -> memref<112x16xi32, #tpu.memory_space<vmem>>
    %dma_wait3A_1708 = arith.constant 1568 : i32
    %dma_wait3A_1709 = tpu.memref_slice %arg6[%dma_wait3A_1708] : memref<3136xi32, #tpu.memory_space<vmem>> -> memref<112xi32, #tpu.memory_space<vmem>>
    %dma_wait3A_1710 = arith.constant 0 : i32
    %dma_wait3A_1711 = arith.constant 0 : i32
    %dma_wait3A_1712 = tpu.memref_slice %arg3[%dma_wait3A_1710, %dma_wait3A_1711] : memref<8192x16xi32, #tpu.memory_space<hbm>> -> memref<8192x16xi32, #tpu.memory_space<hbm>>
    tpu.wait_indirect_dma semaphore(%arg8 : memref<!tpu.dma_semaphore, #tpu.memory_space<semaphore_mem>>) src(%dma_wait3A_1712 : memref<8192x16xi32, #tpu.memory_space<hbm>>) dst(%dma_wait3A_1707 : memref<112x16xi32, #tpu.memory_space<vmem>>)
    %dma_wait3A_1713 = arith.constant 1680 : i32
    %dma_wait3A_1714 = arith.constant 0 : i32
    %dma_wait3A_1715 = tpu.memref_slice %arg7[%dma_wait3A_1713, %dma_wait3A_1714] : memref<3136x16xi32, #tpu.memory_space<vmem>> -> memref<112x16xi32, #tpu.memory_space<vmem>>
    %dma_wait3A_1716 = arith.constant 1680 : i32
    %dma_wait3A_1717 = tpu.memref_slice %arg6[%dma_wait3A_1716] : memref<3136xi32, #tpu.memory_space<vmem>> -> memref<112xi32, #tpu.memory_space<vmem>>
    %dma_wait3A_1718 = arith.constant 0 : i32
    %dma_wait3A_1719 = arith.constant 0 : i32
    %dma_wait3A_1720 = tpu.memref_slice %arg3[%dma_wait3A_1718, %dma_wait3A_1719] : memref<8192x16xi32, #tpu.memory_space<hbm>> -> memref<8192x16xi32, #tpu.memory_space<hbm>>
    tpu.wait_indirect_dma semaphore(%arg8 : memref<!tpu.dma_semaphore, #tpu.memory_space<semaphore_mem>>) src(%dma_wait3A_1720 : memref<8192x16xi32, #tpu.memory_space<hbm>>) dst(%dma_wait3A_1715 : memref<112x16xi32, #tpu.memory_space<vmem>>)
    %dma_wait3A_1721 = arith.constant 1792 : i32
    %dma_wait3A_1722 = arith.constant 0 : i32
    %dma_wait3A_1723 = tpu.memref_slice %arg7[%dma_wait3A_1721, %dma_wait3A_1722] : memref<3136x16xi32, #tpu.memory_space<vmem>> -> memref<112x16xi32, #tpu.memory_space<vmem>>
    %dma_wait3A_1724 = arith.constant 1792 : i32
    %dma_wait3A_1725 = tpu.memref_slice %arg6[%dma_wait3A_1724] : memref<3136xi32, #tpu.memory_space<vmem>> -> memref<112xi32, #tpu.memory_space<vmem>>
    %dma_wait3A_1726 = arith.constant 0 : i32
    %dma_wait3A_1727 = arith.constant 0 : i32
    %dma_wait3A_1728 = tpu.memref_slice %arg3[%dma_wait3A_1726, %dma_wait3A_1727] : memref<8192x16xi32, #tpu.memory_space<hbm>> -> memref<8192x16xi32, #tpu.memory_space<hbm>>
    tpu.wait_indirect_dma semaphore(%arg8 : memref<!tpu.dma_semaphore, #tpu.memory_space<semaphore_mem>>) src(%dma_wait3A_1728 : memref<8192x16xi32, #tpu.memory_space<hbm>>) dst(%dma_wait3A_1723 : memref<112x16xi32, #tpu.memory_space<vmem>>)
    %dma_wait3A_1729 = arith.constant 1904 : i32
    %dma_wait3A_1730 = arith.constant 0 : i32
    %dma_wait3A_1731 = tpu.memref_slice %arg7[%dma_wait3A_1729, %dma_wait3A_1730] : memref<3136x16xi32, #tpu.memory_space<vmem>> -> memref<112x16xi32, #tpu.memory_space<vmem>>
    %dma_wait3A_1732 = arith.constant 1904 : i32
    %dma_wait3A_1733 = tpu.memref_slice %arg6[%dma_wait3A_1732] : memref<3136xi32, #tpu.memory_space<vmem>> -> memref<112xi32, #tpu.memory_space<vmem>>
    %dma_wait3A_1734 = arith.constant 0 : i32
    %dma_wait3A_1735 = arith.constant 0 : i32
    %dma_wait3A_1736 = tpu.memref_slice %arg3[%dma_wait3A_1734, %dma_wait3A_1735] : memref<8192x16xi32, #tpu.memory_space<hbm>> -> memref<8192x16xi32, #tpu.memory_space<hbm>>
    tpu.wait_indirect_dma semaphore(%arg8 : memref<!tpu.dma_semaphore, #tpu.memory_space<semaphore_mem>>) src(%dma_wait3A_1736 : memref<8192x16xi32, #tpu.memory_space<hbm>>) dst(%dma_wait3A_1731 : memref<112x16xi32, #tpu.memory_space<vmem>>)
    %dma_wait3A_1737 = arith.constant 2016 : i32
    %dma_wait3A_1738 = arith.constant 0 : i32
    %dma_wait3A_1739 = tpu.memref_slice %arg7[%dma_wait3A_1737, %dma_wait3A_1738] : memref<3136x16xi32, #tpu.memory_space<vmem>> -> memref<112x16xi32, #tpu.memory_space<vmem>>
    %dma_wait3A_1740 = arith.constant 2016 : i32
    %dma_wait3A_1741 = tpu.memref_slice %arg6[%dma_wait3A_1740] : memref<3136xi32, #tpu.memory_space<vmem>> -> memref<112xi32, #tpu.memory_space<vmem>>
    %dma_wait3A_1742 = arith.constant 0 : i32
    %dma_wait3A_1743 = arith.constant 0 : i32
    %dma_wait3A_1744 = tpu.memref_slice %arg3[%dma_wait3A_1742, %dma_wait3A_1743] : memref<8192x16xi32, #tpu.memory_space<hbm>> -> memref<8192x16xi32, #tpu.memory_space<hbm>>
    tpu.wait_indirect_dma semaphore(%arg8 : memref<!tpu.dma_semaphore, #tpu.memory_space<semaphore_mem>>) src(%dma_wait3A_1744 : memref<8192x16xi32, #tpu.memory_space<hbm>>) dst(%dma_wait3A_1739 : memref<112x16xi32, #tpu.memory_space<vmem>>)
    %dma_wait3A_1745 = arith.constant 2128 : i32
    %dma_wait3A_1746 = arith.constant 0 : i32
    %dma_wait3A_1747 = tpu.memref_slice %arg7[%dma_wait3A_1745, %dma_wait3A_1746] : memref<3136x16xi32, #tpu.memory_space<vmem>> -> memref<112x16xi32, #tpu.memory_space<vmem>>
    %dma_wait3A_1748 = arith.constant 2128 : i32
    %dma_wait3A_1749 = tpu.memref_slice %arg6[%dma_wait3A_1748] : memref<3136xi32, #tpu.memory_space<vmem>> -> memref<112xi32, #tpu.memory_space<vmem>>
    %dma_wait3A_1750 = arith.constant 0 : i32
    %dma_wait3A_1751 = arith.constant 0 : i32
    %dma_wait3A_1752 = tpu.memref_slice %arg3[%dma_wait3A_1750, %dma_wait3A_1751] : memref<8192x16xi32, #tpu.memory_space<hbm>> -> memref<8192x16xi32, #tpu.memory_space<hbm>>
    tpu.wait_indirect_dma semaphore(%arg8 : memref<!tpu.dma_semaphore, #tpu.memory_space<semaphore_mem>>) src(%dma_wait3A_1752 : memref<8192x16xi32, #tpu.memory_space<hbm>>) dst(%dma_wait3A_1747 : memref<112x16xi32, #tpu.memory_space<vmem>>)
    %dma_wait3A_1753 = arith.constant 2240 : i32
    %dma_wait3A_1754 = arith.constant 0 : i32
    %dma_wait3A_1755 = tpu.memref_slice %arg7[%dma_wait3A_1753, %dma_wait3A_1754] : memref<3136x16xi32, #tpu.memory_space<vmem>> -> memref<112x16xi32, #tpu.memory_space<vmem>>
    %dma_wait3A_1756 = arith.constant 2240 : i32
    %dma_wait3A_1757 = tpu.memref_slice %arg6[%dma_wait3A_1756] : memref<3136xi32, #tpu.memory_space<vmem>> -> memref<112xi32, #tpu.memory_space<vmem>>
    %dma_wait3A_1758 = arith.constant 0 : i32
    %dma_wait3A_1759 = arith.constant 0 : i32
    %dma_wait3A_1760 = tpu.memref_slice %arg3[%dma_wait3A_1758, %dma_wait3A_1759] : memref<8192x16xi32, #tpu.memory_space<hbm>> -> memref<8192x16xi32, #tpu.memory_space<hbm>>
    tpu.wait_indirect_dma semaphore(%arg8 : memref<!tpu.dma_semaphore, #tpu.memory_space<semaphore_mem>>) src(%dma_wait3A_1760 : memref<8192x16xi32, #tpu.memory_space<hbm>>) dst(%dma_wait3A_1755 : memref<112x16xi32, #tpu.memory_space<vmem>>)
    %dma_wait3A_1761 = arith.constant 2352 : i32
    %dma_wait3A_1762 = arith.constant 0 : i32
    %dma_wait3A_1763 = tpu.memref_slice %arg7[%dma_wait3A_1761, %dma_wait3A_1762] : memref<3136x16xi32, #tpu.memory_space<vmem>> -> memref<112x16xi32, #tpu.memory_space<vmem>>
    %dma_wait3A_1764 = arith.constant 2352 : i32
    %dma_wait3A_1765 = tpu.memref_slice %arg6[%dma_wait3A_1764] : memref<3136xi32, #tpu.memory_space<vmem>> -> memref<112xi32, #tpu.memory_space<vmem>>
    %dma_wait3A_1766 = arith.constant 0 : i32
    %dma_wait3A_1767 = arith.constant 0 : i32
    %dma_wait3A_1768 = tpu.memref_slice %arg3[%dma_wait3A_1766, %dma_wait3A_1767] : memref<8192x16xi32, #tpu.memory_space<hbm>> -> memref<8192x16xi32, #tpu.memory_space<hbm>>
    tpu.wait_indirect_dma semaphore(%arg8 : memref<!tpu.dma_semaphore, #tpu.memory_space<semaphore_mem>>) src(%dma_wait3A_1768 : memref<8192x16xi32, #tpu.memory_space<hbm>>) dst(%dma_wait3A_1763 : memref<112x16xi32, #tpu.memory_space<vmem>>)
    %dma_wait3A_1769 = arith.constant 2464 : i32
    %dma_wait3A_1770 = arith.constant 0 : i32
    %dma_wait3A_1771 = tpu.memref_slice %arg7[%dma_wait3A_1769, %dma_wait3A_1770] : memref<3136x16xi32, #tpu.memory_space<vmem>> -> memref<112x16xi32, #tpu.memory_space<vmem>>
    %dma_wait3A_1772 = arith.constant 2464 : i32
    %dma_wait3A_1773 = tpu.memref_slice %arg6[%dma_wait3A_1772] : memref<3136xi32, #tpu.memory_space<vmem>> -> memref<112xi32, #tpu.memory_space<vmem>>
    %dma_wait3A_1774 = arith.constant 0 : i32
    %dma_wait3A_1775 = arith.constant 0 : i32
    %dma_wait3A_1776 = tpu.memref_slice %arg3[%dma_wait3A_1774, %dma_wait3A_1775] : memref<8192x16xi32, #tpu.memory_space<hbm>> -> memref<8192x16xi32, #tpu.memory_space<hbm>>
    tpu.wait_indirect_dma semaphore(%arg8 : memref<!tpu.dma_semaphore, #tpu.memory_space<semaphore_mem>>) src(%dma_wait3A_1776 : memref<8192x16xi32, #tpu.memory_space<hbm>>) dst(%dma_wait3A_1771 : memref<112x16xi32, #tpu.memory_space<vmem>>)
    %dma_wait3A_1777 = arith.constant 2576 : i32
    %dma_wait3A_1778 = arith.constant 0 : i32
    %dma_wait3A_1779 = tpu.memref_slice %arg7[%dma_wait3A_1777, %dma_wait3A_1778] : memref<3136x16xi32, #tpu.memory_space<vmem>> -> memref<112x16xi32, #tpu.memory_space<vmem>>
    %dma_wait3A_1780 = arith.constant 2576 : i32
    %dma_wait3A_1781 = tpu.memref_slice %arg6[%dma_wait3A_1780] : memref<3136xi32, #tpu.memory_space<vmem>> -> memref<112xi32, #tpu.memory_space<vmem>>
    %dma_wait3A_1782 = arith.constant 0 : i32
    %dma_wait3A_1783 = arith.constant 0 : i32
    %dma_wait3A_1784 = tpu.memref_slice %arg3[%dma_wait3A_1782, %dma_wait3A_1783] : memref<8192x16xi32, #tpu.memory_space<hbm>> -> memref<8192x16xi32, #tpu.memory_space<hbm>>
    tpu.wait_indirect_dma semaphore(%arg8 : memref<!tpu.dma_semaphore, #tpu.memory_space<semaphore_mem>>) src(%dma_wait3A_1784 : memref<8192x16xi32, #tpu.memory_space<hbm>>) dst(%dma_wait3A_1779 : memref<112x16xi32, #tpu.memory_space<vmem>>)
    %dma_wait3A_1785 = arith.constant 2688 : i32
    %dma_wait3A_1786 = arith.constant 0 : i32
    %dma_wait3A_1787 = tpu.memref_slice %arg7[%dma_wait3A_1785, %dma_wait3A_1786] : memref<3136x16xi32, #tpu.memory_space<vmem>> -> memref<112x16xi32, #tpu.memory_space<vmem>>
    %dma_wait3A_1788 = arith.constant 2688 : i32
    %dma_wait3A_1789 = tpu.memref_slice %arg6[%dma_wait3A_1788] : memref<3136xi32, #tpu.memory_space<vmem>> -> memref<112xi32, #tpu.memory_space<vmem>>
    %dma_wait3A_1790 = arith.constant 0 : i32
    %dma_wait3A_1791 = arith.constant 0 : i32
    %dma_wait3A_1792 = tpu.memref_slice %arg3[%dma_wait3A_1790, %dma_wait3A_1791] : memref<8192x16xi32, #tpu.memory_space<hbm>> -> memref<8192x16xi32, #tpu.memory_space<hbm>>
    tpu.wait_indirect_dma semaphore(%arg8 : memref<!tpu.dma_semaphore, #tpu.memory_space<semaphore_mem>>) src(%dma_wait3A_1792 : memref<8192x16xi32, #tpu.memory_space<hbm>>) dst(%dma_wait3A_1787 : memref<112x16xi32, #tpu.memory_space<vmem>>)
    %dma_wait3A_1793 = arith.constant 2800 : i32
    %dma_wait3A_1794 = arith.constant 0 : i32
    %dma_wait3A_1795 = tpu.memref_slice %arg7[%dma_wait3A_1793, %dma_wait3A_1794] : memref<3136x16xi32, #tpu.memory_space<vmem>> -> memref<112x16xi32, #tpu.memory_space<vmem>>
    %dma_wait3A_1796 = arith.constant 2800 : i32
    %dma_wait3A_1797 = tpu.memref_slice %arg6[%dma_wait3A_1796] : memref<3136xi32, #tpu.memory_space<vmem>> -> memref<112xi32, #tpu.memory_space<vmem>>
    %dma_wait3A_1798 = arith.constant 0 : i32
    %dma_wait3A_1799 = arith.constant 0 : i32
    %dma_wait3A_1800 = tpu.memref_slice %arg3[%dma_wait3A_1798, %dma_wait3A_1799] : memref<8192x16xi32, #tpu.memory_space<hbm>> -> memref<8192x16xi32, #tpu.memory_space<hbm>>
    tpu.wait_indirect_dma semaphore(%arg8 : memref<!tpu.dma_semaphore, #tpu.memory_space<semaphore_mem>>) src(%dma_wait3A_1800 : memref<8192x16xi32, #tpu.memory_space<hbm>>) dst(%dma_wait3A_1795 : memref<112x16xi32, #tpu.memory_space<vmem>>)
    %dma_wait3A_1801 = arith.constant 2912 : i32
    %dma_wait3A_1802 = arith.constant 0 : i32
    %dma_wait3A_1803 = tpu.memref_slice %arg7[%dma_wait3A_1801, %dma_wait3A_1802] : memref<3136x16xi32, #tpu.memory_space<vmem>> -> memref<112x16xi32, #tpu.memory_space<vmem>>
    %dma_wait3A_1804 = arith.constant 2912 : i32
    %dma_wait3A_1805 = tpu.memref_slice %arg6[%dma_wait3A_1804] : memref<3136xi32, #tpu.memory_space<vmem>> -> memref<112xi32, #tpu.memory_space<vmem>>
    %dma_wait3A_1806 = arith.constant 0 : i32
    %dma_wait3A_1807 = arith.constant 0 : i32
    %dma_wait3A_1808 = tpu.memref_slice %arg3[%dma_wait3A_1806, %dma_wait3A_1807] : memref<8192x16xi32, #tpu.memory_space<hbm>> -> memref<8192x16xi32, #tpu.memory_space<hbm>>
    tpu.wait_indirect_dma semaphore(%arg8 : memref<!tpu.dma_semaphore, #tpu.memory_space<semaphore_mem>>) src(%dma_wait3A_1808 : memref<8192x16xi32, #tpu.memory_space<hbm>>) dst(%dma_wait3A_1803 : memref<112x16xi32, #tpu.memory_space<vmem>>)
    %dma_wait3A_1809 = arith.constant 3024 : i32
    %dma_wait3A_1810 = arith.constant 0 : i32
    %dma_wait3A_1811 = tpu.memref_slice %arg7[%dma_wait3A_1809, %dma_wait3A_1810] : memref<3136x16xi32, #tpu.memory_space<vmem>> -> memref<112x16xi32, #tpu.memory_space<vmem>>
    %dma_wait3A_1812 = arith.constant 3024 : i32
    %dma_wait3A_1813 = tpu.memref_slice %arg6[%dma_wait3A_1812] : memref<3136xi32, #tpu.memory_space<vmem>> -> memref<112xi32, #tpu.memory_space<vmem>>
    %dma_wait3A_1814 = arith.constant 0 : i32
    %dma_wait3A_1815 = arith.constant 0 : i32
    %dma_wait3A_1816 = tpu.memref_slice %arg3[%dma_wait3A_1814, %dma_wait3A_1815] : memref<8192x16xi32, #tpu.memory_space<hbm>> -> memref<8192x16xi32, #tpu.memory_space<hbm>>
    tpu.wait_indirect_dma semaphore(%arg8 : memref<!tpu.dma_semaphore, #tpu.memory_space<semaphore_mem>>) src(%dma_wait3A_1816 : memref<8192x16xi32, #tpu.memory_space<hbm>>) dst(%dma_wait3A_1811 : memref<112x16xi32, #tpu.memory_space<vmem>>)
    %dma_start3A_1817 = arith.constant 0 : i32
    %dma_start3A_1818 = arith.constant 0 : i32
    %dma_start3A_1819 = tpu.memref_slice %arg7[%dma_start3A_1817, %dma_start3A_1818] : memref<3136x16xi32, #tpu.memory_space<vmem>> -> memref<224x16xi32, #tpu.memory_space<vmem>>
    %dma_start3A_1820 = arith.constant 0 : i32
    %dma_start3A_1821 = arith.constant 0 : i32
    %dma_start3A_1822 = tpu.memref_slice %arg4[%add3A, %dma_start3A_1820, %dma_start3A_1821] : memref<32x224x224xi32, #tpu.memory_space<hbm>> -> memref<1x224x16xi32, #tpu.memory_space<hbm>>
    %dma_start3A_1823 = tpu.memref_squeeze %dma_start3A_1822 : memref<1x224x16xi32, #tpu.memory_space<hbm>> -> memref<224x16xi32, #tpu.memory_space<hbm>>
    %dma_start3A_1824 = arith.constant 0 : i32
    %dma_start3A_1825 = arith.constant 0 : i32
    %dma_start3A_1826 = tpu.memref_slice %arg4[%add3A, %dma_start3A_1824, %dma_start3A_1825] : memref<32x224x224xi32, #tpu.memory_space<hbm>> -> memref<1x224x16xi32, #tpu.memory_space<hbm>>
    %dma_start3A_1827 = tpu.memref_squeeze %dma_start3A_1826 : memref<1x224x16xi32, #tpu.memory_space<hbm>> -> memref<224x16xi32, #tpu.memory_space<hbm>>
    %dma_start3A_1828 = arith.constant 0 : i32
    %dma_start3A_1829 = arith.constant 0 : i32
    %dma_start3A_1830 = tpu.memref_slice %arg7[%dma_start3A_1828, %dma_start3A_1829] : memref<3136x16xi32, #tpu.memory_space<vmem>> -> memref<224x16xi32, #tpu.memory_space<vmem>>
    tpu.enqueue_dma source(%dma_start3A_1830 : memref<224x16xi32, #tpu.memory_space<vmem>>) target(%dma_start3A_1827 : memref<224x16xi32, #tpu.memory_space<hbm>>) target_semaphore(%arg9 : memref<!tpu.dma_semaphore, #tpu.memory_space<semaphore_mem>>)
    %dma_start3A_1831 = arith.constant 224 : i32
    %dma_start3A_1832 = arith.constant 0 : i32
    %dma_start3A_1833 = tpu.memref_slice %arg7[%dma_start3A_1831, %dma_start3A_1832] : memref<3136x16xi32, #tpu.memory_space<vmem>> -> memref<224x16xi32, #tpu.memory_space<vmem>>
    %dma_start3A_1834 = arith.constant 0 : i32
    %dma_start3A_1835 = arith.constant 16 : i32
    %dma_start3A_1836 = tpu.memref_slice %arg4[%add3A, %dma_start3A_1834, %dma_start3A_1835] : memref<32x224x224xi32, #tpu.memory_space<hbm>> -> memref<1x224x16xi32, #tpu.memory_space<hbm>>
    %dma_start3A_1837 = tpu.memref_squeeze %dma_start3A_1836 : memref<1x224x16xi32, #tpu.memory_space<hbm>> -> memref<224x16xi32, #tpu.memory_space<hbm>>
    %dma_start3A_1838 = arith.constant 0 : i32
    %dma_start3A_1839 = arith.constant 16 : i32
    %dma_start3A_1840 = tpu.memref_slice %arg4[%add3A, %dma_start3A_1838, %dma_start3A_1839] : memref<32x224x224xi32, #tpu.memory_space<hbm>> -> memref<1x224x16xi32, #tpu.memory_space<hbm>>
    %dma_start3A_1841 = tpu.memref_squeeze %dma_start3A_1840 : memref<1x224x16xi32, #tpu.memory_space<hbm>> -> memref<224x16xi32, #tpu.memory_space<hbm>>
    %dma_start3A_1842 = arith.constant 224 : i32
    %dma_start3A_1843 = arith.constant 0 : i32
    %dma_start3A_1844 = tpu.memref_slice %arg7[%dma_start3A_1842, %dma_start3A_1843] : memref<3136x16xi32, #tpu.memory_space<vmem>> -> memref<224x16xi32, #tpu.memory_space<vmem>>
    tpu.enqueue_dma source(%dma_start3A_1844 : memref<224x16xi32, #tpu.memory_space<vmem>>) target(%dma_start3A_1841 : memref<224x16xi32, #tpu.memory_space<hbm>>) target_semaphore(%arg9 : memref<!tpu.dma_semaphore, #tpu.memory_space<semaphore_mem>>)
    %dma_start3A_1845 = arith.constant 448 : i32
    %dma_start3A_1846 = arith.constant 0 : i32
    %dma_start3A_1847 = tpu.memref_slice %arg7[%dma_start3A_1845, %dma_start3A_1846] : memref<3136x16xi32, #tpu.memory_space<vmem>> -> memref<224x16xi32, #tpu.memory_space<vmem>>
    %dma_start3A_1848 = arith.constant 0 : i32
    %dma_start3A_1849 = arith.constant 32 : i32
    %dma_start3A_1850 = tpu.memref_slice %arg4[%add3A, %dma_start3A_1848, %dma_start3A_1849] : memref<32x224x224xi32, #tpu.memory_space<hbm>> -> memref<1x224x16xi32, #tpu.memory_space<hbm>>
    %dma_start3A_1851 = tpu.memref_squeeze %dma_start3A_1850 : memref<1x224x16xi32, #tpu.memory_space<hbm>> -> memref<224x16xi32, #tpu.memory_space<hbm>>
    %dma_start3A_1852 = arith.constant 0 : i32
    %dma_start3A_1853 = arith.constant 32 : i32
    %dma_start3A_1854 = tpu.memref_slice %arg4[%add3A, %dma_start3A_1852, %dma_start3A_1853] : memref<32x224x224xi32, #tpu.memory_space<hbm>> -> memref<1x224x16xi32, #tpu.memory_space<hbm>>
    %dma_start3A_1855 = tpu.memref_squeeze %dma_start3A_1854 : memref<1x224x16xi32, #tpu.memory_space<hbm>> -> memref<224x16xi32, #tpu.memory_space<hbm>>
    %dma_start3A_1856 = arith.constant 448 : i32
    %dma_start3A_1857 = arith.constant 0 : i32
    %dma_start3A_1858 = tpu.memref_slice %arg7[%dma_start3A_1856, %dma_start3A_1857] : memref<3136x16xi32, #tpu.memory_space<vmem>> -> memref<224x16xi32, #tpu.memory_space<vmem>>
    tpu.enqueue_dma source(%dma_start3A_1858 : memref<224x16xi32, #tpu.memory_space<vmem>>) target(%dma_start3A_1855 : memref<224x16xi32, #tpu.memory_space<hbm>>) target_semaphore(%arg9 : memref<!tpu.dma_semaphore, #tpu.memory_space<semaphore_mem>>)
    %dma_start3A_1859 = arith.constant 672 : i32
    %dma_start3A_1860 = arith.constant 0 : i32
    %dma_start3A_1861 = tpu.memref_slice %arg7[%dma_start3A_1859, %dma_start3A_1860] : memref<3136x16xi32, #tpu.memory_space<vmem>> -> memref<224x16xi32, #tpu.memory_space<vmem>>
    %dma_start3A_1862 = arith.constant 0 : i32
    %dma_start3A_1863 = arith.constant 48 : i32
    %dma_start3A_1864 = tpu.memref_slice %arg4[%add3A, %dma_start3A_1862, %dma_start3A_1863] : memref<32x224x224xi32, #tpu.memory_space<hbm>> -> memref<1x224x16xi32, #tpu.memory_space<hbm>>
    %dma_start3A_1865 = tpu.memref_squeeze %dma_start3A_1864 : memref<1x224x16xi32, #tpu.memory_space<hbm>> -> memref<224x16xi32, #tpu.memory_space<hbm>>
    %dma_start3A_1866 = arith.constant 0 : i32
    %dma_start3A_1867 = arith.constant 48 : i32
    %dma_start3A_1868 = tpu.memref_slice %arg4[%add3A, %dma_start3A_1866, %dma_start3A_1867] : memref<32x224x224xi32, #tpu.memory_space<hbm>> -> memref<1x224x16xi32, #tpu.memory_space<hbm>>
    %dma_start3A_1869 = tpu.memref_squeeze %dma_start3A_1868 : memref<1x224x16xi32, #tpu.memory_space<hbm>> -> memref<224x16xi32, #tpu.memory_space<hbm>>
    %dma_start3A_1870 = arith.constant 672 : i32
    %dma_start3A_1871 = arith.constant 0 : i32
    %dma_start3A_1872 = tpu.memref_slice %arg7[%dma_start3A_1870, %dma_start3A_1871] : memref<3136x16xi32, #tpu.memory_space<vmem>> -> memref<224x16xi32, #tpu.memory_space<vmem>>
    tpu.enqueue_dma source(%dma_start3A_1872 : memref<224x16xi32, #tpu.memory_space<vmem>>) target(%dma_start3A_1869 : memref<224x16xi32, #tpu.memory_space<hbm>>) target_semaphore(%arg9 : memref<!tpu.dma_semaphore, #tpu.memory_space<semaphore_mem>>)
    %dma_start3A_1873 = arith.constant 896 : i32
    %dma_start3A_1874 = arith.constant 0 : i32
    %dma_start3A_1875 = tpu.memref_slice %arg7[%dma_start3A_1873, %dma_start3A_1874] : memref<3136x16xi32, #tpu.memory_space<vmem>> -> memref<224x16xi32, #tpu.memory_space<vmem>>
    %dma_start3A_1876 = arith.constant 0 : i32
    %dma_start3A_1877 = arith.constant 64 : i32
    %dma_start3A_1878 = tpu.memref_slice %arg4[%add3A, %dma_start3A_1876, %dma_start3A_1877] : memref<32x224x224xi32, #tpu.memory_space<hbm>> -> memref<1x224x16xi32, #tpu.memory_space<hbm>>
    %dma_start3A_1879 = tpu.memref_squeeze %dma_start3A_1878 : memref<1x224x16xi32, #tpu.memory_space<hbm>> -> memref<224x16xi32, #tpu.memory_space<hbm>>
    %dma_start3A_1880 = arith.constant 0 : i32
    %dma_start3A_1881 = arith.constant 64 : i32
    %dma_start3A_1882 = tpu.memref_slice %arg4[%add3A, %dma_start3A_1880, %dma_start3A_1881] : memref<32x224x224xi32, #tpu.memory_space<hbm>> -> memref<1x224x16xi32, #tpu.memory_space<hbm>>
    %dma_start3A_1883 = tpu.memref_squeeze %dma_start3A_1882 : memref<1x224x16xi32, #tpu.memory_space<hbm>> -> memref<224x16xi32, #tpu.memory_space<hbm>>
    %dma_start3A_1884 = arith.constant 896 : i32
    %dma_start3A_1885 = arith.constant 0 : i32
    %dma_start3A_1886 = tpu.memref_slice %arg7[%dma_start3A_1884, %dma_start3A_1885] : memref<3136x16xi32, #tpu.memory_space<vmem>> -> memref<224x16xi32, #tpu.memory_space<vmem>>
    tpu.enqueue_dma source(%dma_start3A_1886 : memref<224x16xi32, #tpu.memory_space<vmem>>) target(%dma_start3A_1883 : memref<224x16xi32, #tpu.memory_space<hbm>>) target_semaphore(%arg9 : memref<!tpu.dma_semaphore, #tpu.memory_space<semaphore_mem>>)
    %dma_start3A_1887 = arith.constant 1120 : i32
    %dma_start3A_1888 = arith.constant 0 : i32
    %dma_start3A_1889 = tpu.memref_slice %arg7[%dma_start3A_1887, %dma_start3A_1888] : memref<3136x16xi32, #tpu.memory_space<vmem>> -> memref<224x16xi32, #tpu.memory_space<vmem>>
    %dma_start3A_1890 = arith.constant 0 : i32
    %dma_start3A_1891 = arith.constant 80 : i32
    %dma_start3A_1892 = tpu.memref_slice %arg4[%add3A, %dma_start3A_1890, %dma_start3A_1891] : memref<32x224x224xi32, #tpu.memory_space<hbm>> -> memref<1x224x16xi32, #tpu.memory_space<hbm>>
    %dma_start3A_1893 = tpu.memref_squeeze %dma_start3A_1892 : memref<1x224x16xi32, #tpu.memory_space<hbm>> -> memref<224x16xi32, #tpu.memory_space<hbm>>
    %dma_start3A_1894 = arith.constant 0 : i32
    %dma_start3A_1895 = arith.constant 80 : i32
    %dma_start3A_1896 = tpu.memref_slice %arg4[%add3A, %dma_start3A_1894, %dma_start3A_1895] : memref<32x224x224xi32, #tpu.memory_space<hbm>> -> memref<1x224x16xi32, #tpu.memory_space<hbm>>
    %dma_start3A_1897 = tpu.memref_squeeze %dma_start3A_1896 : memref<1x224x16xi32, #tpu.memory_space<hbm>> -> memref<224x16xi32, #tpu.memory_space<hbm>>
    %dma_start3A_1898 = arith.constant 1120 : i32
    %dma_start3A_1899 = arith.constant 0 : i32
    %dma_start3A_1900 = tpu.memref_slice %arg7[%dma_start3A_1898, %dma_start3A_1899] : memref<3136x16xi32, #tpu.memory_space<vmem>> -> memref<224x16xi32, #tpu.memory_space<vmem>>
    tpu.enqueue_dma source(%dma_start3A_1900 : memref<224x16xi32, #tpu.memory_space<vmem>>) target(%dma_start3A_1897 : memref<224x16xi32, #tpu.memory_space<hbm>>) target_semaphore(%arg9 : memref<!tpu.dma_semaphore, #tpu.memory_space<semaphore_mem>>)
    %dma_start3A_1901 = arith.constant 1344 : i32
    %dma_start3A_1902 = arith.constant 0 : i32
    %dma_start3A_1903 = tpu.memref_slice %arg7[%dma_start3A_1901, %dma_start3A_1902] : memref<3136x16xi32, #tpu.memory_space<vmem>> -> memref<224x16xi32, #tpu.memory_space<vmem>>
    %dma_start3A_1904 = arith.constant 0 : i32
    %dma_start3A_1905 = arith.constant 96 : i32
    %dma_start3A_1906 = tpu.memref_slice %arg4[%add3A, %dma_start3A_1904, %dma_start3A_1905] : memref<32x224x224xi32, #tpu.memory_space<hbm>> -> memref<1x224x16xi32, #tpu.memory_space<hbm>>
    %dma_start3A_1907 = tpu.memref_squeeze %dma_start3A_1906 : memref<1x224x16xi32, #tpu.memory_space<hbm>> -> memref<224x16xi32, #tpu.memory_space<hbm>>
    %dma_start3A_1908 = arith.constant 0 : i32
    %dma_start3A_1909 = arith.constant 96 : i32
    %dma_start3A_1910 = tpu.memref_slice %arg4[%add3A, %dma_start3A_1908, %dma_start3A_1909] : memref<32x224x224xi32, #tpu.memory_space<hbm>> -> memref<1x224x16xi32, #tpu.memory_space<hbm>>
    %dma_start3A_1911 = tpu.memref_squeeze %dma_start3A_1910 : memref<1x224x16xi32, #tpu.memory_space<hbm>> -> memref<224x16xi32, #tpu.memory_space<hbm>>
    %dma_start3A_1912 = arith.constant 1344 : i32
    %dma_start3A_1913 = arith.constant 0 : i32
    %dma_start3A_1914 = tpu.memref_slice %arg7[%dma_start3A_1912, %dma_start3A_1913] : memref<3136x16xi32, #tpu.memory_space<vmem>> -> memref<224x16xi32, #tpu.memory_space<vmem>>
    tpu.enqueue_dma source(%dma_start3A_1914 : memref<224x16xi32, #tpu.memory_space<vmem>>) target(%dma_start3A_1911 : memref<224x16xi32, #tpu.memory_space<hbm>>) target_semaphore(%arg9 : memref<!tpu.dma_semaphore, #tpu.memory_space<semaphore_mem>>)
    %dma_start3A_1915 = arith.constant 1568 : i32
    %dma_start3A_1916 = arith.constant 0 : i32
    %dma_start3A_1917 = tpu.memref_slice %arg7[%dma_start3A_1915, %dma_start3A_1916] : memref<3136x16xi32, #tpu.memory_space<vmem>> -> memref<224x16xi32, #tpu.memory_space<vmem>>
    %dma_start3A_1918 = arith.constant 0 : i32
    %dma_start3A_1919 = arith.constant 112 : i32
    %dma_start3A_1920 = tpu.memref_slice %arg4[%add3A, %dma_start3A_1918, %dma_start3A_1919] : memref<32x224x224xi32, #tpu.memory_space<hbm>> -> memref<1x224x16xi32, #tpu.memory_space<hbm>>
    %dma_start3A_1921 = tpu.memref_squeeze %dma_start3A_1920 : memref<1x224x16xi32, #tpu.memory_space<hbm>> -> memref<224x16xi32, #tpu.memory_space<hbm>>
    %dma_start3A_1922 = arith.constant 0 : i32
    %dma_start3A_1923 = arith.constant 112 : i32
    %dma_start3A_1924 = tpu.memref_slice %arg4[%add3A, %dma_start3A_1922, %dma_start3A_1923] : memref<32x224x224xi32, #tpu.memory_space<hbm>> -> memref<1x224x16xi32, #tpu.memory_space<hbm>>
    %dma_start3A_1925 = tpu.memref_squeeze %dma_start3A_1924 : memref<1x224x16xi32, #tpu.memory_space<hbm>> -> memref<224x16xi32, #tpu.memory_space<hbm>>
    %dma_start3A_1926 = arith.constant 1568 : i32
    %dma_start3A_1927 = arith.constant 0 : i32
    %dma_start3A_1928 = tpu.memref_slice %arg7[%dma_start3A_1926, %dma_start3A_1927] : memref<3136x16xi32, #tpu.memory_space<vmem>> -> memref<224x16xi32, #tpu.memory_space<vmem>>
    tpu.enqueue_dma source(%dma_start3A_1928 : memref<224x16xi32, #tpu.memory_space<vmem>>) target(%dma_start3A_1925 : memref<224x16xi32, #tpu.memory_space<hbm>>) target_semaphore(%arg9 : memref<!tpu.dma_semaphore, #tpu.memory_space<semaphore_mem>>)
    %dma_start3A_1929 = arith.constant 1792 : i32
    %dma_start3A_1930 = arith.constant 0 : i32
    %dma_start3A_1931 = tpu.memref_slice %arg7[%dma_start3A_1929, %dma_start3A_1930] : memref<3136x16xi32, #tpu.memory_space<vmem>> -> memref<224x16xi32, #tpu.memory_space<vmem>>
    %dma_start3A_1932 = arith.constant 0 : i32
    %dma_start3A_1933 = arith.constant 128 : i32
    %dma_start3A_1934 = tpu.memref_slice %arg4[%add3A, %dma_start3A_1932, %dma_start3A_1933] : memref<32x224x224xi32, #tpu.memory_space<hbm>> -> memref<1x224x16xi32, #tpu.memory_space<hbm>>
    %dma_start3A_1935 = tpu.memref_squeeze %dma_start3A_1934 : memref<1x224x16xi32, #tpu.memory_space<hbm>> -> memref<224x16xi32, #tpu.memory_space<hbm>>
    %dma_start3A_1936 = arith.constant 0 : i32
    %dma_start3A_1937 = arith.constant 128 : i32
    %dma_start3A_1938 = tpu.memref_slice %arg4[%add3A, %dma_start3A_1936, %dma_start3A_1937] : memref<32x224x224xi32, #tpu.memory_space<hbm>> -> memref<1x224x16xi32, #tpu.memory_space<hbm>>
    %dma_start3A_1939 = tpu.memref_squeeze %dma_start3A_1938 : memref<1x224x16xi32, #tpu.memory_space<hbm>> -> memref<224x16xi32, #tpu.memory_space<hbm>>
    %dma_start3A_1940 = arith.constant 1792 : i32
    %dma_start3A_1941 = arith.constant 0 : i32
    %dma_start3A_1942 = tpu.memref_slice %arg7[%dma_start3A_1940, %dma_start3A_1941] : memref<3136x16xi32, #tpu.memory_space<vmem>> -> memref<224x16xi32, #tpu.memory_space<vmem>>
    tpu.enqueue_dma source(%dma_start3A_1942 : memref<224x16xi32, #tpu.memory_space<vmem>>) target(%dma_start3A_1939 : memref<224x16xi32, #tpu.memory_space<hbm>>) target_semaphore(%arg9 : memref<!tpu.dma_semaphore, #tpu.memory_space<semaphore_mem>>)
    %dma_start3A_1943 = arith.constant 2016 : i32
    %dma_start3A_1944 = arith.constant 0 : i32
    %dma_start3A_1945 = tpu.memref_slice %arg7[%dma_start3A_1943, %dma_start3A_1944] : memref<3136x16xi32, #tpu.memory_space<vmem>> -> memref<224x16xi32, #tpu.memory_space<vmem>>
    %dma_start3A_1946 = arith.constant 0 : i32
    %dma_start3A_1947 = arith.constant 144 : i32
    %dma_start3A_1948 = tpu.memref_slice %arg4[%add3A, %dma_start3A_1946, %dma_start3A_1947] : memref<32x224x224xi32, #tpu.memory_space<hbm>> -> memref<1x224x16xi32, #tpu.memory_space<hbm>>
    %dma_start3A_1949 = tpu.memref_squeeze %dma_start3A_1948 : memref<1x224x16xi32, #tpu.memory_space<hbm>> -> memref<224x16xi32, #tpu.memory_space<hbm>>
    %dma_start3A_1950 = arith.constant 0 : i32
    %dma_start3A_1951 = arith.constant 144 : i32
    %dma_start3A_1952 = tpu.memref_slice %arg4[%add3A, %dma_start3A_1950, %dma_start3A_1951] : memref<32x224x224xi32, #tpu.memory_space<hbm>> -> memref<1x224x16xi32, #tpu.memory_space<hbm>>
    %dma_start3A_1953 = tpu.memref_squeeze %dma_start3A_1952 : memref<1x224x16xi32, #tpu.memory_space<hbm>> -> memref<224x16xi32, #tpu.memory_space<hbm>>
    %dma_start3A_1954 = arith.constant 2016 : i32
    %dma_start3A_1955 = arith.constant 0 : i32
    %dma_start3A_1956 = tpu.memref_slice %arg7[%dma_start3A_1954, %dma_start3A_1955] : memref<3136x16xi32, #tpu.memory_space<vmem>> -> memref<224x16xi32, #tpu.memory_space<vmem>>
    tpu.enqueue_dma source(%dma_start3A_1956 : memref<224x16xi32, #tpu.memory_space<vmem>>) target(%dma_start3A_1953 : memref<224x16xi32, #tpu.memory_space<hbm>>) target_semaphore(%arg9 : memref<!tpu.dma_semaphore, #tpu.memory_space<semaphore_mem>>)
    %dma_start3A_1957 = arith.constant 2240 : i32
    %dma_start3A_1958 = arith.constant 0 : i32
    %dma_start3A_1959 = tpu.memref_slice %arg7[%dma_start3A_1957, %dma_start3A_1958] : memref<3136x16xi32, #tpu.memory_space<vmem>> -> memref<224x16xi32, #tpu.memory_space<vmem>>
    %dma_start3A_1960 = arith.constant 0 : i32
    %dma_start3A_1961 = arith.constant 160 : i32
    %dma_start3A_1962 = tpu.memref_slice %arg4[%add3A, %dma_start3A_1960, %dma_start3A_1961] : memref<32x224x224xi32, #tpu.memory_space<hbm>> -> memref<1x224x16xi32, #tpu.memory_space<hbm>>
    %dma_start3A_1963 = tpu.memref_squeeze %dma_start3A_1962 : memref<1x224x16xi32, #tpu.memory_space<hbm>> -> memref<224x16xi32, #tpu.memory_space<hbm>>
    %dma_start3A_1964 = arith.constant 0 : i32
    %dma_start3A_1965 = arith.constant 160 : i32
    %dma_start3A_1966 = tpu.memref_slice %arg4[%add3A, %dma_start3A_1964, %dma_start3A_1965] : memref<32x224x224xi32, #tpu.memory_space<hbm>> -> memref<1x224x16xi32, #tpu.memory_space<hbm>>
    %dma_start3A_1967 = tpu.memref_squeeze %dma_start3A_1966 : memref<1x224x16xi32, #tpu.memory_space<hbm>> -> memref<224x16xi32, #tpu.memory_space<hbm>>
    %dma_start3A_1968 = arith.constant 2240 : i32
    %dma_start3A_1969 = arith.constant 0 : i32
    %dma_start3A_1970 = tpu.memref_slice %arg7[%dma_start3A_1968, %dma_start3A_1969] : memref<3136x16xi32, #tpu.memory_space<vmem>> -> memref<224x16xi32, #tpu.memory_space<vmem>>
    tpu.enqueue_dma source(%dma_start3A_1970 : memref<224x16xi32, #tpu.memory_space<vmem>>) target(%dma_start3A_1967 : memref<224x16xi32, #tpu.memory_space<hbm>>) target_semaphore(%arg9 : memref<!tpu.dma_semaphore, #tpu.memory_space<semaphore_mem>>)
    %dma_start3A_1971 = arith.constant 2464 : i32
    %dma_start3A_1972 = arith.constant 0 : i32
    %dma_start3A_1973 = tpu.memref_slice %arg7[%dma_start3A_1971, %dma_start3A_1972] : memref<3136x16xi32, #tpu.memory_space<vmem>> -> memref<224x16xi32, #tpu.memory_space<vmem>>
    %dma_start3A_1974 = arith.constant 0 : i32
    %dma_start3A_1975 = arith.constant 176 : i32
    %dma_start3A_1976 = tpu.memref_slice %arg4[%add3A, %dma_start3A_1974, %dma_start3A_1975] : memref<32x224x224xi32, #tpu.memory_space<hbm>> -> memref<1x224x16xi32, #tpu.memory_space<hbm>>
    %dma_start3A_1977 = tpu.memref_squeeze %dma_start3A_1976 : memref<1x224x16xi32, #tpu.memory_space<hbm>> -> memref<224x16xi32, #tpu.memory_space<hbm>>
    %dma_start3A_1978 = arith.constant 0 : i32
    %dma_start3A_1979 = arith.constant 176 : i32
    %dma_start3A_1980 = tpu.memref_slice %arg4[%add3A, %dma_start3A_1978, %dma_start3A_1979] : memref<32x224x224xi32, #tpu.memory_space<hbm>> -> memref<1x224x16xi32, #tpu.memory_space<hbm>>
    %dma_start3A_1981 = tpu.memref_squeeze %dma_start3A_1980 : memref<1x224x16xi32, #tpu.memory_space<hbm>> -> memref<224x16xi32, #tpu.memory_space<hbm>>
    %dma_start3A_1982 = arith.constant 2464 : i32
    %dma_start3A_1983 = arith.constant 0 : i32
    %dma_start3A_1984 = tpu.memref_slice %arg7[%dma_start3A_1982, %dma_start3A_1983] : memref<3136x16xi32, #tpu.memory_space<vmem>> -> memref<224x16xi32, #tpu.memory_space<vmem>>
    tpu.enqueue_dma source(%dma_start3A_1984 : memref<224x16xi32, #tpu.memory_space<vmem>>) target(%dma_start3A_1981 : memref<224x16xi32, #tpu.memory_space<hbm>>) target_semaphore(%arg9 : memref<!tpu.dma_semaphore, #tpu.memory_space<semaphore_mem>>)
    %dma_start3A_1985 = arith.constant 2688 : i32
    %dma_start3A_1986 = arith.constant 0 : i32
    %dma_start3A_1987 = tpu.memref_slice %arg7[%dma_start3A_1985, %dma_start3A_1986] : memref<3136x16xi32, #tpu.memory_space<vmem>> -> memref<224x16xi32, #tpu.memory_space<vmem>>
    %dma_start3A_1988 = arith.constant 0 : i32
    %dma_start3A_1989 = arith.constant 192 : i32
    %dma_start3A_1990 = tpu.memref_slice %arg4[%add3A, %dma_start3A_1988, %dma_start3A_1989] : memref<32x224x224xi32, #tpu.memory_space<hbm>> -> memref<1x224x16xi32, #tpu.memory_space<hbm>>
    %dma_start3A_1991 = tpu.memref_squeeze %dma_start3A_1990 : memref<1x224x16xi32, #tpu.memory_space<hbm>> -> memref<224x16xi32, #tpu.memory_space<hbm>>
    %dma_start3A_1992 = arith.constant 0 : i32
    %dma_start3A_1993 = arith.constant 192 : i32
    %dma_start3A_1994 = tpu.memref_slice %arg4[%add3A, %dma_start3A_1992, %dma_start3A_1993] : memref<32x224x224xi32, #tpu.memory_space<hbm>> -> memref<1x224x16xi32, #tpu.memory_space<hbm>>
    %dma_start3A_1995 = tpu.memref_squeeze %dma_start3A_1994 : memref<1x224x16xi32, #tpu.memory_space<hbm>> -> memref<224x16xi32, #tpu.memory_space<hbm>>
    %dma_start3A_1996 = arith.constant 2688 : i32
    %dma_start3A_1997 = arith.constant 0 : i32
    %dma_start3A_1998 = tpu.memref_slice %arg7[%dma_start3A_1996, %dma_start3A_1997] : memref<3136x16xi32, #tpu.memory_space<vmem>> -> memref<224x16xi32, #tpu.memory_space<vmem>>
    tpu.enqueue_dma source(%dma_start3A_1998 : memref<224x16xi32, #tpu.memory_space<vmem>>) target(%dma_start3A_1995 : memref<224x16xi32, #tpu.memory_space<hbm>>) target_semaphore(%arg9 : memref<!tpu.dma_semaphore, #tpu.memory_space<semaphore_mem>>)
    %dma_start3A_1999 = arith.constant 2912 : i32
    %dma_start3A_2000 = arith.constant 0 : i32
    %dma_start3A_2001 = tpu.memref_slice %arg7[%dma_start3A_1999, %dma_start3A_2000] : memref<3136x16xi32, #tpu.memory_space<vmem>> -> memref<224x16xi32, #tpu.memory_space<vmem>>
    %dma_start3A_2002 = arith.constant 0 : i32
    %dma_start3A_2003 = arith.constant 208 : i32
    %dma_start3A_2004 = tpu.memref_slice %arg4[%add3A, %dma_start3A_2002, %dma_start3A_2003] : memref<32x224x224xi32, #tpu.memory_space<hbm>> -> memref<1x224x16xi32, #tpu.memory_space<hbm>>
    %dma_start3A_2005 = tpu.memref_squeeze %dma_start3A_2004 : memref<1x224x16xi32, #tpu.memory_space<hbm>> -> memref<224x16xi32, #tpu.memory_space<hbm>>
    %dma_start3A_2006 = arith.constant 0 : i32
    %dma_start3A_2007 = arith.constant 208 : i32
    %dma_start3A_2008 = tpu.memref_slice %arg4[%add3A, %dma_start3A_2006, %dma_start3A_2007] : memref<32x224x224xi32, #tpu.memory_space<hbm>> -> memref<1x224x16xi32, #tpu.memory_space<hbm>>
    %dma_start3A_2009 = tpu.memref_squeeze %dma_start3A_2008 : memref<1x224x16xi32, #tpu.memory_space<hbm>> -> memref<224x16xi32, #tpu.memory_space<hbm>>
    %dma_start3A_2010 = arith.constant 2912 : i32
    %dma_start3A_2011 = arith.constant 0 : i32
    %dma_start3A_2012 = tpu.memref_slice %arg7[%dma_start3A_2010, %dma_start3A_2011] : memref<3136x16xi32, #tpu.memory_space<vmem>> -> memref<224x16xi32, #tpu.memory_space<vmem>>
    tpu.enqueue_dma source(%dma_start3A_2012 : memref<224x16xi32, #tpu.memory_space<vmem>>) target(%dma_start3A_2009 : memref<224x16xi32, #tpu.memory_space<hbm>>) target_semaphore(%arg9 : memref<!tpu.dma_semaphore, #tpu.memory_space<semaphore_mem>>)
    %dma_wait3A_2013 = arith.constant 0 : i32
    %dma_wait3A_2014 = arith.constant 0 : i32
    %dma_wait3A_2015 = tpu.memref_slice %arg7[%dma_wait3A_2013, %dma_wait3A_2014] : memref<3136x16xi32, #tpu.memory_space<vmem>> -> memref<224x16xi32, #tpu.memory_space<vmem>>
    %dma_wait3A_2016 = arith.constant 0 : i32
    %dma_wait3A_2017 = arith.constant 0 : i32
    %dma_wait3A_2018 = tpu.memref_slice %arg4[%add3A, %dma_wait3A_2016, %dma_wait3A_2017] : memref<32x224x224xi32, #tpu.memory_space<hbm>> -> memref<1x224x16xi32, #tpu.memory_space<hbm>>
    %dma_wait3A_2019 = tpu.memref_squeeze %dma_wait3A_2018 : memref<1x224x16xi32, #tpu.memory_space<hbm>> -> memref<224x16xi32, #tpu.memory_space<hbm>>
    %dma_wait3A_2020 = arith.constant 0 : i32
    %dma_wait3A_2021 = arith.constant 0 : i32
    %dma_wait3A_2022 = tpu.memref_slice %arg4[%add3A, %dma_wait3A_2020, %dma_wait3A_2021] : memref<32x224x224xi32, #tpu.memory_space<hbm>> -> memref<1x224x16xi32, #tpu.memory_space<hbm>>
    %dma_wait3A_2023 = tpu.memref_squeeze %dma_wait3A_2022 : memref<1x224x16xi32, #tpu.memory_space<hbm>> -> memref<224x16xi32, #tpu.memory_space<hbm>>
    %dma_wait3A_2024 = arith.constant 0 : i32
    %dma_wait3A_2025 = arith.constant 0 : i32
    %dma_wait3A_2026 = tpu.memref_slice %arg7[%dma_wait3A_2024, %dma_wait3A_2025] : memref<3136x16xi32, #tpu.memory_space<vmem>> -> memref<224x16xi32, #tpu.memory_space<vmem>>
    tpu.wait_dma2 semaphore(%arg9 : memref<!tpu.dma_semaphore, #tpu.memory_space<semaphore_mem>>) src(%dma_wait3A_2026 : memref<224x16xi32, #tpu.memory_space<vmem>>) dst(%dma_wait3A_2023 : memref<224x16xi32, #tpu.memory_space<hbm>>)
    %dma_wait3A_2027 = arith.constant 224 : i32
    %dma_wait3A_2028 = arith.constant 0 : i32
    %dma_wait3A_2029 = tpu.memref_slice %arg7[%dma_wait3A_2027, %dma_wait3A_2028] : memref<3136x16xi32, #tpu.memory_space<vmem>> -> memref<224x16xi32, #tpu.memory_space<vmem>>
    %dma_wait3A_2030 = arith.constant 0 : i32
    %dma_wait3A_2031 = arith.constant 16 : i32
    %dma_wait3A_2032 = tpu.memref_slice %arg4[%add3A, %dma_wait3A_2030, %dma_wait3A_2031] : memref<32x224x224xi32, #tpu.memory_space<hbm>> -> memref<1x224x16xi32, #tpu.memory_space<hbm>>
    %dma_wait3A_2033 = tpu.memref_squeeze %dma_wait3A_2032 : memref<1x224x16xi32, #tpu.memory_space<hbm>> -> memref<224x16xi32, #tpu.memory_space<hbm>>
    %dma_wait3A_2034 = arith.constant 0 : i32
    %dma_wait3A_2035 = arith.constant 16 : i32
    %dma_wait3A_2036 = tpu.memref_slice %arg4[%add3A, %dma_wait3A_2034, %dma_wait3A_2035] : memref<32x224x224xi32, #tpu.memory_space<hbm>> -> memref<1x224x16xi32, #tpu.memory_space<hbm>>
    %dma_wait3A_2037 = tpu.memref_squeeze %dma_wait3A_2036 : memref<1x224x16xi32, #tpu.memory_space<hbm>> -> memref<224x16xi32, #tpu.memory_space<hbm>>
    %dma_wait3A_2038 = arith.constant 224 : i32
    %dma_wait3A_2039 = arith.constant 0 : i32
    %dma_wait3A_2040 = tpu.memref_slice %arg7[%dma_wait3A_2038, %dma_wait3A_2039] : memref<3136x16xi32, #tpu.memory_space<vmem>> -> memref<224x16xi32, #tpu.memory_space<vmem>>
    tpu.wait_dma2 semaphore(%arg9 : memref<!tpu.dma_semaphore, #tpu.memory_space<semaphore_mem>>) src(%dma_wait3A_2040 : memref<224x16xi32, #tpu.memory_space<vmem>>) dst(%dma_wait3A_2037 : memref<224x16xi32, #tpu.memory_space<hbm>>)
    %dma_wait3A_2041 = arith.constant 448 : i32
    %dma_wait3A_2042 = arith.constant 0 : i32
    %dma_wait3A_2043 = tpu.memref_slice %arg7[%dma_wait3A_2041, %dma_wait3A_2042] : memref<3136x16xi32, #tpu.memory_space<vmem>> -> memref<224x16xi32, #tpu.memory_space<vmem>>
    %dma_wait3A_2044 = arith.constant 0 : i32
    %dma_wait3A_2045 = arith.constant 32 : i32
    %dma_wait3A_2046 = tpu.memref_slice %arg4[%add3A, %dma_wait3A_2044, %dma_wait3A_2045] : memref<32x224x224xi32, #tpu.memory_space<hbm>> -> memref<1x224x16xi32, #tpu.memory_space<hbm>>
    %dma_wait3A_2047 = tpu.memref_squeeze %dma_wait3A_2046 : memref<1x224x16xi32, #tpu.memory_space<hbm>> -> memref<224x16xi32, #tpu.memory_space<hbm>>
    %dma_wait3A_2048 = arith.constant 0 : i32
    %dma_wait3A_2049 = arith.constant 32 : i32
    %dma_wait3A_2050 = tpu.memref_slice %arg4[%add3A, %dma_wait3A_2048, %dma_wait3A_2049] : memref<32x224x224xi32, #tpu.memory_space<hbm>> -> memref<1x224x16xi32, #tpu.memory_space<hbm>>
    %dma_wait3A_2051 = tpu.memref_squeeze %dma_wait3A_2050 : memref<1x224x16xi32, #tpu.memory_space<hbm>> -> memref<224x16xi32, #tpu.memory_space<hbm>>
    %dma_wait3A_2052 = arith.constant 448 : i32
    %dma_wait3A_2053 = arith.constant 0 : i32
    %dma_wait3A_2054 = tpu.memref_slice %arg7[%dma_wait3A_2052, %dma_wait3A_2053] : memref<3136x16xi32, #tpu.memory_space<vmem>> -> memref<224x16xi32, #tpu.memory_space<vmem>>
    tpu.wait_dma2 semaphore(%arg9 : memref<!tpu.dma_semaphore, #tpu.memory_space<semaphore_mem>>) src(%dma_wait3A_2054 : memref<224x16xi32, #tpu.memory_space<vmem>>) dst(%dma_wait3A_2051 : memref<224x16xi32, #tpu.memory_space<hbm>>)
    %dma_wait3A_2055 = arith.constant 672 : i32
    %dma_wait3A_2056 = arith.constant 0 : i32
    %dma_wait3A_2057 = tpu.memref_slice %arg7[%dma_wait3A_2055, %dma_wait3A_2056] : memref<3136x16xi32, #tpu.memory_space<vmem>> -> memref<224x16xi32, #tpu.memory_space<vmem>>
    %dma_wait3A_2058 = arith.constant 0 : i32
    %dma_wait3A_2059 = arith.constant 48 : i32
    %dma_wait3A_2060 = tpu.memref_slice %arg4[%add3A, %dma_wait3A_2058, %dma_wait3A_2059] : memref<32x224x224xi32, #tpu.memory_space<hbm>> -> memref<1x224x16xi32, #tpu.memory_space<hbm>>
    %dma_wait3A_2061 = tpu.memref_squeeze %dma_wait3A_2060 : memref<1x224x16xi32, #tpu.memory_space<hbm>> -> memref<224x16xi32, #tpu.memory_space<hbm>>
    %dma_wait3A_2062 = arith.constant 0 : i32
    %dma_wait3A_2063 = arith.constant 48 : i32
    %dma_wait3A_2064 = tpu.memref_slice %arg4[%add3A, %dma_wait3A_2062, %dma_wait3A_2063] : memref<32x224x224xi32, #tpu.memory_space<hbm>> -> memref<1x224x16xi32, #tpu.memory_space<hbm>>
    %dma_wait3A_2065 = tpu.memref_squeeze %dma_wait3A_2064 : memref<1x224x16xi32, #tpu.memory_space<hbm>> -> memref<224x16xi32, #tpu.memory_space<hbm>>
    %dma_wait3A_2066 = arith.constant 672 : i32
    %dma_wait3A_2067 = arith.constant 0 : i32
    %dma_wait3A_2068 = tpu.memref_slice %arg7[%dma_wait3A_2066, %dma_wait3A_2067] : memref<3136x16xi32, #tpu.memory_space<vmem>> -> memref<224x16xi32, #tpu.memory_space<vmem>>
    tpu.wait_dma2 semaphore(%arg9 : memref<!tpu.dma_semaphore, #tpu.memory_space<semaphore_mem>>) src(%dma_wait3A_2068 : memref<224x16xi32, #tpu.memory_space<vmem>>) dst(%dma_wait3A_2065 : memref<224x16xi32, #tpu.memory_space<hbm>>)
    %dma_wait3A_2069 = arith.constant 896 : i32
    %dma_wait3A_2070 = arith.constant 0 : i32
    %dma_wait3A_2071 = tpu.memref_slice %arg7[%dma_wait3A_2069, %dma_wait3A_2070] : memref<3136x16xi32, #tpu.memory_space<vmem>> -> memref<224x16xi32, #tpu.memory_space<vmem>>
    %dma_wait3A_2072 = arith.constant 0 : i32
    %dma_wait3A_2073 = arith.constant 64 : i32
    %dma_wait3A_2074 = tpu.memref_slice %arg4[%add3A, %dma_wait3A_2072, %dma_wait3A_2073] : memref<32x224x224xi32, #tpu.memory_space<hbm>> -> memref<1x224x16xi32, #tpu.memory_space<hbm>>
    %dma_wait3A_2075 = tpu.memref_squeeze %dma_wait3A_2074 : memref<1x224x16xi32, #tpu.memory_space<hbm>> -> memref<224x16xi32, #tpu.memory_space<hbm>>
    %dma_wait3A_2076 = arith.constant 0 : i32
    %dma_wait3A_2077 = arith.constant 64 : i32
    %dma_wait3A_2078 = tpu.memref_slice %arg4[%add3A, %dma_wait3A_2076, %dma_wait3A_2077] : memref<32x224x224xi32, #tpu.memory_space<hbm>> -> memref<1x224x16xi32, #tpu.memory_space<hbm>>
    %dma_wait3A_2079 = tpu.memref_squeeze %dma_wait3A_2078 : memref<1x224x16xi32, #tpu.memory_space<hbm>> -> memref<224x16xi32, #tpu.memory_space<hbm>>
    %dma_wait3A_2080 = arith.constant 896 : i32
    %dma_wait3A_2081 = arith.constant 0 : i32
    %dma_wait3A_2082 = tpu.memref_slice %arg7[%dma_wait3A_2080, %dma_wait3A_2081] : memref<3136x16xi32, #tpu.memory_space<vmem>> -> memref<224x16xi32, #tpu.memory_space<vmem>>
    tpu.wait_dma2 semaphore(%arg9 : memref<!tpu.dma_semaphore, #tpu.memory_space<semaphore_mem>>) src(%dma_wait3A_2082 : memref<224x16xi32, #tpu.memory_space<vmem>>) dst(%dma_wait3A_2079 : memref<224x16xi32, #tpu.memory_space<hbm>>)
    %dma_wait3A_2083 = arith.constant 1120 : i32
    %dma_wait3A_2084 = arith.constant 0 : i32
    %dma_wait3A_2085 = tpu.memref_slice %arg7[%dma_wait3A_2083, %dma_wait3A_2084] : memref<3136x16xi32, #tpu.memory_space<vmem>> -> memref<224x16xi32, #tpu.memory_space<vmem>>
    %dma_wait3A_2086 = arith.constant 0 : i32
    %dma_wait3A_2087 = arith.constant 80 : i32
    %dma_wait3A_2088 = tpu.memref_slice %arg4[%add3A, %dma_wait3A_2086, %dma_wait3A_2087] : memref<32x224x224xi32, #tpu.memory_space<hbm>> -> memref<1x224x16xi32, #tpu.memory_space<hbm>>
    %dma_wait3A_2089 = tpu.memref_squeeze %dma_wait3A_2088 : memref<1x224x16xi32, #tpu.memory_space<hbm>> -> memref<224x16xi32, #tpu.memory_space<hbm>>
    %dma_wait3A_2090 = arith.constant 0 : i32
    %dma_wait3A_2091 = arith.constant 80 : i32
    %dma_wait3A_2092 = tpu.memref_slice %arg4[%add3A, %dma_wait3A_2090, %dma_wait3A_2091] : memref<32x224x224xi32, #tpu.memory_space<hbm>> -> memref<1x224x16xi32, #tpu.memory_space<hbm>>
    %dma_wait3A_2093 = tpu.memref_squeeze %dma_wait3A_2092 : memref<1x224x16xi32, #tpu.memory_space<hbm>> -> memref<224x16xi32, #tpu.memory_space<hbm>>
    %dma_wait3A_2094 = arith.constant 1120 : i32
    %dma_wait3A_2095 = arith.constant 0 : i32
    %dma_wait3A_2096 = tpu.memref_slice %arg7[%dma_wait3A_2094, %dma_wait3A_2095] : memref<3136x16xi32, #tpu.memory_space<vmem>> -> memref<224x16xi32, #tpu.memory_space<vmem>>
    tpu.wait_dma2 semaphore(%arg9 : memref<!tpu.dma_semaphore, #tpu.memory_space<semaphore_mem>>) src(%dma_wait3A_2096 : memref<224x16xi32, #tpu.memory_space<vmem>>) dst(%dma_wait3A_2093 : memref<224x16xi32, #tpu.memory_space<hbm>>)
    %dma_wait3A_2097 = arith.constant 1344 : i32
    %dma_wait3A_2098 = arith.constant 0 : i32
    %dma_wait3A_2099 = tpu.memref_slice %arg7[%dma_wait3A_2097, %dma_wait3A_2098] : memref<3136x16xi32, #tpu.memory_space<vmem>> -> memref<224x16xi32, #tpu.memory_space<vmem>>
    %dma_wait3A_2100 = arith.constant 0 : i32
    %dma_wait3A_2101 = arith.constant 96 : i32
    %dma_wait3A_2102 = tpu.memref_slice %arg4[%add3A, %dma_wait3A_2100, %dma_wait3A_2101] : memref<32x224x224xi32, #tpu.memory_space<hbm>> -> memref<1x224x16xi32, #tpu.memory_space<hbm>>
    %dma_wait3A_2103 = tpu.memref_squeeze %dma_wait3A_2102 : memref<1x224x16xi32, #tpu.memory_space<hbm>> -> memref<224x16xi32, #tpu.memory_space<hbm>>
    %dma_wait3A_2104 = arith.constant 0 : i32
    %dma_wait3A_2105 = arith.constant 96 : i32
    %dma_wait3A_2106 = tpu.memref_slice %arg4[%add3A, %dma_wait3A_2104, %dma_wait3A_2105] : memref<32x224x224xi32, #tpu.memory_space<hbm>> -> memref<1x224x16xi32, #tpu.memory_space<hbm>>
    %dma_wait3A_2107 = tpu.memref_squeeze %dma_wait3A_2106 : memref<1x224x16xi32, #tpu.memory_space<hbm>> -> memref<224x16xi32, #tpu.memory_space<hbm>>
    %dma_wait3A_2108 = arith.constant 1344 : i32
    %dma_wait3A_2109 = arith.constant 0 : i32
    %dma_wait3A_2110 = tpu.memref_slice %arg7[%dma_wait3A_2108, %dma_wait3A_2109] : memref<3136x16xi32, #tpu.memory_space<vmem>> -> memref<224x16xi32, #tpu.memory_space<vmem>>
    tpu.wait_dma2 semaphore(%arg9 : memref<!tpu.dma_semaphore, #tpu.memory_space<semaphore_mem>>) src(%dma_wait3A_2110 : memref<224x16xi32, #tpu.memory_space<vmem>>) dst(%dma_wait3A_2107 : memref<224x16xi32, #tpu.memory_space<hbm>>)
    %dma_wait3A_2111 = arith.constant 1568 : i32
    %dma_wait3A_2112 = arith.constant 0 : i32
    %dma_wait3A_2113 = tpu.memref_slice %arg7[%dma_wait3A_2111, %dma_wait3A_2112] : memref<3136x16xi32, #tpu.memory_space<vmem>> -> memref<224x16xi32, #tpu.memory_space<vmem>>
    %dma_wait3A_2114 = arith.constant 0 : i32
    %dma_wait3A_2115 = arith.constant 112 : i32
    %dma_wait3A_2116 = tpu.memref_slice %arg4[%add3A, %dma_wait3A_2114, %dma_wait3A_2115] : memref<32x224x224xi32, #tpu.memory_space<hbm>> -> memref<1x224x16xi32, #tpu.memory_space<hbm>>
    %dma_wait3A_2117 = tpu.memref_squeeze %dma_wait3A_2116 : memref<1x224x16xi32, #tpu.memory_space<hbm>> -> memref<224x16xi32, #tpu.memory_space<hbm>>
    %dma_wait3A_2118 = arith.constant 0 : i32
    %dma_wait3A_2119 = arith.constant 112 : i32
    %dma_wait3A_2120 = tpu.memref_slice %arg4[%add3A, %dma_wait3A_2118, %dma_wait3A_2119] : memref<32x224x224xi32, #tpu.memory_space<hbm>> -> memref<1x224x16xi32, #tpu.memory_space<hbm>>
    %dma_wait3A_2121 = tpu.memref_squeeze %dma_wait3A_2120 : memref<1x224x16xi32, #tpu.memory_space<hbm>> -> memref<224x16xi32, #tpu.memory_space<hbm>>
    %dma_wait3A_2122 = arith.constant 1568 : i32
    %dma_wait3A_2123 = arith.constant 0 : i32
    %dma_wait3A_2124 = tpu.memref_slice %arg7[%dma_wait3A_2122, %dma_wait3A_2123] : memref<3136x16xi32, #tpu.memory_space<vmem>> -> memref<224x16xi32, #tpu.memory_space<vmem>>
    tpu.wait_dma2 semaphore(%arg9 : memref<!tpu.dma_semaphore, #tpu.memory_space<semaphore_mem>>) src(%dma_wait3A_2124 : memref<224x16xi32, #tpu.memory_space<vmem>>) dst(%dma_wait3A_2121 : memref<224x16xi32, #tpu.memory_space<hbm>>)
    %dma_wait3A_2125 = arith.constant 1792 : i32
    %dma_wait3A_2126 = arith.constant 0 : i32
    %dma_wait3A_2127 = tpu.memref_slice %arg7[%dma_wait3A_2125, %dma_wait3A_2126] : memref<3136x16xi32, #tpu.memory_space<vmem>> -> memref<224x16xi32, #tpu.memory_space<vmem>>
    %dma_wait3A_2128 = arith.constant 0 : i32
    %dma_wait3A_2129 = arith.constant 128 : i32
    %dma_wait3A_2130 = tpu.memref_slice %arg4[%add3A, %dma_wait3A_2128, %dma_wait3A_2129] : memref<32x224x224xi32, #tpu.memory_space<hbm>> -> memref<1x224x16xi32, #tpu.memory_space<hbm>>
    %dma_wait3A_2131 = tpu.memref_squeeze %dma_wait3A_2130 : memref<1x224x16xi32, #tpu.memory_space<hbm>> -> memref<224x16xi32, #tpu.memory_space<hbm>>
    %dma_wait3A_2132 = arith.constant 0 : i32
    %dma_wait3A_2133 = arith.constant 128 : i32
    %dma_wait3A_2134 = tpu.memref_slice %arg4[%add3A, %dma_wait3A_2132, %dma_wait3A_2133] : memref<32x224x224xi32, #tpu.memory_space<hbm>> -> memref<1x224x16xi32, #tpu.memory_space<hbm>>
    %dma_wait3A_2135 = tpu.memref_squeeze %dma_wait3A_2134 : memref<1x224x16xi32, #tpu.memory_space<hbm>> -> memref<224x16xi32, #tpu.memory_space<hbm>>
    %dma_wait3A_2136 = arith.constant 1792 : i32
    %dma_wait3A_2137 = arith.constant 0 : i32
    %dma_wait3A_2138 = tpu.memref_slice %arg7[%dma_wait3A_2136, %dma_wait3A_2137] : memref<3136x16xi32, #tpu.memory_space<vmem>> -> memref<224x16xi32, #tpu.memory_space<vmem>>
    tpu.wait_dma2 semaphore(%arg9 : memref<!tpu.dma_semaphore, #tpu.memory_space<semaphore_mem>>) src(%dma_wait3A_2138 : memref<224x16xi32, #tpu.memory_space<vmem>>) dst(%dma_wait3A_2135 : memref<224x16xi32, #tpu.memory_space<hbm>>)
    %dma_wait3A_2139 = arith.constant 2016 : i32
    %dma_wait3A_2140 = arith.constant 0 : i32
    %dma_wait3A_2141 = tpu.memref_slice %arg7[%dma_wait3A_2139, %dma_wait3A_2140] : memref<3136x16xi32, #tpu.memory_space<vmem>> -> memref<224x16xi32, #tpu.memory_space<vmem>>
    %dma_wait3A_2142 = arith.constant 0 : i32
    %dma_wait3A_2143 = arith.constant 144 : i32
    %dma_wait3A_2144 = tpu.memref_slice %arg4[%add3A, %dma_wait3A_2142, %dma_wait3A_2143] : memref<32x224x224xi32, #tpu.memory_space<hbm>> -> memref<1x224x16xi32, #tpu.memory_space<hbm>>
    %dma_wait3A_2145 = tpu.memref_squeeze %dma_wait3A_2144 : memref<1x224x16xi32, #tpu.memory_space<hbm>> -> memref<224x16xi32, #tpu.memory_space<hbm>>
    %dma_wait3A_2146 = arith.constant 0 : i32
    %dma_wait3A_2147 = arith.constant 144 : i32
    %dma_wait3A_2148 = tpu.memref_slice %arg4[%add3A, %dma_wait3A_2146, %dma_wait3A_2147] : memref<32x224x224xi32, #tpu.memory_space<hbm>> -> memref<1x224x16xi32, #tpu.memory_space<hbm>>
    %dma_wait3A_2149 = tpu.memref_squeeze %dma_wait3A_2148 : memref<1x224x16xi32, #tpu.memory_space<hbm>> -> memref<224x16xi32, #tpu.memory_space<hbm>>
    %dma_wait3A_2150 = arith.constant 2016 : i32
    %dma_wait3A_2151 = arith.constant 0 : i32
    %dma_wait3A_2152 = tpu.memref_slice %arg7[%dma_wait3A_2150, %dma_wait3A_2151] : memref<3136x16xi32, #tpu.memory_space<vmem>> -> memref<224x16xi32, #tpu.memory_space<vmem>>
    tpu.wait_dma2 semaphore(%arg9 : memref<!tpu.dma_semaphore, #tpu.memory_space<semaphore_mem>>) src(%dma_wait3A_2152 : memref<224x16xi32, #tpu.memory_space<vmem>>) dst(%dma_wait3A_2149 : memref<224x16xi32, #tpu.memory_space<hbm>>)
    %dma_wait3A_2153 = arith.constant 2240 : i32
    %dma_wait3A_2154 = arith.constant 0 : i32
    %dma_wait3A_2155 = tpu.memref_slice %arg7[%dma_wait3A_2153, %dma_wait3A_2154] : memref<3136x16xi32, #tpu.memory_space<vmem>> -> memref<224x16xi32, #tpu.memory_space<vmem>>
    %dma_wait3A_2156 = arith.constant 0 : i32
    %dma_wait3A_2157 = arith.constant 160 : i32
    %dma_wait3A_2158 = tpu.memref_slice %arg4[%add3A, %dma_wait3A_2156, %dma_wait3A_2157] : memref<32x224x224xi32, #tpu.memory_space<hbm>> -> memref<1x224x16xi32, #tpu.memory_space<hbm>>
    %dma_wait3A_2159 = tpu.memref_squeeze %dma_wait3A_2158 : memref<1x224x16xi32, #tpu.memory_space<hbm>> -> memref<224x16xi32, #tpu.memory_space<hbm>>
    %dma_wait3A_2160 = arith.constant 0 : i32
    %dma_wait3A_2161 = arith.constant 160 : i32
    %dma_wait3A_2162 = tpu.memref_slice %arg4[%add3A, %dma_wait3A_2160, %dma_wait3A_2161] : memref<32x224x224xi32, #tpu.memory_space<hbm>> -> memref<1x224x16xi32, #tpu.memory_space<hbm>>
    %dma_wait3A_2163 = tpu.memref_squeeze %dma_wait3A_2162 : memref<1x224x16xi32, #tpu.memory_space<hbm>> -> memref<224x16xi32, #tpu.memory_space<hbm>>
    %dma_wait3A_2164 = arith.constant 2240 : i32
    %dma_wait3A_2165 = arith.constant 0 : i32
    %dma_wait3A_2166 = tpu.memref_slice %arg7[%dma_wait3A_2164, %dma_wait3A_2165] : memref<3136x16xi32, #tpu.memory_space<vmem>> -> memref<224x16xi32, #tpu.memory_space<vmem>>
    tpu.wait_dma2 semaphore(%arg9 : memref<!tpu.dma_semaphore, #tpu.memory_space<semaphore_mem>>) src(%dma_wait3A_2166 : memref<224x16xi32, #tpu.memory_space<vmem>>) dst(%dma_wait3A_2163 : memref<224x16xi32, #tpu.memory_space<hbm>>)
    %dma_wait3A_2167 = arith.constant 2464 : i32
    %dma_wait3A_2168 = arith.constant 0 : i32
    %dma_wait3A_2169 = tpu.memref_slice %arg7[%dma_wait3A_2167, %dma_wait3A_2168] : memref<3136x16xi32, #tpu.memory_space<vmem>> -> memref<224x16xi32, #tpu.memory_space<vmem>>
    %dma_wait3A_2170 = arith.constant 0 : i32
    %dma_wait3A_2171 = arith.constant 176 : i32
    %dma_wait3A_2172 = tpu.memref_slice %arg4[%add3A, %dma_wait3A_2170, %dma_wait3A_2171] : memref<32x224x224xi32, #tpu.memory_space<hbm>> -> memref<1x224x16xi32, #tpu.memory_space<hbm>>
    %dma_wait3A_2173 = tpu.memref_squeeze %dma_wait3A_2172 : memref<1x224x16xi32, #tpu.memory_space<hbm>> -> memref<224x16xi32, #tpu.memory_space<hbm>>
    %dma_wait3A_2174 = arith.constant 0 : i32
    %dma_wait3A_2175 = arith.constant 176 : i32
    %dma_wait3A_2176 = tpu.memref_slice %arg4[%add3A, %dma_wait3A_2174, %dma_wait3A_2175] : memref<32x224x224xi32, #tpu.memory_space<hbm>> -> memref<1x224x16xi32, #tpu.memory_space<hbm>>
    %dma_wait3A_2177 = tpu.memref_squeeze %dma_wait3A_2176 : memref<1x224x16xi32, #tpu.memory_space<hbm>> -> memref<224x16xi32, #tpu.memory_space<hbm>>
    %dma_wait3A_2178 = arith.constant 2464 : i32
    %dma_wait3A_2179 = arith.constant 0 : i32
    %dma_wait3A_2180 = tpu.memref_slice %arg7[%dma_wait3A_2178, %dma_wait3A_2179] : memref<3136x16xi32, #tpu.memory_space<vmem>> -> memref<224x16xi32, #tpu.memory_space<vmem>>
    tpu.wait_dma2 semaphore(%arg9 : memref<!tpu.dma_semaphore, #tpu.memory_space<semaphore_mem>>) src(%dma_wait3A_2180 : memref<224x16xi32, #tpu.memory_space<vmem>>) dst(%dma_wait3A_2177 : memref<224x16xi32, #tpu.memory_space<hbm>>)
    %dma_wait3A_2181 = arith.constant 2688 : i32
    %dma_wait3A_2182 = arith.constant 0 : i32
    %dma_wait3A_2183 = tpu.memref_slice %arg7[%dma_wait3A_2181, %dma_wait3A_2182] : memref<3136x16xi32, #tpu.memory_space<vmem>> -> memref<224x16xi32, #tpu.memory_space<vmem>>
    %dma_wait3A_2184 = arith.constant 0 : i32
    %dma_wait3A_2185 = arith.constant 192 : i32
    %dma_wait3A_2186 = tpu.memref_slice %arg4[%add3A, %dma_wait3A_2184, %dma_wait3A_2185] : memref<32x224x224xi32, #tpu.memory_space<hbm>> -> memref<1x224x16xi32, #tpu.memory_space<hbm>>
    %dma_wait3A_2187 = tpu.memref_squeeze %dma_wait3A_2186 : memref<1x224x16xi32, #tpu.memory_space<hbm>> -> memref<224x16xi32, #tpu.memory_space<hbm>>
    %dma_wait3A_2188 = arith.constant 0 : i32
    %dma_wait3A_2189 = arith.constant 192 : i32
    %dma_wait3A_2190 = tpu.memref_slice %arg4[%add3A, %dma_wait3A_2188, %dma_wait3A_2189] : memref<32x224x224xi32, #tpu.memory_space<hbm>> -> memref<1x224x16xi32, #tpu.memory_space<hbm>>
    %dma_wait3A_2191 = tpu.memref_squeeze %dma_wait3A_2190 : memref<1x224x16xi32, #tpu.memory_space<hbm>> -> memref<224x16xi32, #tpu.memory_space<hbm>>
    %dma_wait3A_2192 = arith.constant 2688 : i32
    %dma_wait3A_2193 = arith.constant 0 : i32
    %dma_wait3A_2194 = tpu.memref_slice %arg7[%dma_wait3A_2192, %dma_wait3A_2193] : memref<3136x16xi32, #tpu.memory_space<vmem>> -> memref<224x16xi32, #tpu.memory_space<vmem>>
    tpu.wait_dma2 semaphore(%arg9 : memref<!tpu.dma_semaphore, #tpu.memory_space<semaphore_mem>>) src(%dma_wait3A_2194 : memref<224x16xi32, #tpu.memory_space<vmem>>) dst(%dma_wait3A_2191 : memref<224x16xi32, #tpu.memory_space<hbm>>)
    %dma_wait3A_2195 = arith.constant 2912 : i32
    %dma_wait3A_2196 = arith.constant 0 : i32
    %dma_wait3A_2197 = tpu.memref_slice %arg7[%dma_wait3A_2195, %dma_wait3A_2196] : memref<3136x16xi32, #tpu.memory_space<vmem>> -> memref<224x16xi32, #tpu.memory_space<vmem>>
    %dma_wait3A_2198 = arith.constant 0 : i32
    %dma_wait3A_2199 = arith.constant 208 : i32
    %dma_wait3A_2200 = tpu.memref_slice %arg4[%add3A, %dma_wait3A_2198, %dma_wait3A_2199] : memref<32x224x224xi32, #tpu.memory_space<hbm>> -> memref<1x224x16xi32, #tpu.memory_space<hbm>>
    %dma_wait3A_2201 = tpu.memref_squeeze %dma_wait3A_2200 : memref<1x224x16xi32, #tpu.memory_space<hbm>> -> memref<224x16xi32, #tpu.memory_space<hbm>>
    %dma_wait3A_2202 = arith.constant 0 : i32
    %dma_wait3A_2203 = arith.constant 208 : i32
    %dma_wait3A_2204 = tpu.memref_slice %arg4[%add3A, %dma_wait3A_2202, %dma_wait3A_2203] : memref<32x224x224xi32, #tpu.memory_space<hbm>> -> memref<1x224x16xi32, #tpu.memory_space<hbm>>
    %dma_wait3A_2205 = tpu.memref_squeeze %dma_wait3A_2204 : memref<1x224x16xi32, #tpu.memory_space<hbm>> -> memref<224x16xi32, #tpu.memory_space<hbm>>
    %dma_wait3A_2206 = arith.constant 2912 : i32
    %dma_wait3A_2207 = arith.constant 0 : i32
    %dma_wait3A_2208 = tpu.memref_slice %arg7[%dma_wait3A_2206, %dma_wait3A_2207] : memref<3136x16xi32, #tpu.memory_space<vmem>> -> memref<224x16xi32, #tpu.memory_space<vmem>>
    tpu.wait_dma2 semaphore(%arg9 : memref<!tpu.dma_semaphore, #tpu.memory_space<semaphore_mem>>) src(%dma_wait3A_2208 : memref<224x16xi32, #tpu.memory_space<vmem>>) dst(%dma_wait3A_2205 : memref<224x16xi32, #tpu.memory_space<hbm>>)
    return
  }
}

module attributes {stable_mosaic.version = 14 : i64} {
  func.func @_assign_body(%arg0: i32, %arg1: memref<1x32x196xf32, #tpu.memory_space<vmem>>, %arg2: memref<32x512xf32, #tpu.memory_space<vmem>>, %arg3: memref<1x196x16xi32, #tpu.memory_space<vmem>>) attributes {dimension_semantics = [#tpu.dimension_semantics<arbitrary>], iteration_bounds = array<i64: 32>, scalar_prefetch = 0 : i64, scratch_operands = 0 : i64, tpu.core_type = #tpu.core_type<tc>, window_params = [{transform_indices = @transform_0, window_bounds = array<i64: 1, 32, 196>}, {pipeline_mode = #tpu.pipeline_mode<synchronous>, transform_indices = @transform_1, window_bounds = array<i64: 32, 512>}, {transform_indices = @transform_2, window_bounds = array<i64: 1, 196, 16>}]} {
    %get3A = arith.constant 0 : index
    %get3A_0 = arith.constant 0 : index
    %get3A_1 = vector.load %arg2[%get3A, %get3A_0] : memref<32x512xf32, #tpu.memory_space<vmem>>, vector<32x512xf32>
    %mul3A = arith.mulf %get3A_1, %get3A_1 : vector<32x512xf32>
    %reduce_sum3A = arith.constant dense<0.000000e+00> : vector<512xf32>
    %reduce_sum3A_2 = vector.multi_reduction <add>, %mul3A, %reduce_sum3A [0] : vector<32x512xf32> to vector<512xf32>
    %get3A_3 = arith.constant 0 : index
    %get3A_4 = arith.constant 0 : index
    %get3A_5 = arith.constant 0 : index
    %get3A_6 = vector.load %arg1[%get3A_3, %get3A_4, %get3A_5] : memref<1x32x196xf32, #tpu.memory_space<vmem>>, vector<1x32x196xf32>
    %get3A_7 = vector.shape_cast %get3A_6 : vector<1x32x196xf32> to vector<32x196xf32>
    %broadcast_in_dim3A = vector.shape_cast %reduce_sum3A_2 : vector<512xf32> to vector<1x512xf32>
    %dot_general3A = arith.constant dense<0.000000e+00> : vector<196x512xf32>
    %dot_general3A_8 = tpu.matmul %get3A_7, %get3A_1, %dot_general3A {dimension_numbers = #tpu.dot_dimension_numbers<[0], [0], [1], [1], [0, 1, 1, 1], [], []>, precision = #tpu.contract_precision<fp32>, transpose_lhs_hint = false} : vector<32x196xf32>, vector<32x512xf32>, vector<196x512xf32> -> vector<196x512xf32>
    %mul3A_9 = arith.constant 2.000000e+00 : f32
    %mul3A_10 = vector.broadcast %mul3A_9 : f32 to vector<196x512xf32>
    %mul3A_11 = arith.mulf %mul3A_10, %dot_general3A_8 : vector<196x512xf32>
    %sub3A = vector.broadcast %broadcast_in_dim3A : vector<1x512xf32> to vector<196x512xf32>
    %sub3A_12 = arith.subf %sub3A, %mul3A_11 : vector<196x512xf32>
    %argmax3A = tpu.reduce_index %sub3A_12 {axis = 1 : i32, kind = #tpu.reduction_kind<arg_max>} : vector<196x512xf32> -> vector<196xi32>
    %iota3A = tpu.iota {dimensions = array<i32: 1>} : vector<196x16xi32>
    %broadcast_in_dim3A_13 = vector.shape_cast %argmax3A : vector<196xi32> to vector<196x1xi32>
    %mul3A_14 = arith.constant 8 : i32
    %mul3A_15 = vector.broadcast %mul3A_14 : i32 to vector<196x1xi32>
    %mul3A_16 = arith.muli %broadcast_in_dim3A_13, %mul3A_15 : vector<196x1xi32>
    %jit3A = arith.constant 8 : i32
    %eq3A = arith.constant 0 : i32
    %eq3A_17 = arith.cmpi eq, %jit3A, %eq3A : i32
    %jit3A_18 = arith.constant 1 : i32
    %select_n3A = arith.select %eq3A_17, %jit3A_18, %jit3A : i32
    %rem3A = vector.broadcast %select_n3A : i32 to vector<196x16xi32>
    %rem3A_19 = arith.remsi %iota3A, %rem3A : vector<196x16xi32>
    %ne3A = arith.constant 0 : i32
    %ne3A_20 = vector.broadcast %ne3A : i32 to vector<196x16xi32>
    %ne3A_21 = arith.cmpi ne, %rem3A_19, %ne3A_20 : vector<196x16xi32>
    %lt3A = arith.constant 0 : i32
    %lt3A_22 = vector.broadcast %lt3A : i32 to vector<196x16xi32>
    %lt3A_23 = arith.cmpi slt, %rem3A_19, %lt3A_22 : vector<196x16xi32>
    %lt3A_24 = arith.constant 0 : i32
    %lt3A_25 = arith.cmpi slt, %select_n3A, %lt3A_24 : i32
    %ne3A_26 = vector.broadcast %lt3A_25 : i1 to vector<196x16xi1>
    %ne3A_27 = vector.broadcast %ne3A_26 : vector<196x16xi1> to vector<196x16xi1>
    %ne3A_28 = arith.xori %lt3A_23, %ne3A_27 : vector<196x16xi1>
    %and3A = arith.andi %ne3A_28, %ne3A_21 : vector<196x16xi1>
    %add3A = vector.broadcast %select_n3A : i32 to vector<196x16xi32>
    %add3A_29 = arith.addi %rem3A_19, %add3A : vector<196x16xi32>
    %select_n3A_30 = arith.select %and3A, %add3A_29, %rem3A_19 : vector<196x16xi1>, vector<196x16xi32>
    %add3A_31 = vector.broadcast %mul3A_16 : vector<196x1xi32> to vector<196x16xi32>
    %add3A_32 = arith.addi %add3A_31, %select_n3A_30 : vector<196x16xi32>
    %jit3A_33 = arith.constant 8 : i32
    %div3A = vector.broadcast %jit3A_33 : i32 to vector<196x16xi32>
    %div3A_34 = arith.divsi %iota3A, %div3A : vector<196x16xi32>
    %sign3A = arith.constant 0 : i32
    %sign3A_35 = vector.broadcast %sign3A : i32 to vector<196x16xi32>
    %sign3A_36 = arith.cmpi sgt, %iota3A, %sign3A_35 : vector<196x16xi32>
    %sign3A_37 = arith.extui %sign3A_36 : vector<196x16xi1> to vector<196x16xi32>
    %sign3A_38 = arith.constant 0 : i32
    %sign3A_39 = vector.broadcast %sign3A_38 : i32 to vector<196x16xi32>
    %sign3A_40 = arith.cmpi slt, %iota3A, %sign3A_39 : vector<196x16xi32>
    %sign3A_41 = arith.extui %sign3A_40 : vector<196x16xi1> to vector<196x16xi32>
    %sign3A_42 = arith.subi %sign3A_37, %sign3A_41 : vector<196x16xi32>
    %sign3A_43 = arith.constant 0 : i32
    %sign3A_44 = arith.cmpi sgt, %jit3A_33, %sign3A_43 : i32
    %sign3A_45 = arith.extui %sign3A_44 : i1 to i32
    %sign3A_46 = arith.constant 0 : i32
    %sign3A_47 = arith.cmpi slt, %jit3A_33, %sign3A_46 : i32
    %sign3A_48 = arith.extui %sign3A_47 : i1 to i32
    %sign3A_49 = arith.subi %sign3A_45, %sign3A_48 : i32
    %ne3A_50 = vector.broadcast %sign3A_49 : i32 to vector<196x16xi32>
    %ne3A_51 = arith.cmpi ne, %sign3A_42, %ne3A_50 : vector<196x16xi32>
    %rem3A_52 = vector.broadcast %jit3A_33 : i32 to vector<196x16xi32>
    %rem3A_53 = arith.remsi %iota3A, %rem3A_52 : vector<196x16xi32>
    %ne3A_54 = arith.constant 0 : i32
    %ne3A_55 = vector.broadcast %ne3A_54 : i32 to vector<196x16xi32>
    %ne3A_56 = arith.cmpi ne, %rem3A_53, %ne3A_55 : vector<196x16xi32>
    %and3A_57 = arith.andi %ne3A_51, %ne3A_56 : vector<196x16xi1>
    %sub3A_58 = arith.constant 1 : i32
    %sub3A_59 = vector.broadcast %sub3A_58 : i32 to vector<196x16xi32>
    %sub3A_60 = arith.subi %div3A_34, %sub3A_59 : vector<196x16xi32>
    %select_n3A_61 = arith.select %and3A_57, %sub3A_60, %div3A_34 : vector<196x16xi1>, vector<196x16xi32>
    %mul3A_62 = arith.constant 4096 : i32
    %mul3A_63 = vector.broadcast %mul3A_62 : i32 to vector<196x16xi32>
    %mul3A_64 = arith.muli %select_n3A_61, %mul3A_63 : vector<196x16xi32>
    %add3A_65 = arith.addi %add3A_32, %mul3A_64 : vector<196x16xi32>
    %swap3A = arith.constant 0 : index
    %swap3A_66 = arith.constant 0 : index
    %swap3A_67 = arith.constant 0 : index
    %swap3A_68 = vector.load %arg3[%swap3A, %swap3A_66, %swap3A_67] : memref<1x196x16xi32, #tpu.memory_space<vmem>>, vector<1x196x16xi32>
    %swap3A_69 = vector.shape_cast %swap3A_68 : vector<1x196x16xi32> to vector<196x16xi32>
    %swap3A_70 = vector.shape_cast %add3A_65 : vector<196x16xi32> to vector<1x196x16xi32>
    tpu.vector_store %arg3[%swap3A, %swap3A_66, %swap3A_67], %swap3A_70 {strides = array<i32>} : memref<1x196x16xi32, #tpu.memory_space<vmem>>, vector<1x196x16xi32>,
    return
  }
  func.func @transform_0(%arg0: i32) -> (i32, i32, i32) {
    %c0_i32 = arith.constant 0 : i32
    %c0_i32_0 = arith.constant 0 : i32
    %c0_i32_1 = arith.constant 0 : i32
    return %arg0, %c0_i32, %c0_i32_0 : i32, i32, i32
  }
  func.func @transform_1(%arg0: i32) -> (i32, i32) {
    %c0_i32 = arith.constant 0 : i32
    %c0_i32_0 = arith.constant 0 : i32
    %c0_i32_1 = arith.constant 0 : i32
    return %c0_i32, %c0_i32_0 : i32, i32
  }
  func.func @transform_2(%arg0: i32) -> (i32, i32, i32) {
    %c0_i32 = arith.constant 0 : i32
    %c0_i32_0 = arith.constant 0 : i32
    %c0_i32_1 = arith.constant 0 : i32
    return %arg0, %c0_i32, %c0_i32_0 : i32, i32, i32
  }
}

module attributes {stable_mosaic.version = 14 : i64} {
  func.func @_transpose_body(%arg0: i32, %arg1: memref<128x512xi32, #tpu.memory_space<vmem>>, %arg2: memref<512x128xi32, #tpu.memory_space<vmem>>) attributes {dimension_semantics = [#tpu.dimension_semantics<arbitrary>], iteration_bounds = array<i64: 2>, scalar_prefetch = 0 : i64, scratch_operands = 0 : i64, tpu.core_type = #tpu.core_type<tc>, window_params = [{transform_indices = @transform_0, window_bounds = array<i64: 128, 512>}, {transform_indices = @transform_1, window_bounds = array<i64: 512, 128>}]} {
    %get3A = arith.constant 0 : index
    %get3A_0 = arith.constant 0 : index
    %get3A_1 = vector.load %arg1[%get3A, %get3A_0] : memref<128x512xi32, #tpu.memory_space<vmem>>, vector<128x512xi32>
    %transpose3A = tpu.transpose %get3A_1, [1, 0] : vector<128x512xi32> -> vector<512x128xi32>
    %swap3A = arith.constant 0 : index
    %swap3A_2 = arith.constant 0 : index
    %swap3A_3 = vector.load %arg2[%swap3A, %swap3A_2] : memref<512x128xi32, #tpu.memory_space<vmem>>, vector<512x128xi32>
    tpu.vector_store %arg2[%swap3A, %swap3A_2], %transpose3A {strides = array<i32>} : memref<512x128xi32, #tpu.memory_space<vmem>>, vector<512x128xi32>,
    return
  }
  func.func @transform_0(%arg0: i32) -> (i32, i32) {
    %c0_i32 = arith.constant 0 : i32
    %c0_i32_0 = arith.constant 0 : i32
    return %arg0, %c0_i32 : i32, i32
  }
  func.func @transform_1(%arg0: i32) -> (i32, i32) {
    %c0_i32 = arith.constant 0 : i32
    %c0_i32_0 = arith.constant 0 : i32
    return %arg0, %c0_i32 : i32, i32
  }
}

</mosaic_0001>

<sc_bundles>
// kernel: kernel.5.cloned.1.call-start
scs
__scs_entry_jumppad:
0x0: {  	(pc) =	sbr.rel $0x88, $3  }
0x1: {  	(tag) =	ssettag $0x0;
	lr =	simm.s32 $0x1  }
0x2: {  	[smem:$0x3F9E] =	sst lr;
	_ =	strace $0xD0000000  }
0x3: {  	_ = 	snop  }
0x4: {  	_ = 	snop  }
0x5: {  	_ = 	snop  }
0x6: {  	_ = 	snop  }
0x7: {  	_ = 	snop  }
__scs_overlays_trampoline_lowered:
0x8: {  	[smem:$0x3FAD] =	sst s0  }
0x9: {  	[smem:$0x3FAE] =	sst s1  }
0xa: {  	[smem:$0x3FAF] =	sst s2  }
0xb: {  	[smem:$0x3FB0] =	sst s3  }
0xc: {  	[smem:$0x3FB1] =	sst s4  }
0xd: {  	[smem:$0x3FB2] =	sst s5  }
0xe: {  	[smem:$0x3FB3] =	sst s6  }
0xf: {  	[smem:$0x3FB4] =	sst s7  }
0x10: {  	[smem:$0x3FB5] =	sst s8  }
0x11: {  	[smem:$0x3FB6] =	sst s9;
	s0 =	simm.s32 @!p0 $0x0  }
0x12: {  	s1 =	sld [smem:$0x3F9C];
	s0 =	simm.s32 @p0 $0x1  }
0x13: {  	[smem:$0x3FB7] =	sst s0;
	s0 =	simm.s32 @!p1 $0x0  }
0x14: {  	s2 =	sld [smem:$0x3F9B];
	s0 =	simm.s32 @p1 $0x1  }
0x15: {  	[smem:$0x3FB8] =	sst s0;
	s0 =	simm.s32 @!p2 $0x0  }
0x16: {  	s3 =	sld [smem:$0x3FDB];
	s0 =	simm.s32 @p2 $0x1  }
0x17: {  	s4 =	simm.s32 $0x1BF5;
	[smem:$0x3FBA] =	sst s0  }
0x18: {  	s0 =	sld [smem:$0x3F9D];
	_ =	swait.ge [sflag:s4], $0x0  }
0x19: {  	s7 =	sld [smem:$0x3F9E]  }
0x1a: {  	s8 =	sadd.s32 $0xFFFFE003, lr  }
0x1b: {  	s9 =	sadd.s32 $0xFFFFFEF7, lr;
	s5 =	simm.s32 $0xFFFFFFFF;
	p2 =	slt.u32 s8, $0xFFFFF086  }
0x1c: {  	p1 =	slt.u32 s9, $0xF7A;
	s5 =	simm.s32 @!p2 $0x0  }
0x1d: {  	s5 =	simm.s32 @p1 $0x1;
	p0 =	seq.s32 s7, s2  }
0x1e: {  	s7 =	smul.u32 @!p0 $0xF7A, s2;
	p2 =	seq.s32 @!p0 s5, $0x0  }
0x1f: {  	s9 =	smul.u32 $0xF7A, s1;
	s8 =	simm.s32 @!p0 $0x1BF5;
	p2 =	por !p2, p0  }
0x20: {  	[sflag:s8] =	ssyncset.s32 @!p0 $0xFFFFF086;
	s6 =	sadd.s32 @!p0 s3, s7;
	s7 =	simm.s32 @!p0 $0x108  }
0x21: {  	s3 =	sadd.s32 s3, s9;
	s6 =	sadd.s32 @!p0 $0x88, s6;
	s7 =	simm.s32 @p2 $0x1082  }
0x22: {  	[simem:s7], [sflag:s8] =	dma.local @!p0 [hbm:s6], $0xF7A  }
0x23: {  	s9 =	sor.u32 $0xD0000000, s2;
	s6 =	simm.s32 $0x108;
	_ =	swait.ge @!p0 [sflag:s8], $0x0  }
0x24: {  	s3 =	sadd.s32 $0x88, s3;
	s6 =	simm.s32 @!p1 $0x1082;
	[sflag:s4] =	ssyncset.s32 $0xFFFFF086  }
0x25: {  	[simem:s6], [sflag:s4] =	dma.local [hbm:s3], $0xF7A  }
0x26: {  	[smem:$0x3F9E] =	sst s1;
	(tag) =	ssettag s2;
	_ =	strace s9  }
0x27: {  	s1 =	sld [smem:$0x3FAE]  }
0x28: {  	s2 =	sld [smem:$0x3FAF]  }
0x29: {  	s4 =	sld [smem:$0x3FB1]  }
0x2a: {  	p0 =	seq.s32 s5, $0x0;
	s5 =	sld [smem:$0x3FB2]  }
0x2b: {  	s6 =	sld [smem:$0x3FB3]  }
0x2c: {  	s7 =	sld [smem:$0x3FB4]  }
0x2d: {  	s3 =	simm.s32 $0x108;
	s8 =	sld [smem:$0x3FB5]  }
0x2e: {  	s3 =	simm.s32 @!p0 $0x1082;
	s9 =	sld [smem:$0x3FB6]  }
0x2f: {  	lr =	sadd.s32 s0, s3;
	s0 =	sld [smem:$0x3FAD]  }
0x30: {  	s3 =	sld [smem:$0x3FB0]  }
0x31: {  	[smem:$0x3FB9] =	sst s10  }
0x32: {  	s10 =	sld [smem:$0x3FB7];
	_ =	sdelay $0x3  }
0x33: {  	p0 =	seq.s32 s10, $0x1;
	s10 =	sld [smem:$0x3FB9];
	_ =	sdelay $0x3  }
0x34: {  	[smem:$0x3FB9] =	sst s10  }
0x35: {  	s10 =	sld [smem:$0x3FB8];
	_ =	sdelay $0x3  }
0x36: {  	p1 =	seq.s32 s10, $0x1;
	s10 =	sld [smem:$0x3FB9];
	_ =	sdelay $0x3  }
0x37: {  	[smem:$0x3FB9] =	sst s10  }
0x38: {  	s10 =	sld [smem:$0x3FBA]  }
0x39: {  	_ = 	snop;
	(pc) =	sbr.ind lr, $3  }
0x3a: {  	_ = 	snop  }
0x3b: {  	_ = 	snop  }
0x3c: {  	p2 =	seq.s32 s10, $0x1;
	s10 =	sld [smem:$0x3FB9]  }
0x3d: {  	_ =	shalt  }
0x3e: {  	_ =	shalt  }
0x3f: {  	_ =	shalt  }
0x40: {  	_ =	shalt  }
0x41: {  	_ =	shalt  }
0x42: {  	_ =	shalt  }
0x43: {  	_ =	shalt  }
0x44: {  	_ =	shalt  }
0x45: {  	_ =	shalt  }
0x46: {  	_ =	shalt  }
0x47: {  	_ =	shalt  }
0x48: {  	_ =	shalt  }
0x49: {  	_ =	shalt  }
0x4a: {  	_ =	shalt  }
0x4b: {  	_ =	shalt  }
0x4c: {  	_ =	shalt  }
0x4d: {  	_ =	shalt  }
0x4e: {  	_ =	shalt  }
0x4f: {  	_ =	shalt  }
0x50: {  	_ =	shalt  }
0x51: {  	_ =	shalt  }
0x52: {  	_ =	shalt  }
0x53: {  	_ =	shalt  }
0x54: {  	_ =	shalt  }
0x55: {  	_ =	shalt  }
0x56: {  	_ =	shalt  }
0x57: {  	_ =	shalt  }
0x58: {  	_ =	shalt  }
0x59: {  	_ =	shalt  }
0x5a: {  	_ =	shalt  }
0x5b: {  	_ =	shalt  }
0x5c: {  	_ =	shalt  }
0x5d: {  	_ =	shalt  }
0x5e: {  	_ =	shalt  }
0x5f: {  	_ =	shalt  }
0x60: {  	_ =	shalt  }
0x61: {  	_ =	shalt  }
0x62: {  	_ =	shalt  }
0x63: {  	_ =	shalt  }
0x64: {  	_ =	shalt  }
0x65: {  	_ =	shalt  }
0x66: {  	_ =	shalt  }
0x67: {  	_ =	shalt  }
0x68: {  	_ =	shalt  }
0x69: {  	_ =	shalt  }
0x6a: {  	_ =	shalt  }
0x6b: {  	_ =	shalt  }
0x6c: {  	_ =	shalt  }
0x6d: {  	_ =	shalt  }
0x6e: {  	_ =	shalt  }
0x6f: {  	_ =	shalt  }
0x70: {  	_ =	shalt  }
0x71: {  	_ =	shalt  }
0x72: {  	_ =	shalt  }
0x73: {  	_ =	shalt  }
0x74: {  	_ =	shalt  }
0x75: {  	_ =	shalt  }
0x76: {  	_ =	shalt  }
0x77: {  	_ =	shalt  }
0x78: {  	_ =	shalt  }
0x79: {  	_ =	shalt  }
0x7a: {  	_ =	shalt  }
0x7b: {  	_ =	shalt  }
0x7c: {  	_ =	shalt  }
0x7d: {  	_ =	shalt  }
0x7e: {  	_ =	shalt  }
0x7f: {  	_ =	shalt  }
0x80: {  	_ =	shalt  }
0x81: {  	_ =	shalt  }
0x82: {  	_ =	shalt  }
0x83: {  	_ =	shalt  }
0x84: {  	_ =	shalt  }
0x85: {  	_ =	shalt  }
0x86: {  	_ =	shalt  }
0x87: {  	_ =	shalt  }
.Lfunc_end0:
.L_simem_size_0:
called_computation_lowered:
.L_overlay_start_0:
0x88: {  	s2 =	sld [smem:$0x3FD9]  }
0x89: {  	s3 =	sld [smem:$0x3FFE];
	_ =	sdelay $0x1  }
0x8a: {  	s1 =	srdreg.scid  }
0x8b: {  	s0 =	sand.u32 $0x1, s1  }
0x8c: {  	s17 =	sshll.u32 s0, $0xA;
	s2 =	sadd.s32 s3, s2  }
0x8d: {  	s2 =	sadd.s32 s2, s17  }
0x8e: {  	[smem:$0x3FC5] =	sst s2  }
0x8f: {  	_ = 	snop  }
0x90: {  	s2 =	sld [smem:$0x3FD0];
	(tm) =	ssettm $0x1  }
0x91: {  	s18 =	sld [smem:$0x3FFB];
	_ =	sdelay $0x3  }
0x92: {  	_ =	strace s18  }
0x93: {  	s3 =	sld [smem:$0x3FFC];
	_ =	sdelay $0x3  }
0x94: {  	_ =	strace s3  }
0x95: {  	s3 =	sld [smem:$0x3FFD];
	_ =	sdelay $0x3  }
0x96: {  	_ =	strace s3  }
0x97: {  	_ =	strace $0x8FFFFFFF  }
0x98: {  	s19 =	sld [smem:$0x3FDB];
	_ =	sdelay $0x1  }
0x99: {  	s4 =	simm.s32 $_scs_section_size  }
0x9a: {  	s5 =	simm.s32 $_size__tile_overlayer_lowered;
	s6 =	simm.s32 $_tile_overlayer_lowered  }
0x9b: {  	s22 =	simm.s32 $0x1BFF;
	s21 =	sshll.u32 s6, $0x1;
	s3 =	sadd.s32 s4, s19  }
0x9c: {  	s7 =	simm.s32 $0x0;
	s20 =	sshll.u32 s5, $0x1;
	s5 =	sadd.s32 s21, s3  }
0x9d: {  	[timem:s7], [sflag:s22] =	dma.local [hbm:s5], s20  }
0x9e: {  	_ =	swait.ge [sflag:s22], s20  }
0x9f: {  	s4 =	ssub.s32 $0x0, s20;
	[sflag:s22] =	ssyncset.done $0x0  }
0xa0: {  	[sflag:s22] =	ssyncadd.s32 s4;
	_ =	sdelay $0x1  }
0xa1: {  	s23 =	simm.s32 $0x1B8B  }
0xa2: {  	_ =	swait.ge [sflag:s23], $0x1  }
0xa3: {  	[sflag:s23] =	ssyncset.done $0x0  }
0xa4: {  	s25 =	simm.s32 $0x1B8E;
	s24 =	sld [smem:$0x3FFE];
	[sflag:s23] =	ssyncadd.s32 $0xFFFFFFFF  }
0xa5: {  	s26 =	simm.s32 $execute0_lowered;
	[smem:$0x3FD2] =	sst s25  }
0xa6: {  	s5 =	sshll.u32 s26, $0x1;
	_ =	strace $0x80000046;
	[dreg:$0x1] =	wrdreg $0xFFFFFFFF  }
0xa7: {  	s28 =	simm.s32 $_size_execute0_lowered;
	s3 =	sadd.s32 s3, s5;
	[dreg:$0x0] =	wrdreg $0x0  }
0xa8: {  	s5 =	sshll.u32 s28, $0x1;
	[dreg:$0x2] =	wrdreg s3  }
0xa9: {  	[dreg:$0x3] =	wrdreg s5  }
0xaa: {  	[dreg:$0x4] =	wrdreg $0xC0  }
0xab: {  	_ =	task [dreg:s7], $0x5FFFF  }
0xac: {  	[dreg:$0x1] =	wrdreg $0xFFFFFFFF  }
0xad: {  	[dreg:$0x0] =	wrdreg $0x60  }
0xae: {  	[dreg:$0x2] =	wrdreg s24  }
0xaf: {  	[dreg:$0x3] =	wrdreg s2  }
0xb0: {  	[dreg:$0x4] =	wrdreg $0x9  }
0xb1: {  	_ =	task.clear_ibuf [dreg:s7], $0x5FFFF;
	_ =	strace $0x90000046  }
0xb2: {  	s29 =	simm.s32 $0x9;
	_ =	strace $0x80000048  }
0xb3: {  	_ =	swait.ge [sflag:s29], $0x1  }
0xb4: {  	[sflag:s29] =	ssyncadd.s32 $0xFFFFFFFF  }
0xb5: {  	_ =	strace $0x90000048  }
0xb6: {  	_ =	sfence  }
0xb7: {  	s30 =	sld [smem:$0x0];
	_ =	sdelay $0x2  }
0xb8: {  	s31 =	sshll.u32 s1, $0xD;
	s1 =	sshrl.u32 s1, $0x2  }
0xb9: {  	s3 =	sand.u32 $0x4000, s31;
	s1 =	sadd.s32 s1, s30  }
0xba: {  	s0 =	sor.u32 s3, s0;
	s1 =	sshll.u32 s1, $0x11  }
0xbb: {  	s0 =	sor.u32 s1, s0  }
0xbc: {  	s0 =	sadd.s32 $0x8F2B, s0  }
0xbd: {  	[sflag:s0] =	ssyncadd.remote.s32 $0x1  }
0xbe: {  	_ =	sfence.sel $0xFFFF  }
0xbf: {  	[dreg:$0x0] =	wrdreg $0xFFFFFFFF;
	(pc) =	sbr.abs _section_cstart, $3  }
0xc0: {  	[dreg:$0x1] =	wrdreg $0xFFFFFFFF  }
0xc1: {  	_ =	task.clear_ibuf [dreg:s7], $0x2FFFF;
	_ =	strace $0x9FFFFFFF  }
0xc2: {  	(tm) =	ssettm $0x7FFFFFFF  }
0xc3: {  	_ =	shalt  }
tec
execute0_lowered:
.L_overlay_start_1:
0x0: {  	(tag) =	ssettag $0x1  }
0x1: {  	s1 =	srdreg.scid  }
0x2: {  	s0 =	stileid.u32;
	s4 =	rddreg [dreg:$0x0];
	s23 =	simm.s32 $0x0  }
0x3: {  	s1 =	sand.u32 $0x1, s1;
	s2 =	sshll.u32 s0, $0x1;
	[smem:$0x7FF] =	sst s23  }
0x4: {  	s15 =	simm.s32 $0xC40;
	s5 =	sor.u32 s1, s2;
	s2 =	rddreg [dreg:$0x1]  }
0x5: {  	s16 =	simm.s32 $0xCB0;
	_ =	strace $0x80000047;
	[dreg:$0x12] =	wrdreg s15  }
0x6: {  	s17 =	simm.s32 $0x1F80;
	[dreg:$0x13] =	wrdreg s16  }
0x7: {  	s18 =	simm.s32 $0xD20;
	[dreg:$0x14] =	wrdreg s17  }
0x8: {  	s19 =	simm.s32 $0xD90;
	[dreg:$0x15] =	wrdreg s18  }
0x9: {  	s20 =	simm.s32 $0x2D80;
	[dreg:$0x16] =	wrdreg s19  }
0xa: {  	s21 =	simm.s32 $0xE00;
	[dreg:$0x17] =	wrdreg s20  }
0xb: {  	s22 =	simm.s32 $0xE70;
	[dreg:$0x18] =	wrdreg s21  }
0xc: {  	s23 =	simm.s32 $0x3B80;
	[dreg:$0x19] =	wrdreg s22  }
0xd: {  	[dreg:$0x1a] =	wrdreg s23;
	s15 =	simm.s32 $0x8180  }
0xe: {  	s16 =	simm.s32 $0x1340;
	[smem:$0x7F2] =	sst s15  }
0xf: {  	s17 =	simm.s32 $0x13B0;
	[smem:$0x7F3] =	sst s16  }
0x10: {  	s18 =	simm.s32 $0x8F80;
	[smem:$0x7F4] =	sst s17  }
0x11: {  	s19 =	simm.s32 $0x1420;
	[smem:$0x7F5] =	sst s18  }
0x12: {  	s20 =	simm.s32 $0x1490;
	[smem:$0x7F6] =	sst s19  }
0x13: {  	s21 =	simm.s32 $0x9D80;
	[smem:$0x7F7] =	sst s20  }
0x14: {  	s22 =	simm.s32 $0x1500;
	s6 =	smul.u32 $0x188, s5;
	[smem:$0x7F8] =	sst s21  }
0x15: {  	s23 =	simm.s32 $0x1570;
	s5 =	smul.u32 $0x1880, s5;
	[smem:$0x7F9] =	sst s22  }
0x16: {  	[smem:$0x7FA] =	sst s23  }
0x17: {  	s6 =	sadd.s32 s6, s4;
	s4 =	sadd.s32 s5, s4;
	s5 =	simm.s32 $0x5780  }
0x18: {  	s24 =	sadd.s32 $0xC00, s6;
	[smem:$0x7E9] =	sst s5  }
0x19: {  	s25 =	sadd.s32 $0x3E00, s4;
	[dreg:$0x3] =	wrdreg s24  }
0x1a: {  	s26 =	sadd.s32 $0x3E02, s4;
	[dreg:$0x4] =	wrdreg s25  }
0x1b: {  	s0 =	sadd.s32 $0x3E04, s4;
	[dreg:$0x5] =	wrdreg s26  }
0x1c: {  	s3 =	sadd.s32 $0x3E06, s4;
	[dreg:$0x6] =	wrdreg s0  }
0x1d: {  	s6 =	sadd.s32 $0x3E08, s4;
	[dreg:$0x7] =	wrdreg s3  }
0x1e: {  	s7 =	sadd.s32 $0x3E0A, s4;
	[dreg:$0x8] =	wrdreg s6  }
0x1f: {  	s8 =	sadd.s32 $0x3E0C, s4;
	[dreg:$0x9] =	wrdreg s7  }
0x20: {  	s9 =	sadd.s32 $0x3E0E, s4;
	[dreg:$0xa] =	wrdreg s8  }
0x21: {  	s10 =	sadd.s32 $0x3E10, s4;
	[dreg:$0xb] =	wrdreg s9  }
0x22: {  	s11 =	sadd.s32 $0x3E12, s4;
	[dreg:$0xc] =	wrdreg s10  }
0x23: {  	s12 =	sadd.s32 $0x3E14, s4;
	[dreg:$0xd] =	wrdreg s11  }
0x24: {  	s28 =	simm.s32 $0xD580;
	s13 =	sadd.s32 $0x3E16, s4;
	[dreg:$0xe] =	wrdreg s12  }
0x25: {  	s29 =	simm.s32 $0x1;
	s14 =	sadd.s32 $0x3E18, s4;
	[dreg:$0xf] =	wrdreg s13  }
0x26: {  	s30 =	simm.s32 $0x10;
	s4 =	sadd.s32 $0x3E1A, s4;
	[dreg:$0x10] =	wrdreg s14  }
0x27: {  	s31 =	simm.s32 $0xE0;
	[dreg:$0x11] =	wrdreg s4;
	s24 =	simm.s32 $0xEE0  }
0x28: {  	s1 =	ssub.s32 $0x2, s1;
	s25 =	simm.s32 $0xF50;
	[dreg:$0x1b] =	wrdreg s24  }
0x29: {  	s15 =	simm.s32 $0x8880;
	s26 =	simm.s32 $0x4980;
	[dreg:$0x1c] =	wrdreg s25  }
0x2a: {  	s16 =	simm.s32 $0x9680;
	s0 =	simm.s32 $0xFC0;
	[dreg:$0x1d] =	wrdreg s26  }
0x2b: {  	s17 =	simm.s32 $0xA480;
	s3 =	simm.s32 $0x1030;
	[dreg:$0x1e] =	wrdreg s0  }
0x2c: {  	s18 =	simm.s32 $0xB280;
	s6 =	simm.s32 $0x10A0;
	[dreg:$0x1f] =	wrdreg s3  }
0x2d: {  	s20 =	simm.s32 $0x16C0;
	s7 =	simm.s32 $0x1110;
	[smem:$0x7EA] =	sst s6  }
0x2e: {  	s21 =	simm.s32 $0xC080;
	s8 =	simm.s32 $0x6580;
	[smem:$0x7EB] =	sst s7  }
0x2f: {  	s22 =	simm.s32 $0x1730;
	s9 =	simm.s32 $0x1180;
	[smem:$0x7EC] =	sst s8  }
0x30: {  	s23 =	simm.s32 $0xC780;
	s11 =	simm.s32 $0x11F0;
	[smem:$0x7ED] =	sst s9  }
0x31: {  	s5 =	simm.s32 $0x3;
	s12 =	simm.s32 $0x7380;
	[smem:$0x7EE] =	sst s11  }
0x32: {  	s10 =	sshrl.u32 s1, $0x1;
	s13 =	simm.s32 $0x1260;
	[smem:$0x7EF] =	sst s12  }
0x33: {  	s14 =	simm.s32 $0x12D0;
	s1 =	ssub.s32 s1, s10;
	[smem:$0x7F0] =	sst s13  }
0x34: {  	s6 =	simm.s32 $0x70;
	[smem:$0x7F1] =	sst s14;
	s7 =	simm.s32 $0x1880  }
0x35: {  	s8 =	simm.s32 $0x2680;
	s9 =	simm.s32 $0x3480;
	s10 =	simm.s32 $0x4280  }
0x36: {  	s11 =	simm.s32 $0x5080;
	s12 =	simm.s32 $0x5E80;
	s24 =	simm.s32 $0xAB80  }
0x37: {  	s13 =	simm.s32 $0x6C80;
	s25 =	simm.s32 $0x15E0;
	[smem:$0x7FB] =	sst s24  }
0x38: {  	s14 =	simm.s32 $0x7A80;
	s26 =	simm.s32 $0x1650;
	[smem:$0x7FC] =	sst s25  }
0x39: {  	s4 =	smax.u32 s1, $0x1;
	[smem:$0x7FD] =	sst s26;
	s24 =	simm.s32 $0x17A0  }
0x3a: {  	s25 =	simm.s32 $0xCE80;
	s26 =	simm.s32 $0x1810;
	s1 =	simm.s32 $0x2  }
.LBB2_1:
0x3b: {  	s0 =	rddreg [dreg:$0x3];
	s3 =	simm.s32 $0x0  }
0x3c: {  	[tilespmem:s3], [sflag:$0x3] =	stream.linear.gather [hbm4b:s0+s3], $0xC40, $0x38;
	[tilespmem:$0xDC80] =	vst v63  }
0x3d: {  	_ =	swait.ge [sflag:s5], $0xC40  }
0x3e: {  	[sflag:s5] =	ssyncset.done $0x0  }
0x3f: {  	[sflag:s5] =	ssyncadd.s32 $0xFFFFF3C0  }
0x40: {  	v0 =	vld [tilespmem:$0x0]  }
0x41: {  	v1 =	vld [tilespmem:$0xE0]  }
0x42: {  	v2 =	vld [tilespmem:$0x1C0]  }
0x43: {  	v3 =	vld [tilespmem:$0x2A0]  }
0x44: {  	v4 =	vld [tilespmem:$0x380]  }
0x45: {  	v42 =	vld [tilespmem:$0x460];
	[tilespmem:$0xC40] =	vst v0  }
0x46: {  	v43 =	vld [tilespmem:$0x540];
	[tilespmem:$0xC50] =	vst v1  }
0x47: {  	v44 =	vld [tilespmem:$0x620];
	[tilespmem:$0xC60] =	vst v2  }
0x48: {  	v45 =	vld [tilespmem:$0x700];
	[tilespmem:$0xC70] =	vst v3  }
0x49: {  	v46 =	vld [tilespmem:$0x7E0];
	[tilespmem:$0xC80] =	vst v4  }
0x4a: {  	v47 =	vld [tilespmem:$0x8C0];
	[tilespmem:$0xC90] =	vst v42  }
0x4b: {  	v48 =	vld [tilespmem:$0x9A0];
	[tilespmem:$0xCA0] =	vst v43  }
0x4c: {  	v49 =	vld [tilespmem:$0xA80];
	[tilespmem:$0xCB0] =	vst v44  }
0x4d: {  	v50 =	vld [tilespmem:$0xB60];
	[tilespmem:$0xCC0] =	vst v45  }
0x4e: {  	v51 =	vld [tilespmem:$0x10];
	[tilespmem:$0xCD0] =	vst v46  }
0x4f: {  	v52 =	vld [tilespmem:$0xF0];
	[tilespmem:$0xCE0] =	vst v47  }
0x50: {  	v53 =	vld [tilespmem:$0x1D0];
	[tilespmem:$0xCF0] =	vst v48  }
0x51: {  	v54 =	vld [tilespmem:$0x2B0];
	[tilespmem:$0xD00] =	vst v49  }
0x52: {  	v55 =	vld [tilespmem:$0x390];
	[tilespmem:$0xD10] =	vst v50  }
0x53: {  	v56 =	vld [tilespmem:$0x470];
	[tilespmem:$0xD20] =	vst v51  }
0x54: {  	v57 =	vld [tilespmem:$0x550];
	[tilespmem:$0xD30] =	vst v52  }
0x55: {  	v58 =	vld [tilespmem:$0x630];
	[tilespmem:$0xD40] =	vst v53  }
0x56: {  	v59 =	vld [tilespmem:$0x710];
	[tilespmem:$0xD50] =	vst v54  }
0x57: {  	v60 =	vld [tilespmem:$0x7F0];
	[tilespmem:$0xD60] =	vst v55  }
0x58: {  	v61 =	vld [tilespmem:$0x8D0];
	[tilespmem:$0xD70] =	vst v56  }
0x59: {  	v62 =	vld [tilespmem:$0x9B0];
	[tilespmem:$0xD80] =	vst v57  }
0x5a: {  	v63 =	vld [tilespmem:$0xA90];
	[tilespmem:$0xD90] =	vst v58  }
0x5b: {  	v8 =	vld [tilespmem:$0xB70];
	[tilespmem:$0xDA0] =	vst v59  }
0x5c: {  	v9 =	vld [tilespmem:$0x20];
	[tilespmem:$0xDB0] =	vst v60  }
0x5d: {  	v10 =	vld [tilespmem:$0x100];
	[tilespmem:$0xDC0] =	vst v61  }
0x5e: {  	v11 =	vld [tilespmem:$0x1E0];
	[tilespmem:$0xDD0] =	vst v62  }
0x5f: {  	v12 =	vld [tilespmem:$0x2C0];
	[tilespmem:$0xDE0] =	vst v63  }
0x60: {  	v13 =	vld [tilespmem:$0x3A0];
	[tilespmem:$0xDF0] =	vst v8  }
0x61: {  	v14 =	vld [tilespmem:$0x480];
	[tilespmem:$0xE00] =	vst v9  }
0x62: {  	[tilespmem:$0xE10] =	vst v10  }
0x63: {  	[tilespmem:$0xE20] =	vst v11  }
0x64: {  	[tilespmem:$0xE30] =	vst v12  }
0x65: {  	[tilespmem:$0xE40] =	vst v13  }
0x66: {  	[tilespmem:$0xE50] =	vst v14  }
0x67: {  	v15 =	vld [tilespmem:$0x560]  }
0x68: {  	v16 =	vld [tilespmem:$0x640]  }
0x69: {  	v17 =	vld [tilespmem:$0x720]  }
0x6a: {  	v3 =	vld [tilespmem:$0x800]  }
0x6b: {  	v18 =	vld [tilespmem:$0x8E0]  }
0x6c: {  	v19 =	vld [tilespmem:$0x9C0];
	[tilespmem:$0xE60] =	vst v15  }
0x6d: {  	v20 =	vld [tilespmem:$0xAA0];
	[tilespmem:$0xE70] =	vst v16  }
0x6e: {  	v21 =	vld [tilespmem:$0xB80];
	[tilespmem:$0xE80] =	vst v17  }
0x6f: {  	v22 =	vld [tilespmem:$0x30];
	[tilespmem:$0xE90] =	vst v3  }
0x70: {  	v23 =	vld [tilespmem:$0x110];
	[tilespmem:$0xEA0] =	vst v18  }
0x71: {  	v24 =	vld [tilespmem:$0x1F0];
	[tilespmem:$0xEB0] =	vst v19  }
0x72: {  	v25 =	vld [tilespmem:$0x2D0];
	[tilespmem:$0xEC0] =	vst v20  }
0x73: {  	v26 =	vld [tilespmem:$0x3B0];
	[tilespmem:$0xED0] =	vst v21  }
0x74: {  	v27 =	vld [tilespmem:$0x490];
	[tilespmem:$0xEE0] =	vst v22  }
0x75: {  	v28 =	vld [tilespmem:$0x570];
	[tilespmem:$0xEF0] =	vst v23  }
0x76: {  	v29 =	vld [tilespmem:$0x650];
	[tilespmem:$0xF00] =	vst v24  }
0x77: {  	v30 =	vld [tilespmem:$0x730];
	[tilespmem:$0xF10] =	vst v25  }
0x78: {  	v31 =	vld [tilespmem:$0x810];
	[tilespmem:$0xF20] =	vst v26  }
0x79: {  	v32 =	vld [tilespmem:$0x8F0];
	[tilespmem:$0xF30] =	vst v27  }
0x7a: {  	v33 =	vld [tilespmem:$0x9D0];
	[tilespmem:$0xF40] =	vst v28  }
0x7b: {  	v34 =	vld [tilespmem:$0xAB0];
	[tilespmem:$0xF50] =	vst v29  }
0x7c: {  	v35 =	vld [tilespmem:$0xB90];
	[tilespmem:$0xF60] =	vst v30  }
0x7d: {  	v36 =	vld [tilespmem:$0x40];
	[tilespmem:$0xF70] =	vst v31  }
0x7e: {  	v37 =	vld [tilespmem:$0x120];
	[tilespmem:$0xF80] =	vst v32  }
0x7f: {  	v38 =	vld [tilespmem:$0x200];
	[tilespmem:$0xF90] =	vst v33  }
0x80: {  	v39 =	vld [tilespmem:$0x2E0];
	[tilespmem:$0xFA0] =	vst v34  }
0x81: {  	v40 =	vld [tilespmem:$0x3C0];
	[tilespmem:$0xFB0] =	vst v35  }
0x82: {  	v41 =	vld [tilespmem:$0x4A0];
	[tilespmem:$0xFC0] =	vst v36  }
0x83: {  	v42 =	vld [tilespmem:$0x580];
	[tilespmem:$0xFD0] =	vst v37  }
0x84: {  	v43 =	vld [tilespmem:$0x660];
	[tilespmem:$0xFE0] =	vst v38  }
0x85: {  	v44 =	vld [tilespmem:$0x740];
	[tilespmem:$0xFF0] =	vst v39  }
0x86: {  	v45 =	vld [tilespmem:$0x820];
	[tilespmem:$0x1000] =	vst v40  }
0x87: {  	v46 =	vld [tilespmem:$0x900];
	[tilespmem:$0x1010] =	vst v41  }
0x88: {  	v47 =	vld [tilespmem:$0x9E0];
	[tilespmem:$0x1020] =	vst v42  }
0x89: {  	v48 =	vld [tilespmem:$0xAC0];
	[tilespmem:$0x1030] =	vst v43  }
0x8a: {  	v49 =	vld [tilespmem:$0xBA0];
	[tilespmem:$0x1040] =	vst v44  }
0x8b: {  	v50 =	vld [tilespmem:$0x50];
	[tilespmem:$0x1050] =	vst v45  }
0x8c: {  	v51 =	vld [tilespmem:$0x130];
	[tilespmem:$0x1060] =	vst v46  }
0x8d: {  	v52 =	vld [tilespmem:$0x210];
	[tilespmem:$0x1070] =	vst v47  }
0x8e: {  	v53 =	vld [tilespmem:$0x2F0];
	[tilespmem:$0x1080] =	vst v48  }
0x8f: {  	v54 =	vld [tilespmem:$0x3D0];
	[tilespmem:$0x1090] =	vst v49  }
0x90: {  	v55 =	vld [tilespmem:$0x4B0];
	[tilespmem:$0x10A0] =	vst v50  }
0x91: {  	v56 =	vld [tilespmem:$0x590];
	[tilespmem:$0x10B0] =	vst v51  }
0x92: {  	v57 =	vld [tilespmem:$0x670];
	[tilespmem:$0x10C0] =	vst v52  }
0x93: {  	v58 =	vld [tilespmem:$0x750];
	[tilespmem:$0x10D0] =	vst v53  }
0x94: {  	v59 =	vld [tilespmem:$0x830];
	[tilespmem:$0x10E0] =	vst v54  }
0x95: {  	v60 =	vld [tilespmem:$0x910];
	[tilespmem:$0x10F0] =	vst v55  }
0x96: {  	v61 =	vld [tilespmem:$0x9F0];
	[tilespmem:$0x1100] =	vst v56  }
0x97: {  	v62 =	vld [tilespmem:$0xAD0];
	[tilespmem:$0x1110] =	vst v57  }
0x98: {  	v63 =	vld [tilespmem:$0xBB0];
	[tilespmem:$0x1120] =	vst v58  }
0x99: {  	v8 =	vld [tilespmem:$0x60];
	[tilespmem:$0x1130] =	vst v59  }
0x9a: {  	v9 =	vld [tilespmem:$0x140];
	[tilespmem:$0x1140] =	vst v60  }
0x9b: {  	v10 =	vld [tilespmem:$0x220];
	[tilespmem:$0x1150] =	vst v61  }
0x9c: {  	v11 =	vld [tilespmem:$0x300];
	[tilespmem:$0x1160] =	vst v62  }
0x9d: {  	v12 =	vld [tilespmem:$0x3E0];
	[tilespmem:$0x1170] =	vst v63  }
0x9e: {  	v13 =	vld [tilespmem:$0x4C0];
	[tilespmem:$0x1180] =	vst v8  }
0x9f: {  	v14 =	vld [tilespmem:$0x5A0];
	[tilespmem:$0x1190] =	vst v9  }
0xa0: {  	[tilespmem:$0x11A0] =	vst v10;
	v15 =	vld [tilespmem:$0x680]  }
0xa1: {  	[tilespmem:$0x11B0] =	vst v11;
	v16 =	vld [tilespmem:$0x760]  }
0xa2: {  	[tilespmem:$0x11C0] =	vst v12;
	v17 =	vld [tilespmem:$0x840]  }
0xa3: {  	[tilespmem:$0x11D0] =	vst v13;
	v18 =	vld [tilespmem:$0x920]  }
0xa4: {  	[tilespmem:$0x11E0] =	vst v14;
	v19 =	vld [tilespmem:$0xA00]  }
0xa5: {  	v20 =	vld [tilespmem:$0xAE0];
	[tilespmem:$0x11F0] =	vst v15  }
0xa6: {  	v21 =	vld [tilespmem:$0xBC0];
	[tilespmem:$0x1200] =	vst v16  }
0xa7: {  	v22 =	vld [tilespmem:$0x70];
	[tilespmem:$0x1210] =	vst v17  }
0xa8: {  	v23 =	vld [tilespmem:$0x150];
	[tilespmem:$0x1220] =	vst v18  }
0xa9: {  	v24 =	vld [tilespmem:$0x230];
	[tilespmem:$0x1230] =	vst v19  }
0xaa: {  	v25 =	vld [tilespmem:$0x310];
	[tilespmem:$0x1240] =	vst v20  }
0xab: {  	v26 =	vld [tilespmem:$0x3F0];
	[tilespmem:$0x1250] =	vst v21  }
0xac: {  	v27 =	vld [tilespmem:$0x4D0];
	[tilespmem:$0x1260] =	vst v22  }
0xad: {  	v28 =	vld [tilespmem:$0x5B0];
	[tilespmem:$0x1270] =	vst v23  }
0xae: {  	v29 =	vld [tilespmem:$0x690];
	[tilespmem:$0x1280] =	vst v24  }
0xaf: {  	v30 =	vld [tilespmem:$0x770];
	[tilespmem:$0x1290] =	vst v25  }
0xb0: {  	v31 =	vld [tilespmem:$0x850];
	[tilespmem:$0x12A0] =	vst v26  }
0xb1: {  	v32 =	vld [tilespmem:$0x930];
	[tilespmem:$0x12B0] =	vst v27  }
0xb2: {  	v33 =	vld [tilespmem:$0xA10];
	[tilespmem:$0x12C0] =	vst v28  }
0xb3: {  	v34 =	vld [tilespmem:$0xAF0];
	[tilespmem:$0x12D0] =	vst v29  }
0xb4: {  	v35 =	vld [tilespmem:$0xBD0];
	[tilespmem:$0x12E0] =	vst v30  }
0xb5: {  	v36 =	vld [tilespmem:$0x80];
	[tilespmem:$0x12F0] =	vst v31  }
0xb6: {  	v37 =	vld [tilespmem:$0x160];
	[tilespmem:$0x1300] =	vst v32  }
0xb7: {  	v38 =	vld [tilespmem:$0x240];
	[tilespmem:$0x1310] =	vst v33  }
0xb8: {  	v39 =	vld [tilespmem:$0x320];
	[tilespmem:$0x1320] =	vst v34  }
0xb9: {  	v40 =	vld [tilespmem:$0x400];
	[tilespmem:$0x1330] =	vst v35  }
0xba: {  	v41 =	vld [tilespmem:$0x4E0];
	[tilespmem:$0x1340] =	vst v36  }
0xbb: {  	v42 =	vld [tilespmem:$0x5C0];
	[tilespmem:$0x1350] =	vst v37  }
0xbc: {  	v43 =	vld [tilespmem:$0x6A0];
	[tilespmem:$0x1360] =	vst v38  }
0xbd: {  	v44 =	vld [tilespmem:$0x780];
	[tilespmem:$0x1370] =	vst v39  }
0xbe: {  	v45 =	vld [tilespmem:$0x860];
	[tilespmem:$0x1380] =	vst v40  }
0xbf: {  	v46 =	vld [tilespmem:$0x940];
	[tilespmem:$0x1390] =	vst v41  }
0xc0: {  	v47 =	vld [tilespmem:$0xA20];
	[tilespmem:$0x13A0] =	vst v42  }
0xc1: {  	v48 =	vld [tilespmem:$0xB00];
	[tilespmem:$0x13B0] =	vst v43  }
0xc2: {  	v49 =	vld [tilespmem:$0xBE0];
	[tilespmem:$0x13C0] =	vst v44  }
0xc3: {  	v50 =	vld [tilespmem:$0x90];
	[tilespmem:$0x13D0] =	vst v45  }
0xc4: {  	v51 =	vld [tilespmem:$0x170];
	[tilespmem:$0x13E0] =	vst v46  }
0xc5: {  	v52 =	vld [tilespmem:$0x250];
	[tilespmem:$0x13F0] =	vst v47  }
0xc6: {  	v53 =	vld [tilespmem:$0x330];
	[tilespmem:$0x1400] =	vst v48  }
0xc7: {  	v54 =	vld [tilespmem:$0x410];
	[tilespmem:$0x1410] =	vst v49  }
0xc8: {  	v55 =	vld [tilespmem:$0x4F0];
	[tilespmem:$0x1420] =	vst v50  }
0xc9: {  	v56 =	vld [tilespmem:$0x5D0];
	[tilespmem:$0x1430] =	vst v51  }
0xca: {  	v57 =	vld [tilespmem:$0x6B0];
	[tilespmem:$0x1440] =	vst v52  }
0xcb: {  	v58 =	vld [tilespmem:$0x790];
	[tilespmem:$0x1450] =	vst v53  }
0xcc: {  	v59 =	vld [tilespmem:$0x870];
	[tilespmem:$0x1460] =	vst v54  }
0xcd: {  	v60 =	vld [tilespmem:$0x950];
	[tilespmem:$0x1470] =	vst v55  }
0xce: {  	v61 =	vld [tilespmem:$0xA30];
	[tilespmem:$0x1480] =	vst v56  }
0xcf: {  	v62 =	vld [tilespmem:$0xB10];
	[tilespmem:$0x1490] =	vst v57  }
0xd0: {  	v63 =	vld [tilespmem:$0xBF0];
	[tilespmem:$0x14A0] =	vst v58  }
0xd1: {  	v8 =	vld [tilespmem:$0xA0];
	[tilespmem:$0x14B0] =	vst v59  }
0xd2: {  	v9 =	vld [tilespmem:$0x180];
	[tilespmem:$0x14C0] =	vst v60  }
0xd3: {  	v10 =	vld [tilespmem:$0x260];
	[tilespmem:$0x14D0] =	vst v61  }
0xd4: {  	v11 =	vld [tilespmem:$0x340];
	[tilespmem:$0x14E0] =	vst v62  }
0xd5: {  	v12 =	vld [tilespmem:$0x420];
	[tilespmem:$0x14F0] =	vst v63  }
0xd6: {  	v13 =	vld [tilespmem:$0x500];
	[tilespmem:$0x1500] =	vst v8  }
0xd7: {  	v14 =	vld [tilespmem:$0x5E0];
	[tilespmem:$0x1510] =	vst v9  }
0xd8: {  	[tilespmem:$0x1520] =	vst v10;
	v15 =	vld [tilespmem:$0x6C0]  }
0xd9: {  	[tilespmem:$0x1530] =	vst v11;
	v16 =	vld [tilespmem:$0x7A0]  }
0xda: {  	[tilespmem:$0x1540] =	vst v12;
	v17 =	vld [tilespmem:$0x880]  }
0xdb: {  	[tilespmem:$0x1550] =	vst v13;
	v18 =	vld [tilespmem:$0x960]  }
0xdc: {  	[tilespmem:$0x1560] =	vst v14;
	v19 =	vld [tilespmem:$0xA40]  }
0xdd: {  	v20 =	vld [tilespmem:$0xB20];
	[tilespmem:$0x1570] =	vst v15  }
0xde: {  	v21 =	vld [tilespmem:$0xC00];
	[tilespmem:$0x1580] =	vst v16  }
0xdf: {  	v22 =	vld [tilespmem:$0xB0];
	[tilespmem:$0x1590] =	vst v17  }
0xe0: {  	v23 =	vld [tilespmem:$0x190];
	[tilespmem:$0x15A0] =	vst v18  }
0xe1: {  	v24 =	vld [tilespmem:$0x270];
	[tilespmem:$0x15B0] =	vst v19  }
0xe2: {  	v25 =	vld [tilespmem:$0x350];
	[tilespmem:$0x15C0] =	vst v20  }
0xe3: {  	v26 =	vld [tilespmem:$0x430];
	[tilespmem:$0x15D0] =	vst v21  }
0xe4: {  	v27 =	vld [tilespmem:$0x510];
	[tilespmem:$0x15E0] =	vst v22  }
0xe5: {  	v28 =	vld [tilespmem:$0x5F0];
	[tilespmem:$0x15F0] =	vst v23  }
0xe6: {  	v29 =	vld [tilespmem:$0x6D0];
	[tilespmem:$0x1600] =	vst v24  }
0xe7: {  	v30 =	vld [tilespmem:$0x7B0];
	[tilespmem:$0x1610] =	vst v25  }
0xe8: {  	v31 =	vld [tilespmem:$0x890];
	[tilespmem:$0x1620] =	vst v26  }
0xe9: {  	v32 =	vld [tilespmem:$0x970];
	[tilespmem:$0x1630] =	vst v27  }
0xea: {  	v33 =	vld [tilespmem:$0xA50];
	[tilespmem:$0x1640] =	vst v28  }
0xeb: {  	v34 =	vld [tilespmem:$0xB30];
	[tilespmem:$0x1650] =	vst v29  }
0xec: {  	v35 =	vld [tilespmem:$0xC10];
	[tilespmem:$0x1660] =	vst v30  }
0xed: {  	v36 =	vld [tilespmem:$0xC0];
	[tilespmem:$0x1670] =	vst v31  }
0xee: {  	v37 =	vld [tilespmem:$0x1A0];
	[tilespmem:$0x1680] =	vst v32  }
0xef: {  	v38 =	vld [tilespmem:$0x280];
	[tilespmem:$0x1690] =	vst v33  }
0xf0: {  	v39 =	vld [tilespmem:$0x360];
	[tilespmem:$0x16A0] =	vst v34  }
0xf1: {  	v40 =	vld [tilespmem:$0x440];
	[tilespmem:$0x16B0] =	vst v35  }
0xf2: {  	v41 =	vld [tilespmem:$0x520];
	[tilespmem:$0x16C0] =	vst v36  }
0xf3: {  	v42 =	vld [tilespmem:$0x600];
	[tilespmem:$0x16D0] =	vst v37  }
0xf4: {  	v43 =	vld [tilespmem:$0x6E0];
	[tilespmem:$0x16E0] =	vst v38  }
0xf5: {  	v44 =	vld [tilespmem:$0x7C0];
	[tilespmem:$0x16F0] =	vst v39  }
0xf6: {  	v45 =	vld [tilespmem:$0x8A0];
	[tilespmem:$0x1700] =	vst v40  }
0xf7: {  	v46 =	vld [tilespmem:$0x980];
	[tilespmem:$0x1710] =	vst v41  }
0xf8: {  	v47 =	vld [tilespmem:$0xA60];
	[tilespmem:$0x1720] =	vst v42  }
0xf9: {  	v48 =	vld [tilespmem:$0xB40];
	[tilespmem:$0x1730] =	vst v43  }
0xfa: {  	v49 =	vld [tilespmem:$0xC20];
	[tilespmem:$0x1740] =	vst v44  }
0xfb: {  	v50 =	vld [tilespmem:$0xD0];
	[tilespmem:$0x1750] =	vst v45  }
0xfc: {  	v51 =	vld [tilespmem:$0x1B0];
	[tilespmem:$0x1760] =	vst v46  }
0xfd: {  	v52 =	vld [tilespmem:$0x290];
	[tilespmem:$0x1770] =	vst v47  }
0xfe: {  	v53 =	vld [tilespmem:$0x370];
	[tilespmem:$0x1780] =	vst v48  }
0xff: {  	v54 =	vld [tilespmem:$0x450];
	[tilespmem:$0x1790] =	vst v49  }
0x100: {  	v55 =	vld [tilespmem:$0x530];
	[tilespmem:$0x17A0] =	vst v50  }
0x101: {  	v56 =	vld [tilespmem:$0x610];
	[tilespmem:$0x17B0] =	vst v51  }
0x102: {  	v57 =	vld [tilespmem:$0x6F0];
	[tilespmem:$0x17C0] =	vst v52  }
0x103: {  	v58 =	vld [tilespmem:$0x7D0];
	[tilespmem:$0x17D0] =	vst v53  }
0x104: {  	v59 =	vld [tilespmem:$0x8B0];
	[tilespmem:$0x17E0] =	vst v54  }
0x105: {  	v60 =	vld [tilespmem:$0x990];
	[tilespmem:$0x17F0] =	vst v55  }
0x106: {  	v61 =	vld [tilespmem:$0xA70];
	[tilespmem:$0x1800] =	vst v56  }
0x107: {  	v62 =	vld [tilespmem:$0xB50];
	[tilespmem:$0x1810] =	vst v57  }
0x108: {  	v63 =	vld [tilespmem:$0xC30];
	[tilespmem:$0x1820] =	vst v58  }
0x109: {  	[tilespmem:$0x1830] =	vst v59  }
0x10a: {  	[tilespmem:$0x1840] =	vst v60  }
0x10b: {  	s0 =	rddreg [dreg:$0x12];
	[tilespmem:$0x1850] =	vst v61  }
0x10c: {  	s3 =	rddreg [dreg:$0x13];
	[tilespmem:$0x1860] =	vst v62  }
0x10d: {  	s19 =	rddreg [dreg:$0x14];
	[tilespmem:$0x1870] =	vst v63  }
0x10e: {  	[tilespmem:s7], [sflag:$0x1] =	stream.indirect.gather [hbm4b:s2+s6], $0x10, s0, s6, $0xb8;
	[tilespmem:$0xDC80] =	vst v63  }
0x10f: {  	s0 =	rddreg [dreg:$0x15]  }
0x110: {  	[tilespmem:s19], [sflag:$0x1] =	stream.indirect.gather [hbm4b:s2+s6], $0x10, s3, s6, $0xb8;
	[tilespmem:$0xDC80] =	vst v63  }
0x111: {  	s3 =	rddreg [dreg:$0x16]  }
0x112: {  	s19 =	rddreg [dreg:$0x17]  }
0x113: {  	[tilespmem:s8], [sflag:$0x1] =	stream.indirect.gather [hbm4b:s2+s6], $0x10, s0, s6, $0xb8;
	[tilespmem:$0xDC80] =	vst v63  }
0x114: {  	s0 =	rddreg [dreg:$0x18]  }
0x115: {  	[tilespmem:s19], [sflag:$0x1] =	stream.indirect.gather [hbm4b:s2+s6], $0x10, s3, s6, $0xb8;
	[tilespmem:$0xDC80] =	vst v63  }
0x116: {  	s3 =	rddreg [dreg:$0x19]  }
0x117: {  	s19 =	rddreg [dreg:$0x1a]  }
0x118: {  	[tilespmem:s9], [sflag:$0x1] =	stream.indirect.gather [hbm4b:s2+s6], $0x10, s0, s6, $0xb8;
	[tilespmem:$0xDC80] =	vst v63  }
0x119: {  	s0 =	rddreg [dreg:$0x1b]  }
0x11a: {  	[tilespmem:s19], [sflag:$0x1] =	stream.indirect.gather [hbm4b:s2+s6], $0x10, s3, s6, $0xb8;
	[tilespmem:$0xDC80] =	vst v63  }
0x11b: {  	s3 =	rddreg [dreg:$0x1c]  }
0x11c: {  	s19 =	rddreg [dreg:$0x1d]  }
0x11d: {  	[tilespmem:s10], [sflag:$0x1] =	stream.indirect.gather [hbm4b:s2+s6], $0x10, s0, s6, $0xb8;
	[tilespmem:$0xDC80] =	vst v63  }
0x11e: {  	s0 =	rddreg [dreg:$0x1e]  }
0x11f: {  	[tilespmem:s19], [sflag:$0x1] =	stream.indirect.gather [hbm4b:s2+s6], $0x10, s3, s6, $0xb8;
	[tilespmem:$0xDC80] =	vst v63  }
0x120: {  	s3 =	rddreg [dreg:$0x1f]  }
0x121: {  	s19 =	sld [smem:$0x7E9]  }
0x122: {  	[tilespmem:s11], [sflag:$0x1] =	stream.indirect.gather [hbm4b:s2+s6], $0x10, s0, s6, $0xb8;
	[tilespmem:$0xDC80] =	vst v63  }
0x123: {  	s0 =	sld [smem:$0x7EA]  }
0x124: {  	[tilespmem:s19], [sflag:$0x1] =	stream.indirect.gather [hbm4b:s2+s6], $0x10, s3, s6, $0xb8;
	[tilespmem:$0xDC80] =	vst v63  }
0x125: {  	s3 =	sld [smem:$0x7EB]  }
0x126: {  	s19 =	sld [smem:$0x7EC]  }
0x127: {  	[tilespmem:s12], [sflag:$0x1] =	stream.indirect.gather [hbm4b:s2+s6], $0x10, s0, s6, $0xb8;
	[tilespmem:$0xDC80] =	vst v63  }
0x128: {  	s0 =	sld [smem:$0x7ED]  }
0x129: {  	[tilespmem:s19], [sflag:$0x1] =	stream.indirect.gather [hbm4b:s2+s6], $0x10, s3, s6, $0xb8;
	[tilespmem:$0xDC80] =	vst v63  }
0x12a: {  	s3 =	sld [smem:$0x7EE]  }
0x12b: {  	s19 =	sld [smem:$0x7EF]  }
0x12c: {  	[tilespmem:s13], [sflag:$0x1] =	stream.indirect.gather [hbm4b:s2+s6], $0x10, s0, s6, $0xb8;
	[tilespmem:$0xDC80] =	vst v63  }
0x12d: {  	s0 =	sld [smem:$0x7F0]  }
0x12e: {  	[tilespmem:s19], [sflag:$0x1] =	stream.indirect.gather [hbm4b:s2+s6], $0x10, s3, s6, $0xb8;
	[tilespmem:$0xDC80] =	vst v63  }
0x12f: {  	s3 =	sld [smem:$0x7F1]  }
0x130: {  	s19 =	sld [smem:$0x7F2]  }
0x131: {  	[tilespmem:s14], [sflag:$0x1] =	stream.indirect.gather [hbm4b:s2+s6], $0x10, s0, s6, $0xb8;
	[tilespmem:$0xDC80] =	vst v63  }
0x132: {  	s0 =	sld [smem:$0x7F3]  }
0x133: {  	[tilespmem:s19], [sflag:$0x1] =	stream.indirect.gather [hbm4b:s2+s6], $0x10, s3, s6, $0xb8;
	[tilespmem:$0xDC80] =	vst v63  }
0x134: {  	s3 =	sld [smem:$0x7F4]  }
0x135: {  	s19 =	sld [smem:$0x7F5]  }
0x136: {  	[tilespmem:s15], [sflag:$0x1] =	stream.indirect.gather [hbm4b:s2+s6], $0x10, s0, s6, $0xb8;
	[tilespmem:$0xDC80] =	vst v63  }
0x137: {  	s0 =	sld [smem:$0x7F6]  }
0x138: {  	[tilespmem:s19], [sflag:$0x1] =	stream.indirect.gather [hbm4b:s2+s6], $0x10, s3, s6, $0xb8;
	[tilespmem:$0xDC80] =	vst v63  }
0x139: {  	s3 =	sld [smem:$0x7F7]  }
0x13a: {  	s19 =	sld [smem:$0x7F8]  }
0x13b: {  	[tilespmem:s16], [sflag:$0x1] =	stream.indirect.gather [hbm4b:s2+s6], $0x10, s0, s6, $0xb8;
	[tilespmem:$0xDC80] =	vst v63  }
0x13c: {  	s0 =	sld [smem:$0x7F9]  }
0x13d: {  	[tilespmem:s19], [sflag:$0x1] =	stream.indirect.gather [hbm4b:s2+s6], $0x10, s3, s6, $0xb8;
	[tilespmem:$0xDC80] =	vst v63  }
0x13e: {  	s3 =	sld [smem:$0x7FA]  }
0x13f: {  	s19 =	sld [smem:$0x7FB]  }
0x140: {  	[tilespmem:s17], [sflag:$0x1] =	stream.indirect.gather [hbm4b:s2+s6], $0x10, s0, s6, $0xb8;
	[tilespmem:$0xDC80] =	vst v63  }
0x141: {  	s0 =	sld [smem:$0x7FC]  }
0x142: {  	[tilespmem:s19], [sflag:$0x1] =	stream.indirect.gather [hbm4b:s2+s6], $0x10, s3, s6, $0xb8;
	[tilespmem:$0xDC80] =	vst v63  }
0x143: {  	s3 =	sld [smem:$0x7FD]  }
0x144: {  	[tilespmem:s18], [sflag:$0x1] =	stream.indirect.gather [hbm4b:s2+s6], $0x10, s0, s6, $0xb8;
	[tilespmem:$0xDC80] =	vst v63  }
0x145: {  	s19 =	simm.s32 $0xB980  }
0x146: {  	[tilespmem:s19], [sflag:$0x1] =	stream.indirect.gather [hbm4b:s2+s6], $0x10, s3, s6, $0xb8;
	[tilespmem:$0xDC80] =	vst v63  }
0x147: {  	_ = 	snop  }
0x148: {  	[tilespmem:s21], [sflag:$0x1] =	stream.indirect.gather [hbm4b:s2+s6], $0x10, s20, s6, $0xb8;
	[tilespmem:$0xDC80] =	vst v63  }
0x149: {  	_ = 	snop  }
0x14a: {  	[tilespmem:s23], [sflag:$0x1] =	stream.indirect.gather [hbm4b:s2+s6], $0x10, s22, s6, $0xb8;
	[tilespmem:$0xDC80] =	vst v63  }
0x14b: {  	_ = 	snop  }
0x14c: {  	[tilespmem:s25], [sflag:$0x1] =	stream.indirect.gather [hbm4b:s2+s6], $0x10, s24, s6, $0xb8;
	[tilespmem:$0xDC80] =	vst v63  }
0x14d: {  	_ = 	snop  }
0x14e: {  	[tilespmem:s28], [sflag:$0x1] =	stream.indirect.gather [hbm4b:s2+s6], $0x10, s26, s6, $0xb8;
	[tilespmem:$0xDC80] =	vst v63  }
0x14f: {  	_ =	swait.ge [sflag:s29], $0x700  }
0x150: {  	[sflag:s29] =	ssyncset.done $0x0  }
0x151: {  	[sflag:s29] =	ssyncadd.s32 $0xFFFFF900  }
0x152: {  	_ =	swait.ge [sflag:s29], $0x700  }
0x153: {  	[sflag:s29] =	ssyncset.done $0x0  }
0x154: {  	[sflag:s29] =	ssyncadd.s32 $0xFFFFF900  }
0x155: {  	_ =	swait.ge [sflag:s29], $0x700  }
0x156: {  	[sflag:s29] =	ssyncset.done $0x0  }
0x157: {  	[sflag:s29] =	ssyncadd.s32 $0xFFFFF900  }
0x158: {  	_ =	swait.ge [sflag:s29], $0x700  }
0x159: {  	[sflag:s29] =	ssyncset.done $0x0  }
0x15a: {  	[sflag:s29] =	ssyncadd.s32 $0xFFFFF900  }
0x15b: {  	_ =	swait.ge [sflag:s29], $0x700  }
0x15c: {  	[sflag:s29] =	ssyncset.done $0x0  }
0x15d: {  	[sflag:s29] =	ssyncadd.s32 $0xFFFFF900  }
0x15e: {  	_ =	swait.ge [sflag:s29], $0x700  }
0x15f: {  	[sflag:s29] =	ssyncset.done $0x0  }
0x160: {  	[sflag:s29] =	ssyncadd.s32 $0xFFFFF900  }
0x161: {  	_ =	swait.ge [sflag:s29], $0x700  }
0x162: {  	[sflag:s29] =	ssyncset.done $0x0  }
0x163: {  	[sflag:s29] =	ssyncadd.s32 $0xFFFFF900  }
0x164: {  	_ =	swait.ge [sflag:s29], $0x700  }
0x165: {  	[sflag:s29] =	ssyncset.done $0x0  }
0x166: {  	[sflag:s29] =	ssyncadd.s32 $0xFFFFF900  }
0x167: {  	_ =	swait.ge [sflag:s29], $0x700  }
0x168: {  	[sflag:s29] =	ssyncset.done $0x0  }
0x169: {  	[sflag:s29] =	ssyncadd.s32 $0xFFFFF900  }
0x16a: {  	_ =	swait.ge [sflag:s29], $0x700  }
0x16b: {  	[sflag:s29] =	ssyncset.done $0x0  }
0x16c: {  	[sflag:s29] =	ssyncadd.s32 $0xFFFFF900  }
0x16d: {  	_ =	swait.ge [sflag:s29], $0x700  }
0x16e: {  	[sflag:s29] =	ssyncset.done $0x0  }
0x16f: {  	[sflag:s29] =	ssyncadd.s32 $0xFFFFF900  }
0x170: {  	_ =	swait.ge [sflag:s29], $0x700  }
0x171: {  	[sflag:s29] =	ssyncset.done $0x0  }
0x172: {  	[sflag:s29] =	ssyncadd.s32 $0xFFFFF900  }
0x173: {  	_ =	swait.ge [sflag:s29], $0x700  }
0x174: {  	[sflag:s29] =	ssyncset.done $0x0  }
0x175: {  	[sflag:s29] =	ssyncadd.s32 $0xFFFFF900  }
0x176: {  	_ =	swait.ge [sflag:s29], $0x700  }
0x177: {  	[sflag:s29] =	ssyncset.done $0x0  }
0x178: {  	[sflag:s29] =	ssyncadd.s32 $0xFFFFF900  }
0x179: {  	_ =	swait.ge [sflag:s29], $0x700  }
0x17a: {  	[sflag:s29] =	ssyncset.done $0x0  }
0x17b: {  	[sflag:s29] =	ssyncadd.s32 $0xFFFFF900  }
0x17c: {  	_ =	swait.ge [sflag:s29], $0x700  }
0x17d: {  	[sflag:s29] =	ssyncset.done $0x0  }
0x17e: {  	[sflag:s29] =	ssyncadd.s32 $0xFFFFF900  }
0x17f: {  	_ =	swait.ge [sflag:s29], $0x700  }
0x180: {  	[sflag:s29] =	ssyncset.done $0x0  }
0x181: {  	[sflag:s29] =	ssyncadd.s32 $0xFFFFF900  }
0x182: {  	_ =	swait.ge [sflag:s29], $0x700  }
0x183: {  	[sflag:s29] =	ssyncset.done $0x0  }
0x184: {  	[sflag:s29] =	ssyncadd.s32 $0xFFFFF900  }
0x185: {  	_ =	swait.ge [sflag:s29], $0x700  }
0x186: {  	[sflag:s29] =	ssyncset.done $0x0  }
0x187: {  	[sflag:s29] =	ssyncadd.s32 $0xFFFFF900  }
0x188: {  	_ =	swait.ge [sflag:s29], $0x700  }
0x189: {  	[sflag:s29] =	ssyncset.done $0x0  }
0x18a: {  	[sflag:s29] =	ssyncadd.s32 $0xFFFFF900  }
0x18b: {  	_ =	swait.ge [sflag:s29], $0x700  }
0x18c: {  	[sflag:s29] =	ssyncset.done $0x0  }
0x18d: {  	[sflag:s29] =	ssyncadd.s32 $0xFFFFF900  }
0x18e: {  	_ =	swait.ge [sflag:s29], $0x700  }
0x18f: {  	[sflag:s29] =	ssyncset.done $0x0  }
0x190: {  	[sflag:s29] =	ssyncadd.s32 $0xFFFFF900  }
0x191: {  	_ =	swait.ge [sflag:s29], $0x700  }
0x192: {  	[sflag:s29] =	ssyncset.done $0x0  }
0x193: {  	[sflag:s29] =	ssyncadd.s32 $0xFFFFF900  }
0x194: {  	_ =	swait.ge [sflag:s29], $0x700  }
0x195: {  	[sflag:s29] =	ssyncset.done $0x0  }
0x196: {  	[sflag:s29] =	ssyncadd.s32 $0xFFFFF900  }
0x197: {  	_ =	swait.ge [sflag:s29], $0x700  }
0x198: {  	[sflag:s29] =	ssyncset.done $0x0  }
0x199: {  	[sflag:s29] =	ssyncadd.s32 $0xFFFFF900  }
0x19a: {  	_ =	swait.ge [sflag:s29], $0x700  }
0x19b: {  	[sflag:s29] =	ssyncset.done $0x0  }
0x19c: {  	[sflag:s29] =	ssyncadd.s32 $0xFFFFF900  }
0x19d: {  	_ =	swait.ge [sflag:s29], $0x700  }
0x19e: {  	[sflag:s29] =	ssyncset.done $0x0  }
0x19f: {  	[sflag:s29] =	ssyncadd.s32 $0xFFFFF900  }
0x1a0: {  	_ =	swait.ge [sflag:s29], $0x700  }
0x1a1: {  	[sflag:s29] =	ssyncset.done $0x0  }
0x1a2: {  	s3 =	rddreg [dreg:$0x4];
	[sflag:s29] =	ssyncadd.s32 $0xFFFFF900  }
0x1a3: {  	[hbm4b:s3+s30] =	stream.strided.scatter [tilespmem:s7], [sflag:$0x2], $0xE00, s31, s30, $0x38;
	[tilespmem:$0xDC80] =	vst v63  }
0x1a4: {  	s19 =	rddreg [dreg:$0x5]  }
0x1a5: {  	[hbm4b:s19+s30] =	stream.strided.scatter [tilespmem:s8], [sflag:$0x2], $0xE00, s31, s30, $0x38;
	[tilespmem:$0xDC80] =	vst v63  }
0x1a6: {  	s0 =	rddreg [dreg:$0x6]  }
0x1a7: {  	[hbm4b:s0+s30] =	stream.strided.scatter [tilespmem:s9], [sflag:$0x2], $0xE00, s31, s30, $0x38;
	[tilespmem:$0xDC80] =	vst v63  }
0x1a8: {  	s19 =	rddreg [dreg:$0x7]  }
0x1a9: {  	[hbm4b:s19+s30] =	stream.strided.scatter [tilespmem:s10], [sflag:$0x2], $0xE00, s31, s30, $0x38;
	[tilespmem:$0xDC80] =	vst v63  }
0x1aa: {  	s0 =	rddreg [dreg:$0x8]  }
0x1ab: {  	[hbm4b:s0+s30] =	stream.strided.scatter [tilespmem:s11], [sflag:$0x2], $0xE00, s31, s30, $0x38;
	[tilespmem:$0xDC80] =	vst v63  }
0x1ac: {  	s19 =	rddreg [dreg:$0x9]  }
0x1ad: {  	[hbm4b:s19+s30] =	stream.strided.scatter [tilespmem:s12], [sflag:$0x2], $0xE00, s31, s30, $0x38;
	[tilespmem:$0xDC80] =	vst v63  }
0x1ae: {  	s0 =	rddreg [dreg:$0xa]  }
0x1af: {  	[hbm4b:s0+s30] =	stream.strided.scatter [tilespmem:s13], [sflag:$0x2], $0xE00, s31, s30, $0x38;
	[tilespmem:$0xDC80] =	vst v63  }
0x1b0: {  	s19 =	rddreg [dreg:$0xb]  }
0x1b1: {  	[hbm4b:s19+s30] =	stream.strided.scatter [tilespmem:s14], [sflag:$0x2], $0xE00, s31, s30, $0x38;
	[tilespmem:$0xDC80] =	vst v63  }
0x1b2: {  	s0 =	rddreg [dreg:$0xc]  }
0x1b3: {  	[hbm4b:s0+s30] =	stream.strided.scatter [tilespmem:s15], [sflag:$0x2], $0xE00, s31, s30, $0x38;
	[tilespmem:$0xDC80] =	vst v63  }
0x1b4: {  	s19 =	rddreg [dreg:$0xd]  }
0x1b5: {  	[hbm4b:s19+s30] =	stream.strided.scatter [tilespmem:s16], [sflag:$0x2], $0xE00, s31, s30, $0x38;
	[tilespmem:$0xDC80] =	vst v63  }
0x1b6: {  	s0 =	rddreg [dreg:$0xe]  }
0x1b7: {  	[hbm4b:s0+s30] =	stream.strided.scatter [tilespmem:s17], [sflag:$0x2], $0xE00, s31, s30, $0x38;
	[tilespmem:$0xDC80] =	vst v63  }
0x1b8: {  	s19 =	rddreg [dreg:$0xf]  }
0x1b9: {  	[hbm4b:s19+s30] =	stream.strided.scatter [tilespmem:s18], [sflag:$0x2], $0xE00, s31, s30, $0x38;
	[tilespmem:$0xDC80] =	vst v63  }
0x1ba: {  	s0 =	rddreg [dreg:$0x10]  }
0x1bb: {  	[hbm4b:s0+s30] =	stream.strided.scatter [tilespmem:s21], [sflag:$0x2], $0xE00, s31, s30, $0x38;
	[tilespmem:$0xDC80] =	vst v63  }
0x1bc: {  	s19 =	rddreg [dreg:$0x11]  }
0x1bd: {  	[hbm4b:s19+s30] =	stream.strided.scatter [tilespmem:s25], [sflag:$0x2], $0xE00, s31, s30, $0x38;
	[tilespmem:$0xDC80] =	vst v63  }
0x1be: {  	_ =	swait.ge [sflag:s1], $0xE00  }
0x1bf: {  	[sflag:s1] =	ssyncset.done $0x0  }
0x1c0: {  	[sflag:s1] =	ssyncadd.s32 $0xFFFFF200  }
0x1c1: {  	_ =	swait.ge [sflag:s1], $0xE00  }
0x1c2: {  	[sflag:s1] =	ssyncset.done $0x0  }
0x1c3: {  	[sflag:s1] =	ssyncadd.s32 $0xFFFFF200  }
0x1c4: {  	_ =	swait.ge [sflag:s1], $0xE00  }
0x1c5: {  	[sflag:s1] =	ssyncset.done $0x0  }
0x1c6: {  	[sflag:s1] =	ssyncadd.s32 $0xFFFFF200  }
0x1c7: {  	_ =	swait.ge [sflag:s1], $0xE00  }
0x1c8: {  	[sflag:s1] =	ssyncset.done $0x0  }
0x1c9: {  	[sflag:s1] =	ssyncadd.s32 $0xFFFFF200  }
0x1ca: {  	_ =	swait.ge [sflag:s1], $0xE00  }
0x1cb: {  	[sflag:s1] =	ssyncset.done $0x0  }
0x1cc: {  	[sflag:s1] =	ssyncadd.s32 $0xFFFFF200  }
0x1cd: {  	_ =	swait.ge [sflag:s1], $0xE00  }
0x1ce: {  	[sflag:s1] =	ssyncset.done $0x0  }
0x1cf: {  	[sflag:s1] =	ssyncadd.s32 $0xFFFFF200  }
0x1d0: {  	_ =	swait.ge [sflag:s1], $0xE00  }
0x1d1: {  	[sflag:s1] =	ssyncset.done $0x0  }
0x1d2: {  	[sflag:s1] =	ssyncadd.s32 $0xFFFFF200  }
0x1d3: {  	_ =	swait.ge [sflag:s1], $0xE00  }
0x1d4: {  	[sflag:s1] =	ssyncset.done $0x0  }
0x1d5: {  	[sflag:s1] =	ssyncadd.s32 $0xFFFFF200  }
0x1d6: {  	_ =	swait.ge [sflag:s1], $0xE00  }
0x1d7: {  	[sflag:s1] =	ssyncset.done $0x0  }
0x1d8: {  	[sflag:s1] =	ssyncadd.s32 $0xFFFFF200  }
0x1d9: {  	_ =	swait.ge [sflag:s1], $0xE00  }
0x1da: {  	[sflag:s1] =	ssyncset.done $0x0  }
0x1db: {  	[sflag:s1] =	ssyncadd.s32 $0xFFFFF200  }
0x1dc: {  	_ =	swait.ge [sflag:s1], $0xE00  }
0x1dd: {  	[sflag:s1] =	ssyncset.done $0x0  }
0x1de: {  	[sflag:s1] =	ssyncadd.s32 $0xFFFFF200  }
0x1df: {  	_ =	swait.ge [sflag:s1], $0xE00  }
0x1e0: {  	[sflag:s1] =	ssyncset.done $0x0  }
0x1e1: {  	[sflag:s1] =	ssyncadd.s32 $0xFFFFF200  }
0x1e2: {  	p0 =	sne.s32 s4, $0x1;
	_ =	swait.ge [sflag:s1], $0xE00  }
.Ltmp0:
0x1e3: {  	[sflag:s1] =	ssyncset.done $0x0;
	(pc) =	sbr.rel @p0 .LBB2_1-.Ltmp0, $4  }
0x1e4: {  	[sflag:s1] =	ssyncadd.s32 $0xFFFFF200  }
0x1e5: {  	_ =	swait.ge [sflag:s1], $0xE00  }
0x1e6: {  	[sflag:s1] =	ssyncset.done $0x0  }
0x1e7: {  	s4 =	sadd.s32 $0xFFFFFFFF, s4;
	[sflag:s1] =	ssyncadd.s32 $0xFFFFF200  }
0x1e8: {  	_ =	sfence.sel $0x180000  }
0x1e9: {  	[bflag:$0x0] =	sbarrier.arrive $0xFFFF  }
0x1ea: {  	_ =	strace $0x90000047  }
0x1eb: {  	s0 =	stileid.u32;
	[bflag:$0x2] =	sbarrier.arrive $0xFFFF  }
0x1ec: {  	p0 =	sne.s32 s0, $0x0;
	s0 =	rddreg [dreg:$0x2]  }
0x1ed: {  	s0 =	sadd.s32 @!p0 $0x100000, s0  }
0x1ee: {  	[sflag:s0] =	ssyncadd.tile.s32 @!p0 $0x1;
	_ =	shalt  }
.Lfunc_end2:
_tile_overlayer_lowered:
.L_overlay_start_2:
0x1ef: {  	(tag) =	ssettag $0x2  }
0x1f0: {  	s0 =	rddreg [dreg:$0x0];
	s2 =	stileid.u32  }
0x1f1: {  	s1 =	rddreg [dreg:$0x1];
	p0 =	sne.s32 s2, $0x0  }
0x1f2: {  	s3 =	rddreg [dreg:$0x2];
	[bflag:$0x3] =	sbarrier.arrive $0xFFFF;
	s2 =	simm.s32 @!p0 $0x1C03  }
0x1f3: {  	[timem:s3], [sflag:s2] =	dma.local @!p0 [hbm:s0], s1  }
0x1f4: {  	s0 =	simm.s32 @!p0 $0x3  }
0x1f5: {  	_ =	swait.ge @!p0 [sflag:s0], s1  }
0x1f6: {  	s1 =	ssub.s32 @!p0 $0x0, s1;
	[sflag:s0] =	ssyncset.done @!p0 $0x0  }
0x1f7: {  	[sflag:s0] =	ssyncadd.s32 @!p0 s1  }
0x1f8: {  	[bflag:$0x3] =	sbarrier.arrive $0xFFFF  }
0x1f9: {  	_ =	shalt  }

</sc_bundles>
